<compile_context>
chip_gen: v7x
topology: tpu7x:2x2x1
jax: 0.10.2.dev20260603
libtpu: 0.0.44.dev20260713+nightly
codegen_flags: <defaults>
</compile_context>

<pallas_src>
import functools

import jax
import jax.numpy as jnp
from jax import lax
from jax.experimental import pallas as pl
from jax.experimental.pallas import tpu as pltpu
from jax.experimental.pallas import tpu_sc as plsc

B = 320000
D = 128
ROWS = 10000
NC = 2
NS = 16
NW = NC * NS
EPW = B // NW
C = 80
NCHUNK = EPW // C
RPS = 624
MASK_HI = -65536


@functools.partial(
    pl.kernel,
    out_type=jax.ShapeDtypeStruct((B,), jnp.float32),
    mesh=plsc.VectorSubcoreMesh(core_axis_name="c", subcore_axis_name="s"),
    compiler_params=pltpu.CompilerParams(needs_layout_passes=False,
                                         use_tc_tiling_on_sc=False),
    scratch_types=[
        pltpu.VMEM_SHARED((ROWS, D), jnp.bfloat16),
        pltpu.VMEM_SHARED((ROWS, D), jnp.bfloat16),
        pltpu.VMEM((C,), jnp.int32),
        pltpu.VMEM((C,), jnp.int32),
        pltpu.VMEM((C,), jnp.int32),
        pltpu.VMEM((C,), jnp.int32),
        pltpu.VMEM((C,), jnp.int32),
        pltpu.VMEM((C,), jnp.int32),
        pltpu.VMEM((C, D), jnp.bfloat16),
        pltpu.VMEM((C, D), jnp.bfloat16),
        pltpu.VMEM((C, D), jnp.bfloat16),
        pltpu.VMEM((C, D), jnp.bfloat16),
        pltpu.VMEM((C, D), jnp.bfloat16),
        pltpu.VMEM((C, D), jnp.bfloat16),
        pltpu.VMEM((EPW,), jnp.float32),
        pltpu.SemaphoreType.DMA,
        pltpu.SemaphoreType.DMA,
        pltpu.SemaphoreType.DMA,
        pltpu.SemaphoreType.DMA,
        pltpu.SemaphoreType.DMA,
        pltpu.SemaphoreType.DMA,
    ],
)
def _edge_dot(u_hbm, r_hbm, src_hbm, dst_hbm, out_hbm,
              tab_u, tab_r, isu0, isd0, isu1, isd1, isu2, isd2,
              ru0, rr0, ru1, rr1, ru2, rr2, out_v,
              semi0, semi1, semi2, semg0, semg1, semg2):
    c = lax.axis_index("c")
    s = lax.axis_index("s")
    wid = s * NC + c

    rb = s * RPS
    pltpu.sync_copy(u_hbm.at[pl.ds(rb, RPS)], tab_u.at[pl.ds(rb, RPS)])
    pltpu.sync_copy(r_hbm.at[pl.ds(rb, RPS)], tab_r.at[pl.ds(rb, RPS)])
    tail = NS * RPS

    @pl.when(s == NS - 1)
    def _():
        pltpu.sync_copy(u_hbm.at[pl.ds(tail, ROWS - tail)],
                        tab_u.at[pl.ds(tail, ROWS - tail)])
        pltpu.sync_copy(r_hbm.at[pl.ds(tail, ROWS - tail)],
                        tab_r.at[pl.ds(tail, ROWS - tail)])

    base = wid * EPW
    plsc.subcore_barrier()

    def idx_copies(g, isu, isd, sem):
        u = pltpu.make_async_copy(src_hbm.at[pl.ds(base + g * C, C)], isu, sem)
        r = pltpu.make_async_copy(dst_hbm.at[pl.ds(base + g * C, C)], isd, sem)
        return u, r

    def gathers(isu, isd, ru, rr, sem):
        u = pltpu.make_async_copy(tab_u.at[isu], ru, sem)
        r = pltpu.make_async_copy(tab_r.at[isd], rr, sem)
        return u, r

    def start(mk, *a):
        u, r = mk(*a)
        u.start()
        r.start()

    def finish(mk, *a):
        u, r = mk(*a)
        u.wait()
        r.wait()

    def compute(g, ru, rr):
        off = g * C

        @pl.loop(0, C // 16)
        def _grp(g2):
            lane = lax.iota(jnp.int32, 16)

            @pl.loop(0, 16, init_carry=jnp.zeros((16,), jnp.float32), unroll=4)
            def res(j, r):
                e = g2 * 16 + j
                ps = []
                for k in range(D // 32):
                    u = ru[e, pl.ds(k * 32, 32)]
                    v = rr[e, pl.ds(k * 32, 32)]
                    pi = plsc.bitcast(u * v, jnp.int32)
                    ps.append(plsc.bitcast(lax.shift_left(pi, 16), jnp.float32))
                    ps.append(plsc.bitcast(pi & MASK_HI, jnp.float32))
                while len(ps) > 1:
                    ps = [ps[i] + ps[i + 1] for i in range(0, len(ps), 2)]
                return jnp.where(lane == j, jnp.sum(ps[0]), r)

            out_v[pl.ds(off + g2 * 16, 16)] = res

    sets = ((isu0, isd0, ru0, rr0, semi0, semg0),
            (isu1, isd1, ru1, rr1, semi1, semg1),
            (isu2, isd2, ru2, rr2, semi2, semg2))

    for t in range(3):
        isu, isd, ru, rr, semi, semg = sets[t]
        start(idx_copies, t, isu, isd, semi)
    for t in range(3):
        isu, isd, ru, rr, semi, semg = sets[t]
        finish(idx_copies, t, isu, isd, semi)
        start(gathers, isu, isd, ru, rr, semg)

    @pl.loop(0, NCHUNK + (3 - NCHUNK % 3) % 3, step=3)
    def _g(g):
        for t in range(3):
            isu, isd, ru, rr, semi, semg = sets[t]
            cg = g + t

            def slot(cg=cg, isu=isu, isd=isd, ru=ru, rr=rr,
                     semi=semi, semg=semg):
                finish(gathers, isu, isd, ru, rr, semg)

                @pl.when(cg + 3 < NCHUNK)
                def _():
                    start(idx_copies, cg + 3, isu, isd, semi)

                compute(cg, ru, rr)

                @pl.when(cg + 3 < NCHUNK)
                def _():
                    finish(idx_copies, cg + 3, isu, isd, semi)
                    start(gathers, isu, isd, ru, rr, semg)

            if True:
                @pl.when(cg < NCHUNK)
                def _():
                    slot()

    pltpu.sync_copy(out_v, out_hbm.at[pl.ds(base, EPW)])


def kernel(x_user, x_recipe, edge_label_index):
    src = edge_label_index[0].astype(jnp.int32)
    dst = edge_label_index[1].astype(jnp.int32)
    u_bf = x_user.astype(jnp.bfloat16)
    r_bf = x_recipe.astype(jnp.bfloat16)
    return _edge_dot(u_bf, r_bf, src, dst)

# --- scband reference (transcript-rebuilt; emitter-appended) ---
"""Pipeline reference for scband-classifier-72773925863661 (READ-ONLY COPY).

The authoritative reference and input builder live on the scoring server;
editing this copy changes nothing except your own understanding.
"""

import jax, jax.numpy as jnp
import numpy as np


def setup_inputs(seed: int = 0) -> dict:
    key = jax.random.key(seed)
    k1, k2, k3 = jax.random.split(key, 3)
    x_user = jax.random.normal(k1, (10000, 128), dtype=jnp.float32)
    x_recipe = jax.random.normal(k2, (10000, 128), dtype=jnp.float32)
    edge_label_index = jax.random.randint(k3, (2, 320000), 0, 10000, dtype=jnp.int64 if jax.config.jax_enable_x64 else jnp.int32)
    return {"x_user": x_user, "x_recipe": x_recipe, "edge_label_index": edge_label_index}


def reference(x_user, x_recipe, edge_label_index):
    # gather per-edge node features (SparseCore gather)
    edge_feat_user = jnp.take(x_user, edge_label_index[0], axis=0)
    edge_feat_recipe = jnp.take(x_recipe, edge_label_index[1], axis=0)
    # elementwise product + reduce over feature dim -> per-edge dot product score
    return (edge_feat_user * edge_feat_recipe).sum(axis=-1)

if __name__ == "__main__":
    import jax
    _d = setup_inputs()
    print(jax.jit(kernel)(*tuple(_d.values())))

</pallas_src>

<mosaic_0001>
#map = affine_map<(d0, d1) -> (0, 0)>
#map1 = affine_map<(d0, d1) -> (0)>
module attributes {stable_mosaic.version = 14 : i64} {
  func.func @_edge_dot(%arg0: i32, %arg1: i32, %arg2: memref<10000x128xbf16, #tpu.memory_space<hbm>>, %arg3: memref<10000x128xbf16, #tpu.memory_space<hbm>>, %arg4: memref<320000xi32, #tpu.memory_space<hbm>>, %arg5: memref<320000xi32, #tpu.memory_space<hbm>>, %arg6: memref<320000xf32, #tpu.memory_space<hbm>>, %arg7: memref<10000x128xbf16, #tpu.memory_space<vmem_shared>>, %arg8: memref<10000x128xbf16, #tpu.memory_space<vmem_shared>>, %arg9: memref<80xi32, #tpu.memory_space<vmem>>, %arg10: memref<80xi32, #tpu.memory_space<vmem>>, %arg11: memref<80xi32, #tpu.memory_space<vmem>>, %arg12: memref<80xi32, #tpu.memory_space<vmem>>, %arg13: memref<80xi32, #tpu.memory_space<vmem>>, %arg14: memref<80xi32, #tpu.memory_space<vmem>>, %arg15: memref<80x128xbf16, #tpu.memory_space<vmem>>, %arg16: memref<80x128xbf16, #tpu.memory_space<vmem>>, %arg17: memref<80x128xbf16, #tpu.memory_space<vmem>>, %arg18: memref<80x128xbf16, #tpu.memory_space<vmem>>, %arg19: memref<80x128xbf16, #tpu.memory_space<vmem>>, %arg20: memref<80x128xbf16, #tpu.memory_space<vmem>>, %arg21: memref<10000xf32, #tpu.memory_space<vmem>>, %arg22: memref<!tpu.dma_semaphore, #tpu.memory_space<semaphore_mem>>, %arg23: memref<!tpu.dma_semaphore, #tpu.memory_space<semaphore_mem>>, %arg24: memref<!tpu.dma_semaphore, #tpu.memory_space<semaphore_mem>>, %arg25: memref<!tpu.dma_semaphore, #tpu.memory_space<semaphore_mem>>, %arg26: memref<!tpu.dma_semaphore, #tpu.memory_space<semaphore_mem>>, %arg27: memref<!tpu.dma_semaphore, #tpu.memory_space<semaphore_mem>>) attributes {dimension_semantics = [#tpu.dimension_semantics<core_parallel>, #tpu.dimension_semantics<subcore_parallel>], iteration_bounds = array<i64: 2, 16>, scalar_prefetch = 0 : i64, scratch_operands = 21 : i64, tpu.core_type = #tpu.core_type<sc_vector_subcore>, window_params = [{transform_indices = #map}, {transform_indices = #map}, {transform_indices = #map1}, {transform_indices = #map1}, {transform_indices = #map1}]} {
    %mul3A = arith.constant 2 : i32
    %mul3A_0 = arith.muli %arg1, %mul3A : i32
    %add3A = arith.addi %mul3A_0, %arg0 : i32
    %mul3A_1 = arith.constant 624 : i32
    %mul3A_2 = arith.muli %arg1, %mul3A_1 : i32
    "tpu.region"() ({
      %run_scoped3A = tpu.sem_alloc : memref<!tpu.dma_semaphore, #tpu.memory_space<semaphore_mem>>
      %dma_start3A_75 = arith.constant 0 : i32
      %dma_start3A_76 = tpu.memref_slice %arg7[%mul3A_2, %dma_start3A_75] : memref<10000x128xbf16, #tpu.memory_space<vmem_shared>> -> memref<624x128xbf16, #tpu.memory_space<vmem_shared>>
      %dma_start3A_77 = arith.constant 0 : i32
      %dma_start3A_78 = tpu.memref_slice %arg2[%mul3A_2, %dma_start3A_77] : memref<10000x128xbf16, #tpu.memory_space<hbm>> -> memref<624x128xbf16, #tpu.memory_space<hbm>>
      tpu.enqueue_dma source(%dma_start3A_78 : memref<624x128xbf16, #tpu.memory_space<hbm>>) target(%dma_start3A_76 : memref<624x128xbf16, #tpu.memory_space<vmem_shared>>) target_semaphore(%run_scoped3A : memref<!tpu.dma_semaphore, #tpu.memory_space<semaphore_mem>>)
      %dma_wait3A_79 = arith.constant 0 : i32
      %dma_wait3A_80 = tpu.memref_slice %arg7[%mul3A_2, %dma_wait3A_79] : memref<10000x128xbf16, #tpu.memory_space<vmem_shared>> -> memref<624x128xbf16, #tpu.memory_space<vmem_shared>>
      %dma_wait3A_81 = arith.constant 0 : i32
      %dma_wait3A_82 = tpu.memref_slice %arg2[%mul3A_2, %dma_wait3A_81] : memref<10000x128xbf16, #tpu.memory_space<hbm>> -> memref<624x128xbf16, #tpu.memory_space<hbm>>
      tpu.wait_dma2 semaphore(%run_scoped3A : memref<!tpu.dma_semaphore, #tpu.memory_space<semaphore_mem>>) src(%dma_wait3A_82 : memref<624x128xbf16, #tpu.memory_space<hbm>>) dst(%dma_wait3A_80 : memref<624x128xbf16, #tpu.memory_space<vmem_shared>>)
      tpu.yield
    }) : () -> ()
    "tpu.region"() ({
      %run_scoped3A = tpu.sem_alloc : memref<!tpu.dma_semaphore, #tpu.memory_space<semaphore_mem>>
      %dma_start3A_75 = arith.constant 0 : i32
      %dma_start3A_76 = tpu.memref_slice %arg8[%mul3A_2, %dma_start3A_75] : memref<10000x128xbf16, #tpu.memory_space<vmem_shared>> -> memref<624x128xbf16, #tpu.memory_space<vmem_shared>>
      %dma_start3A_77 = arith.constant 0 : i32
      %dma_start3A_78 = tpu.memref_slice %arg3[%mul3A_2, %dma_start3A_77] : memref<10000x128xbf16, #tpu.memory_space<hbm>> -> memref<624x128xbf16, #tpu.memory_space<hbm>>
      tpu.enqueue_dma source(%dma_start3A_78 : memref<624x128xbf16, #tpu.memory_space<hbm>>) target(%dma_start3A_76 : memref<624x128xbf16, #tpu.memory_space<vmem_shared>>) target_semaphore(%run_scoped3A : memref<!tpu.dma_semaphore, #tpu.memory_space<semaphore_mem>>)
      %dma_wait3A_79 = arith.constant 0 : i32
      %dma_wait3A_80 = tpu.memref_slice %arg8[%mul3A_2, %dma_wait3A_79] : memref<10000x128xbf16, #tpu.memory_space<vmem_shared>> -> memref<624x128xbf16, #tpu.memory_space<vmem_shared>>
      %dma_wait3A_81 = arith.constant 0 : i32
      %dma_wait3A_82 = tpu.memref_slice %arg3[%mul3A_2, %dma_wait3A_81] : memref<10000x128xbf16, #tpu.memory_space<hbm>> -> memref<624x128xbf16, #tpu.memory_space<hbm>>
      tpu.wait_dma2 semaphore(%run_scoped3A : memref<!tpu.dma_semaphore, #tpu.memory_space<semaphore_mem>>) src(%dma_wait3A_82 : memref<624x128xbf16, #tpu.memory_space<hbm>>) dst(%dma_wait3A_80 : memref<624x128xbf16, #tpu.memory_space<vmem_shared>>)
      tpu.yield
    }) : () -> ()
    %eq3A = arith.constant 15 : i32
    %eq3A_3 = arith.cmpi eq, %arg1, %eq3A : i32
    %convert_element_type3A = arith.extui %eq3A_3 : i1 to i32
    %cond3A = arith.constant 0 : i32
    %cond3A_4 = arith.cmpi ne, %convert_element_type3A, %cond3A : i32
    scf.if %cond3A_4 {
      "tpu.region"() ({
        %run_scoped3A = tpu.sem_alloc : memref<!tpu.dma_semaphore, #tpu.memory_space<semaphore_mem>>
        %dma_start3A_75 = arith.constant 9984 : i32
        %dma_start3A_76 = arith.constant 0 : i32
        %dma_start3A_77 = tpu.memref_slice %arg7[%dma_start3A_75, %dma_start3A_76] : memref<10000x128xbf16, #tpu.memory_space<vmem_shared>> -> memref<16x128xbf16, #tpu.memory_space<vmem_shared>>
        %dma_start3A_78 = arith.constant 9984 : i32
        %dma_start3A_79 = arith.constant 0 : i32
        %dma_start3A_80 = tpu.memref_slice %arg2[%dma_start3A_78, %dma_start3A_79] : memref<10000x128xbf16, #tpu.memory_space<hbm>> -> memref<16x128xbf16, #tpu.memory_space<hbm>>
        tpu.enqueue_dma source(%dma_start3A_80 : memref<16x128xbf16, #tpu.memory_space<hbm>>) target(%dma_start3A_77 : memref<16x128xbf16, #tpu.memory_space<vmem_shared>>) target_semaphore(%run_scoped3A : memref<!tpu.dma_semaphore, #tpu.memory_space<semaphore_mem>>)
        %dma_wait3A_81 = arith.constant 9984 : i32
        %dma_wait3A_82 = arith.constant 0 : i32
        %dma_wait3A_83 = tpu.memref_slice %arg7[%dma_wait3A_81, %dma_wait3A_82] : memref<10000x128xbf16, #tpu.memory_space<vmem_shared>> -> memref<16x128xbf16, #tpu.memory_space<vmem_shared>>
        %dma_wait3A_84 = arith.constant 9984 : i32
        %dma_wait3A_85 = arith.constant 0 : i32
        %dma_wait3A_86 = tpu.memref_slice %arg2[%dma_wait3A_84, %dma_wait3A_85] : memref<10000x128xbf16, #tpu.memory_space<hbm>> -> memref<16x128xbf16, #tpu.memory_space<hbm>>
        tpu.wait_dma2 semaphore(%run_scoped3A : memref<!tpu.dma_semaphore, #tpu.memory_space<semaphore_mem>>) src(%dma_wait3A_86 : memref<16x128xbf16, #tpu.memory_space<hbm>>) dst(%dma_wait3A_83 : memref<16x128xbf16, #tpu.memory_space<vmem_shared>>)
        tpu.yield
      }) : () -> ()
      "tpu.region"() ({
        %run_scoped3A = tpu.sem_alloc : memref<!tpu.dma_semaphore, #tpu.memory_space<semaphore_mem>>
        %dma_start3A_75 = arith.constant 9984 : i32
        %dma_start3A_76 = arith.constant 0 : i32
        %dma_start3A_77 = tpu.memref_slice %arg8[%dma_start3A_75, %dma_start3A_76] : memref<10000x128xbf16, #tpu.memory_space<vmem_shared>> -> memref<16x128xbf16, #tpu.memory_space<vmem_shared>>
        %dma_start3A_78 = arith.constant 9984 : i32
        %dma_start3A_79 = arith.constant 0 : i32
        %dma_start3A_80 = tpu.memref_slice %arg3[%dma_start3A_78, %dma_start3A_79] : memref<10000x128xbf16, #tpu.memory_space<hbm>> -> memref<16x128xbf16, #tpu.memory_space<hbm>>
        tpu.enqueue_dma source(%dma_start3A_80 : memref<16x128xbf16, #tpu.memory_space<hbm>>) target(%dma_start3A_77 : memref<16x128xbf16, #tpu.memory_space<vmem_shared>>) target_semaphore(%run_scoped3A : memref<!tpu.dma_semaphore, #tpu.memory_space<semaphore_mem>>)
        %dma_wait3A_81 = arith.constant 9984 : i32
        %dma_wait3A_82 = arith.constant 0 : i32
        %dma_wait3A_83 = tpu.memref_slice %arg8[%dma_wait3A_81, %dma_wait3A_82] : memref<10000x128xbf16, #tpu.memory_space<vmem_shared>> -> memref<16x128xbf16, #tpu.memory_space<vmem_shared>>
        %dma_wait3A_84 = arith.constant 9984 : i32
        %dma_wait3A_85 = arith.constant 0 : i32
        %dma_wait3A_86 = tpu.memref_slice %arg3[%dma_wait3A_84, %dma_wait3A_85] : memref<10000x128xbf16, #tpu.memory_space<hbm>> -> memref<16x128xbf16, #tpu.memory_space<hbm>>
        tpu.wait_dma2 semaphore(%run_scoped3A : memref<!tpu.dma_semaphore, #tpu.memory_space<semaphore_mem>>) src(%dma_wait3A_86 : memref<16x128xbf16, #tpu.memory_space<hbm>>) dst(%dma_wait3A_83 : memref<16x128xbf16, #tpu.memory_space<vmem_shared>>)
        tpu.yield
      }) : () -> ()
    } else {
    }
    %mul3A_5 = arith.constant 10000 : i32
    %mul3A_6 = arith.muli %add3A, %mul3A_5 : i32
    %barrier3A = arith.constant 0 : index
    tpu.barrier barrier_id(%barrier3A)
    %add3A_7 = arith.constant 0 : i32
    %add3A_8 = arith.addi %mul3A_6, %add3A_7 : i32
    %add3A_9 = arith.constant 0 : i32
    %add3A_10 = arith.addi %mul3A_6, %add3A_9 : i32
    %dma_start3A = tpu.memref_slice %arg4[%add3A_8] : memref<320000xi32, #tpu.memory_space<hbm>> -> memref<80xi32, #tpu.memory_space<hbm>>
    %dma_start3A_11 = tpu.memref_slice %arg4[%add3A_8] : memref<320000xi32, #tpu.memory_space<hbm>> -> memref<80xi32, #tpu.memory_space<hbm>>
    tpu.enqueue_dma source(%dma_start3A_11 : memref<80xi32, #tpu.memory_space<hbm>>) target(%arg9 : memref<80xi32, #tpu.memory_space<vmem>>) target_semaphore(%arg22 : memref<!tpu.dma_semaphore, #tpu.memory_space<semaphore_mem>>)
    %dma_start3A_12 = tpu.memref_slice %arg5[%add3A_10] : memref<320000xi32, #tpu.memory_space<hbm>> -> memref<80xi32, #tpu.memory_space<hbm>>
    %dma_start3A_13 = tpu.memref_slice %arg5[%add3A_10] : memref<320000xi32, #tpu.memory_space<hbm>> -> memref<80xi32, #tpu.memory_space<hbm>>
    tpu.enqueue_dma source(%dma_start3A_13 : memref<80xi32, #tpu.memory_space<hbm>>) target(%arg10 : memref<80xi32, #tpu.memory_space<vmem>>) target_semaphore(%arg22 : memref<!tpu.dma_semaphore, #tpu.memory_space<semaphore_mem>>)
    %add3A_14 = arith.constant 80 : i32
    %add3A_15 = arith.addi %mul3A_6, %add3A_14 : i32
    %add3A_16 = arith.constant 80 : i32
    %add3A_17 = arith.addi %mul3A_6, %add3A_16 : i32
    %dma_start3A_18 = tpu.memref_slice %arg4[%add3A_15] : memref<320000xi32, #tpu.memory_space<hbm>> -> memref<80xi32, #tpu.memory_space<hbm>>
    %dma_start3A_19 = tpu.memref_slice %arg4[%add3A_15] : memref<320000xi32, #tpu.memory_space<hbm>> -> memref<80xi32, #tpu.memory_space<hbm>>
    tpu.enqueue_dma source(%dma_start3A_19 : memref<80xi32, #tpu.memory_space<hbm>>) target(%arg11 : memref<80xi32, #tpu.memory_space<vmem>>) target_semaphore(%arg23 : memref<!tpu.dma_semaphore, #tpu.memory_space<semaphore_mem>>)
    %dma_start3A_20 = tpu.memref_slice %arg5[%add3A_17] : memref<320000xi32, #tpu.memory_space<hbm>> -> memref<80xi32, #tpu.memory_space<hbm>>
    %dma_start3A_21 = tpu.memref_slice %arg5[%add3A_17] : memref<320000xi32, #tpu.memory_space<hbm>> -> memref<80xi32, #tpu.memory_space<hbm>>
    tpu.enqueue_dma source(%dma_start3A_21 : memref<80xi32, #tpu.memory_space<hbm>>) target(%arg12 : memref<80xi32, #tpu.memory_space<vmem>>) target_semaphore(%arg23 : memref<!tpu.dma_semaphore, #tpu.memory_space<semaphore_mem>>)
    %add3A_22 = arith.constant 160 : i32
    %add3A_23 = arith.addi %mul3A_6, %add3A_22 : i32
    %add3A_24 = arith.constant 160 : i32
    %add3A_25 = arith.addi %mul3A_6, %add3A_24 : i32
    %dma_start3A_26 = tpu.memref_slice %arg4[%add3A_23] : memref<320000xi32, #tpu.memory_space<hbm>> -> memref<80xi32, #tpu.memory_space<hbm>>
    %dma_start3A_27 = tpu.memref_slice %arg4[%add3A_23] : memref<320000xi32, #tpu.memory_space<hbm>> -> memref<80xi32, #tpu.memory_space<hbm>>
    tpu.enqueue_dma source(%dma_start3A_27 : memref<80xi32, #tpu.memory_space<hbm>>) target(%arg13 : memref<80xi32, #tpu.memory_space<vmem>>) target_semaphore(%arg24 : memref<!tpu.dma_semaphore, #tpu.memory_space<semaphore_mem>>)
    %dma_start3A_28 = tpu.memref_slice %arg5[%add3A_25] : memref<320000xi32, #tpu.memory_space<hbm>> -> memref<80xi32, #tpu.memory_space<hbm>>
    %dma_start3A_29 = tpu.memref_slice %arg5[%add3A_25] : memref<320000xi32, #tpu.memory_space<hbm>> -> memref<80xi32, #tpu.memory_space<hbm>>
    tpu.enqueue_dma source(%dma_start3A_29 : memref<80xi32, #tpu.memory_space<hbm>>) target(%arg14 : memref<80xi32, #tpu.memory_space<vmem>>) target_semaphore(%arg24 : memref<!tpu.dma_semaphore, #tpu.memory_space<semaphore_mem>>)
    %add3A_30 = arith.constant 0 : i32
    %add3A_31 = arith.addi %mul3A_6, %add3A_30 : i32
    %add3A_32 = arith.constant 0 : i32
    %add3A_33 = arith.addi %mul3A_6, %add3A_32 : i32
    %dma_wait3A = tpu.memref_slice %arg4[%add3A_31] : memref<320000xi32, #tpu.memory_space<hbm>> -> memref<80xi32, #tpu.memory_space<hbm>>
    %dma_wait3A_34 = tpu.memref_slice %arg4[%add3A_31] : memref<320000xi32, #tpu.memory_space<hbm>> -> memref<80xi32, #tpu.memory_space<hbm>>
    tpu.wait_dma2 semaphore(%arg22 : memref<!tpu.dma_semaphore, #tpu.memory_space<semaphore_mem>>) src(%dma_wait3A_34 : memref<80xi32, #tpu.memory_space<hbm>>) dst(%arg9 : memref<80xi32, #tpu.memory_space<vmem>>)
    %dma_wait3A_35 = tpu.memref_slice %arg5[%add3A_33] : memref<320000xi32, #tpu.memory_space<hbm>> -> memref<80xi32, #tpu.memory_space<hbm>>
    %dma_wait3A_36 = tpu.memref_slice %arg5[%add3A_33] : memref<320000xi32, #tpu.memory_space<hbm>> -> memref<80xi32, #tpu.memory_space<hbm>>
    tpu.wait_dma2 semaphore(%arg22 : memref<!tpu.dma_semaphore, #tpu.memory_space<semaphore_mem>>) src(%dma_wait3A_36 : memref<80xi32, #tpu.memory_space<hbm>>) dst(%arg10 : memref<80xi32, #tpu.memory_space<vmem>>)
    %dma_start3A_37 = arith.constant 0 : i32
    %dma_start3A_38 = arith.constant 0 : i32
    %dma_start3A_39 = tpu.memref_slice %arg7[%dma_start3A_37, %dma_start3A_38] : memref<10000x128xbf16, #tpu.memory_space<vmem_shared>> -> memref<10000x128xbf16, #tpu.memory_space<vmem_shared>>
    tpu.enqueue_indirect_dma source(%dma_start3A_39 : memref<10000x128xbf16, #tpu.memory_space<vmem_shared>>) target(%arg15 : memref<80x128xbf16, #tpu.memory_space<vmem>>) offsets(%arg9 : memref<80xi32, #tpu.memory_space<vmem>>) semaphore(%arg25 : memref<!tpu.dma_semaphore, #tpu.memory_space<semaphore_mem>>)
    %dma_start3A_40 = arith.constant 0 : i32
    %dma_start3A_41 = arith.constant 0 : i32
    %dma_start3A_42 = tpu.memref_slice %arg8[%dma_start3A_40, %dma_start3A_41] : memref<10000x128xbf16, #tpu.memory_space<vmem_shared>> -> memref<10000x128xbf16, #tpu.memory_space<vmem_shared>>
    tpu.enqueue_indirect_dma source(%dma_start3A_42 : memref<10000x128xbf16, #tpu.memory_space<vmem_shared>>) target(%arg16 : memref<80x128xbf16, #tpu.memory_space<vmem>>) offsets(%arg10 : memref<80xi32, #tpu.memory_space<vmem>>) semaphore(%arg25 : memref<!tpu.dma_semaphore, #tpu.memory_space<semaphore_mem>>)
    %add3A_43 = arith.constant 80 : i32
    %add3A_44 = arith.addi %mul3A_6, %add3A_43 : i32
    %add3A_45 = arith.constant 80 : i32
    %add3A_46 = arith.addi %mul3A_6, %add3A_45 : i32
    %dma_wait3A_47 = tpu.memref_slice %arg4[%add3A_44] : memref<320000xi32, #tpu.memory_space<hbm>> -> memref<80xi32, #tpu.memory_space<hbm>>
    %dma_wait3A_48 = tpu.memref_slice %arg4[%add3A_44] : memref<320000xi32, #tpu.memory_space<hbm>> -> memref<80xi32, #tpu.memory_space<hbm>>
    tpu.wait_dma2 semaphore(%arg23 : memref<!tpu.dma_semaphore, #tpu.memory_space<semaphore_mem>>) src(%dma_wait3A_48 : memref<80xi32, #tpu.memory_space<hbm>>) dst(%arg11 : memref<80xi32, #tpu.memory_space<vmem>>)
    %dma_wait3A_49 = tpu.memref_slice %arg5[%add3A_46] : memref<320000xi32, #tpu.memory_space<hbm>> -> memref<80xi32, #tpu.memory_space<hbm>>
    %dma_wait3A_50 = tpu.memref_slice %arg5[%add3A_46] : memref<320000xi32, #tpu.memory_space<hbm>> -> memref<80xi32, #tpu.memory_space<hbm>>
    tpu.wait_dma2 semaphore(%arg23 : memref<!tpu.dma_semaphore, #tpu.memory_space<semaphore_mem>>) src(%dma_wait3A_50 : memref<80xi32, #tpu.memory_space<hbm>>) dst(%arg12 : memref<80xi32, #tpu.memory_space<vmem>>)
    %dma_start3A_51 = arith.constant 0 : i32
    %dma_start3A_52 = arith.constant 0 : i32
    %dma_start3A_53 = tpu.memref_slice %arg7[%dma_start3A_51, %dma_start3A_52] : memref<10000x128xbf16, #tpu.memory_space<vmem_shared>> -> memref<10000x128xbf16, #tpu.memory_space<vmem_shared>>
    tpu.enqueue_indirect_dma source(%dma_start3A_53 : memref<10000x128xbf16, #tpu.memory_space<vmem_shared>>) target(%arg17 : memref<80x128xbf16, #tpu.memory_space<vmem>>) offsets(%arg11 : memref<80xi32, #tpu.memory_space<vmem>>) semaphore(%arg26 : memref<!tpu.dma_semaphore, #tpu.memory_space<semaphore_mem>>)
    %dma_start3A_54 = arith.constant 0 : i32
    %dma_start3A_55 = arith.constant 0 : i32
    %dma_start3A_56 = tpu.memref_slice %arg8[%dma_start3A_54, %dma_start3A_55] : memref<10000x128xbf16, #tpu.memory_space<vmem_shared>> -> memref<10000x128xbf16, #tpu.memory_space<vmem_shared>>
    tpu.enqueue_indirect_dma source(%dma_start3A_56 : memref<10000x128xbf16, #tpu.memory_space<vmem_shared>>) target(%arg18 : memref<80x128xbf16, #tpu.memory_space<vmem>>) offsets(%arg12 : memref<80xi32, #tpu.memory_space<vmem>>) semaphore(%arg26 : memref<!tpu.dma_semaphore, #tpu.memory_space<semaphore_mem>>)
    %add3A_57 = arith.constant 160 : i32
    %add3A_58 = arith.addi %mul3A_6, %add3A_57 : i32
    %add3A_59 = arith.constant 160 : i32
    %add3A_60 = arith.addi %mul3A_6, %add3A_59 : i32
    %dma_wait3A_61 = tpu.memref_slice %arg4[%add3A_58] : memref<320000xi32, #tpu.memory_space<hbm>> -> memref<80xi32, #tpu.memory_space<hbm>>
    %dma_wait3A_62 = tpu.memref_slice %arg4[%add3A_58] : memref<320000xi32, #tpu.memory_space<hbm>> -> memref<80xi32, #tpu.memory_space<hbm>>
    tpu.wait_dma2 semaphore(%arg24 : memref<!tpu.dma_semaphore, #tpu.memory_space<semaphore_mem>>) src(%dma_wait3A_62 : memref<80xi32, #tpu.memory_space<hbm>>) dst(%arg13 : memref<80xi32, #tpu.memory_space<vmem>>)
    %dma_wait3A_63 = tpu.memref_slice %arg5[%add3A_60] : memref<320000xi32, #tpu.memory_space<hbm>> -> memref<80xi32, #tpu.memory_space<hbm>>
    %dma_wait3A_64 = tpu.memref_slice %arg5[%add3A_60] : memref<320000xi32, #tpu.memory_space<hbm>> -> memref<80xi32, #tpu.memory_space<hbm>>
    tpu.wait_dma2 semaphore(%arg24 : memref<!tpu.dma_semaphore, #tpu.memory_space<semaphore_mem>>) src(%dma_wait3A_64 : memref<80xi32, #tpu.memory_space<hbm>>) dst(%arg14 : memref<80xi32, #tpu.memory_space<vmem>>)
    %dma_start3A_65 = arith.constant 0 : i32
    %dma_start3A_66 = arith.constant 0 : i32
    %dma_start3A_67 = tpu.memref_slice %arg7[%dma_start3A_65, %dma_start3A_66] : memref<10000x128xbf16, #tpu.memory_space<vmem_shared>> -> memref<10000x128xbf16, #tpu.memory_space<vmem_shared>>
    tpu.enqueue_indirect_dma source(%dma_start3A_67 : memref<10000x128xbf16, #tpu.memory_space<vmem_shared>>) target(%arg19 : memref<80x128xbf16, #tpu.memory_space<vmem>>) offsets(%arg13 : memref<80xi32, #tpu.memory_space<vmem>>) semaphore(%arg27 : memref<!tpu.dma_semaphore, #tpu.memory_space<semaphore_mem>>)
    %dma_start3A_68 = arith.constant 0 : i32
    %dma_start3A_69 = arith.constant 0 : i32
    %dma_start3A_70 = tpu.memref_slice %arg8[%dma_start3A_68, %dma_start3A_69] : memref<10000x128xbf16, #tpu.memory_space<vmem_shared>> -> memref<10000x128xbf16, #tpu.memory_space<vmem_shared>>
    tpu.enqueue_indirect_dma source(%dma_start3A_70 : memref<10000x128xbf16, #tpu.memory_space<vmem_shared>>) target(%arg20 : memref<80x128xbf16, #tpu.memory_space<vmem>>) offsets(%arg14 : memref<80xi32, #tpu.memory_space<vmem>>) semaphore(%arg27 : memref<!tpu.dma_semaphore, #tpu.memory_space<semaphore_mem>>)
    %scan3A = arith.constant 0 : i32
    %scan3A_71 = arith.constant 42 : i32
    %scan3A_72 = arith.addi %scan3A, %scan3A_71 : i32
    %scan3A_73 = arith.constant 1 : i32
    scf.for %scan3A_75 = %scan3A to %scan3A_72 step %scan3A_73  : i32 {
      %mul3A_76 = arith.constant 3 : i32
      %mul3A_77 = arith.muli %scan3A_75, %mul3A_76 : i32
      %add3A_78 = arith.constant 0 : i32
      %add3A_79 = arith.addi %add3A_78, %mul3A_77 : i32
      %add3A_80 = arith.constant 0 : i32
      %add3A_81 = arith.addi %add3A_79, %add3A_80 : i32
      %lt3A = arith.constant 125 : i32
      %lt3A_82 = arith.cmpi slt, %add3A_81, %lt3A : i32
      %convert_element_type3A_83 = arith.extui %lt3A_82 : i1 to i32
      %cond3A_84 = arith.constant 0 : i32
      %cond3A_85 = arith.cmpi ne, %convert_element_type3A_83, %cond3A_84 : i32
      scf.if %cond3A_85 {
        %dma_wait3A_100 = arith.constant 0 : i32
        %dma_wait3A_101 = arith.constant 0 : i32
        %dma_wait3A_102 = tpu.memref_slice %arg7[%dma_wait3A_100, %dma_wait3A_101] : memref<10000x128xbf16, #tpu.memory_space<vmem_shared>> -> memref<10000x128xbf16, #tpu.memory_space<vmem_shared>>
        tpu.wait_indirect_dma semaphore(%arg25 : memref<!tpu.dma_semaphore, #tpu.memory_space<semaphore_mem>>) src(%dma_wait3A_102 : memref<10000x128xbf16, #tpu.memory_space<vmem_shared>>) dst(%arg15 : memref<80x128xbf16, #tpu.memory_space<vmem>>)
        %dma_wait3A_103 = arith.constant 0 : i32
        %dma_wait3A_104 = arith.constant 0 : i32
        %dma_wait3A_105 = tpu.memref_slice %arg8[%dma_wait3A_103, %dma_wait3A_104] : memref<10000x128xbf16, #tpu.memory_space<vmem_shared>> -> memref<10000x128xbf16, #tpu.memory_space<vmem_shared>>
        tpu.wait_indirect_dma semaphore(%arg25 : memref<!tpu.dma_semaphore, #tpu.memory_space<semaphore_mem>>) src(%dma_wait3A_105 : memref<10000x128xbf16, #tpu.memory_space<vmem_shared>>) dst(%arg16 : memref<80x128xbf16, #tpu.memory_space<vmem>>)
        %add3A_106 = arith.constant 3 : i32
        %add3A_107 = arith.addi %add3A_81, %add3A_106 : i32
        %lt3A_108 = arith.constant 125 : i32
        %lt3A_109 = arith.cmpi slt, %add3A_107, %lt3A_108 : i32
        %convert_element_type3A_110 = arith.extui %lt3A_109 : i1 to i32
        %cond3A_111 = arith.constant 0 : i32
        %cond3A_112 = arith.cmpi ne, %convert_element_type3A_110, %cond3A_111 : i32
        scf.if %cond3A_112 {
          %add3A_127 = arith.constant 3 : i32
          %add3A_128 = arith.addi %add3A_81, %add3A_127 : i32
          %mul3A_129 = arith.constant 80 : i32
          %mul3A_130 = arith.muli %add3A_128, %mul3A_129 : i32
          %add3A_131 = arith.addi %mul3A_6, %mul3A_130 : i32
          %mul3A_132 = arith.constant 80 : i32
          %mul3A_133 = arith.muli %add3A_128, %mul3A_132 : i32
          %add3A_134 = arith.addi %mul3A_6, %mul3A_133 : i32
          %dma_start3A_135 = tpu.memref_slice %arg4[%add3A_131] : memref<320000xi32, #tpu.memory_space<hbm>> -> memref<80xi32, #tpu.memory_space<hbm>>
          %dma_start3A_136 = tpu.memref_slice %arg4[%add3A_131] : memref<320000xi32, #tpu.memory_space<hbm>> -> memref<80xi32, #tpu.memory_space<hbm>>
          tpu.enqueue_dma source(%dma_start3A_136 : memref<80xi32, #tpu.memory_space<hbm>>) target(%arg9 : memref<80xi32, #tpu.memory_space<vmem>>) target_semaphore(%arg22 : memref<!tpu.dma_semaphore, #tpu.memory_space<semaphore_mem>>)
          %dma_start3A_137 = tpu.memref_slice %arg5[%add3A_134] : memref<320000xi32, #tpu.memory_space<hbm>> -> memref<80xi32, #tpu.memory_space<hbm>>
          %dma_start3A_138 = tpu.memref_slice %arg5[%add3A_134] : memref<320000xi32, #tpu.memory_space<hbm>> -> memref<80xi32, #tpu.memory_space<hbm>>
          tpu.enqueue_dma source(%dma_start3A_138 : memref<80xi32, #tpu.memory_space<hbm>>) target(%arg10 : memref<80xi32, #tpu.memory_space<vmem>>) target_semaphore(%arg22 : memref<!tpu.dma_semaphore, #tpu.memory_space<semaphore_mem>>)
        } else {
        }
        %mul3A_113 = arith.constant 80 : i32
        %mul3A_114 = arith.muli %add3A_81, %mul3A_113 : i32
        %scan3A_115 = arith.constant 0 : i32
        %scan3A_116 = arith.constant 5 : i32
        %scan3A_117 = arith.addi %scan3A_115, %scan3A_116 : i32
        %scan3A_118 = arith.constant 1 : i32
        scf.for %scan3A_127 = %scan3A_115 to %scan3A_117 step %scan3A_118  : i32 {
          %mul3A_128 = arith.constant 1 : i32
          %mul3A_129 = arith.muli %scan3A_127, %mul3A_128 : i32
          %add3A_130 = arith.constant 0 : i32
          %add3A_131 = arith.addi %add3A_130, %mul3A_129 : i32
          %iota3A = tpu.iota {dimensions = array<i32: 0>} : vector<16xi32>
          %broadcast_in_dim3A = arith.constant 0.000000e+00 : f32
          %broadcast_in_dim3A_132 = vector.broadcast %broadcast_in_dim3A : f32 to vector<16xf32>
          %scan3A_133 = arith.constant 0 : i32
          %scan3A_134 = arith.constant 16 : i32
          %scan3A_135 = arith.addi %scan3A_133, %scan3A_134 : i32
          %scan3A_136 = arith.constant 4 : i32
          %scan3A_137 = scf.for %scan3A_143 = %scan3A_133 to %scan3A_135 step %scan3A_136 iter_args(%scan3A_144 = %broadcast_in_dim3A_132) -> (vector<16xf32>)  : i32 {
            %mul3A_145 = arith.constant 1 : i32
            %mul3A_146 = arith.muli %scan3A_143, %mul3A_145 : i32
            %add3A_147 = arith.constant 0 : i32
            %add3A_148 = arith.addi %add3A_147, %mul3A_146 : i32
            %mul3A_149 = arith.constant 16 : i32
            %mul3A_150 = arith.muli %add3A_131, %mul3A_149 : i32
            %add3A_151 = arith.addi %mul3A_150, %add3A_148 : i32
            %get3A = arith.index_cast %add3A_151 : i32 to index
            %get3A_152 = arith.constant 0 : index
            %get3A_153 = tpu.vector_load %arg15[%get3A, %get3A_152] {strides = array<i32>} : memref<80x128xbf16, #tpu.memory_space<vmem>>, vector<32xbf16>,
            %get3A_154 = arith.index_cast %add3A_151 : i32 to index
            %get3A_155 = arith.constant 0 : index
            %get3A_156 = tpu.vector_load %arg16[%get3A_154, %get3A_155] {strides = array<i32>} : memref<80x128xbf16, #tpu.memory_space<vmem>>, vector<32xbf16>,
            %mul3A_157 = arith.mulf %get3A_153, %get3A_156 : vector<32xbf16>
            %bitcast3A = vector.bitcast %mul3A_157 : vector<32xbf16> to vector<16xi32>
            %shift_left3A = arith.constant 16 : i32
            %shift_left3A_158 = vector.broadcast %shift_left3A : i32 to vector<16xi32>
            %shift_left3A_159 = arith.shli %bitcast3A, %shift_left3A_158 : vector<16xi32>
            %bitcast3A_160 = vector.bitcast %shift_left3A_159 : vector<16xi32> to vector<16xf32>
            %and3A = arith.constant -65536 : i32
            %and3A_161 = vector.broadcast %and3A : i32 to vector<16xi32>
            %and3A_162 = arith.andi %bitcast3A, %and3A_161 : vector<16xi32>
            %bitcast3A_163 = vector.bitcast %and3A_162 : vector<16xi32> to vector<16xf32>
            %get3A_164 = arith.index_cast %add3A_151 : i32 to index
            %get3A_165 = arith.constant 32 : index
            %get3A_166 = tpu.vector_load %arg15[%get3A_164, %get3A_165] {strides = array<i32>} : memref<80x128xbf16, #tpu.memory_space<vmem>>, vector<32xbf16>,
            %get3A_167 = arith.index_cast %add3A_151 : i32 to index
            %get3A_168 = arith.constant 32 : index
            %get3A_169 = tpu.vector_load %arg16[%get3A_167, %get3A_168] {strides = array<i32>} : memref<80x128xbf16, #tpu.memory_space<vmem>>, vector<32xbf16>,
            %mul3A_170 = arith.mulf %get3A_166, %get3A_169 : vector<32xbf16>
            %bitcast3A_171 = vector.bitcast %mul3A_170 : vector<32xbf16> to vector<16xi32>
            %shift_left3A_172 = arith.constant 16 : i32
            %shift_left3A_173 = vector.broadcast %shift_left3A_172 : i32 to vector<16xi32>
            %shift_left3A_174 = arith.shli %bitcast3A_171, %shift_left3A_173 : vector<16xi32>
            %bitcast3A_175 = vector.bitcast %shift_left3A_174 : vector<16xi32> to vector<16xf32>
            %and3A_176 = arith.constant -65536 : i32
            %and3A_177 = vector.broadcast %and3A_176 : i32 to vector<16xi32>
            %and3A_178 = arith.andi %bitcast3A_171, %and3A_177 : vector<16xi32>
            %bitcast3A_179 = vector.bitcast %and3A_178 : vector<16xi32> to vector<16xf32>
            %get3A_180 = arith.index_cast %add3A_151 : i32 to index
            %get3A_181 = arith.constant 64 : index
            %get3A_182 = tpu.vector_load %arg15[%get3A_180, %get3A_181] {strides = array<i32>} : memref<80x128xbf16, #tpu.memory_space<vmem>>, vector<32xbf16>,
            %get3A_183 = arith.index_cast %add3A_151 : i32 to index
            %get3A_184 = arith.constant 64 : index
            %get3A_185 = tpu.vector_load %arg16[%get3A_183, %get3A_184] {strides = array<i32>} : memref<80x128xbf16, #tpu.memory_space<vmem>>, vector<32xbf16>,
            %mul3A_186 = arith.mulf %get3A_182, %get3A_185 : vector<32xbf16>
            %bitcast3A_187 = vector.bitcast %mul3A_186 : vector<32xbf16> to vector<16xi32>
            %shift_left3A_188 = arith.constant 16 : i32
            %shift_left3A_189 = vector.broadcast %shift_left3A_188 : i32 to vector<16xi32>
            %shift_left3A_190 = arith.shli %bitcast3A_187, %shift_left3A_189 : vector<16xi32>
            %bitcast3A_191 = vector.bitcast %shift_left3A_190 : vector<16xi32> to vector<16xf32>
            %and3A_192 = arith.constant -65536 : i32
            %and3A_193 = vector.broadcast %and3A_192 : i32 to vector<16xi32>
            %and3A_194 = arith.andi %bitcast3A_187, %and3A_193 : vector<16xi32>
            %bitcast3A_195 = vector.bitcast %and3A_194 : vector<16xi32> to vector<16xf32>
            %get3A_196 = arith.index_cast %add3A_151 : i32 to index
            %get3A_197 = arith.constant 96 : index
            %get3A_198 = tpu.vector_load %arg15[%get3A_196, %get3A_197] {strides = array<i32>} : memref<80x128xbf16, #tpu.memory_space<vmem>>, vector<32xbf16>,
            %get3A_199 = arith.index_cast %add3A_151 : i32 to index
            %get3A_200 = arith.constant 96 : index
            %get3A_201 = tpu.vector_load %arg16[%get3A_199, %get3A_200] {strides = array<i32>} : memref<80x128xbf16, #tpu.memory_space<vmem>>, vector<32xbf16>,
            %mul3A_202 = arith.mulf %get3A_198, %get3A_201 : vector<32xbf16>
            %bitcast3A_203 = vector.bitcast %mul3A_202 : vector<32xbf16> to vector<16xi32>
            %shift_left3A_204 = arith.constant 16 : i32
            %shift_left3A_205 = vector.broadcast %shift_left3A_204 : i32 to vector<16xi32>
            %shift_left3A_206 = arith.shli %bitcast3A_203, %shift_left3A_205 : vector<16xi32>
            %bitcast3A_207 = vector.bitcast %shift_left3A_206 : vector<16xi32> to vector<16xf32>
            %and3A_208 = arith.constant -65536 : i32
            %and3A_209 = vector.broadcast %and3A_208 : i32 to vector<16xi32>
            %and3A_210 = arith.andi %bitcast3A_203, %and3A_209 : vector<16xi32>
            %bitcast3A_211 = vector.bitcast %and3A_210 : vector<16xi32> to vector<16xf32>
            %add3A_212 = arith.addf %bitcast3A_160, %bitcast3A_163 : vector<16xf32>
            %add3A_213 = arith.addf %bitcast3A_175, %bitcast3A_179 : vector<16xf32>
            %add3A_214 = arith.addf %bitcast3A_191, %bitcast3A_195 : vector<16xf32>
            %add3A_215 = arith.addf %bitcast3A_207, %bitcast3A_211 : vector<16xf32>
            %add3A_216 = arith.addf %add3A_212, %add3A_213 : vector<16xf32>
            %add3A_217 = arith.addf %add3A_214, %add3A_215 : vector<16xf32>
            %add3A_218 = arith.addf %add3A_216, %add3A_217 : vector<16xf32>
            %eq3A_219 = vector.broadcast %add3A_148 : i32 to vector<16xi32>
            %eq3A_220 = arith.cmpi eq, %iota3A, %eq3A_219 : vector<16xi32>
            %reduce_sum3A = arith.constant true
            %reduce_sum3A_221 = vector.broadcast %reduce_sum3A : i1 to vector<16xi1>
            %reduce_sum3A_222 = tpu.scan <sum>, %add3A_218 masked %reduce_sum3A_221 : vector<16xf32>, vector<16xi1> -> vector<16xf32>
            %reduce_sum3A_223 = vector.extract %reduce_sum3A_222[15] : f32 from vector<16xf32>
            %broadcast_in_dim3A_224 = vector.broadcast %reduce_sum3A_223 : f32 to vector<16xf32>
            %select_n3A = arith.select %eq3A_220, %broadcast_in_dim3A_224, %scan3A_144 : vector<16xi1>, vector<16xf32>
            %scan3A_225 = arith.constant 1 : i32
            %scan3A_226 = arith.addi %scan3A_143, %scan3A_225 : i32
            %mul3A_227 = arith.constant 1 : i32
            %mul3A_228 = arith.muli %scan3A_226, %mul3A_227 : i32
            %add3A_229 = arith.constant 0 : i32
            %add3A_230 = arith.addi %add3A_229, %mul3A_228 : i32
            %mul3A_231 = arith.constant 16 : i32
            %mul3A_232 = arith.muli %add3A_131, %mul3A_231 : i32
            %add3A_233 = arith.addi %mul3A_232, %add3A_230 : i32
            %get3A_234 = arith.index_cast %add3A_233 : i32 to index
            %get3A_235 = arith.constant 0 : index
            %get3A_236 = tpu.vector_load %arg15[%get3A_234, %get3A_235] {strides = array<i32>} : memref<80x128xbf16, #tpu.memory_space<vmem>>, vector<32xbf16>,
            %get3A_237 = arith.index_cast %add3A_233 : i32 to index
            %get3A_238 = arith.constant 0 : index
            %get3A_239 = tpu.vector_load %arg16[%get3A_237, %get3A_238] {strides = array<i32>} : memref<80x128xbf16, #tpu.memory_space<vmem>>, vector<32xbf16>,
            %mul3A_240 = arith.mulf %get3A_236, %get3A_239 : vector<32xbf16>
            %bitcast3A_241 = vector.bitcast %mul3A_240 : vector<32xbf16> to vector<16xi32>
            %shift_left3A_242 = arith.constant 16 : i32
            %shift_left3A_243 = vector.broadcast %shift_left3A_242 : i32 to vector<16xi32>
            %shift_left3A_244 = arith.shli %bitcast3A_241, %shift_left3A_243 : vector<16xi32>
            %bitcast3A_245 = vector.bitcast %shift_left3A_244 : vector<16xi32> to vector<16xf32>
            %and3A_246 = arith.constant -65536 : i32
            %and3A_247 = vector.broadcast %and3A_246 : i32 to vector<16xi32>
            %and3A_248 = arith.andi %bitcast3A_241, %and3A_247 : vector<16xi32>
            %bitcast3A_249 = vector.bitcast %and3A_248 : vector<16xi32> to vector<16xf32>
            %get3A_250 = arith.index_cast %add3A_233 : i32 to index
            %get3A_251 = arith.constant 32 : index
            %get3A_252 = tpu.vector_load %arg15[%get3A_250, %get3A_251] {strides = array<i32>} : memref<80x128xbf16, #tpu.memory_space<vmem>>, vector<32xbf16>,
            %get3A_253 = arith.index_cast %add3A_233 : i32 to index
            %get3A_254 = arith.constant 32 : index
            %get3A_255 = tpu.vector_load %arg16[%get3A_253, %get3A_254] {strides = array<i32>} : memref<80x128xbf16, #tpu.memory_space<vmem>>, vector<32xbf16>,
            %mul3A_256 = arith.mulf %get3A_252, %get3A_255 : vector<32xbf16>
            %bitcast3A_257 = vector.bitcast %mul3A_256 : vector<32xbf16> to vector<16xi32>
            %shift_left3A_258 = arith.constant 16 : i32
            %shift_left3A_259 = vector.broadcast %shift_left3A_258 : i32 to vector<16xi32>
            %shift_left3A_260 = arith.shli %bitcast3A_257, %shift_left3A_259 : vector<16xi32>
            %bitcast3A_261 = vector.bitcast %shift_left3A_260 : vector<16xi32> to vector<16xf32>
            %and3A_262 = arith.constant -65536 : i32
            %and3A_263 = vector.broadcast %and3A_262 : i32 to vector<16xi32>
            %and3A_264 = arith.andi %bitcast3A_257, %and3A_263 : vector<16xi32>
            %bitcast3A_265 = vector.bitcast %and3A_264 : vector<16xi32> to vector<16xf32>
            %get3A_266 = arith.index_cast %add3A_233 : i32 to index
            %get3A_267 = arith.constant 64 : index
            %get3A_268 = tpu.vector_load %arg15[%get3A_266, %get3A_267] {strides = array<i32>} : memref<80x128xbf16, #tpu.memory_space<vmem>>, vector<32xbf16>,
            %get3A_269 = arith.index_cast %add3A_233 : i32 to index
            %get3A_270 = arith.constant 64 : index
            %get3A_271 = tpu.vector_load %arg16[%get3A_269, %get3A_270] {strides = array<i32>} : memref<80x128xbf16, #tpu.memory_space<vmem>>, vector<32xbf16>,
            %mul3A_272 = arith.mulf %get3A_268, %get3A_271 : vector<32xbf16>
            %bitcast3A_273 = vector.bitcast %mul3A_272 : vector<32xbf16> to vector<16xi32>
            %shift_left3A_274 = arith.constant 16 : i32
            %shift_left3A_275 = vector.broadcast %shift_left3A_274 : i32 to vector<16xi32>
            %shift_left3A_276 = arith.shli %bitcast3A_273, %shift_left3A_275 : vector<16xi32>
            %bitcast3A_277 = vector.bitcast %shift_left3A_276 : vector<16xi32> to vector<16xf32>
            %and3A_278 = arith.constant -65536 : i32
            %and3A_279 = vector.broadcast %and3A_278 : i32 to vector<16xi32>
            %and3A_280 = arith.andi %bitcast3A_273, %and3A_279 : vector<16xi32>
            %bitcast3A_281 = vector.bitcast %and3A_280 : vector<16xi32> to vector<16xf32>
            %get3A_282 = arith.index_cast %add3A_233 : i32 to index
            %get3A_283 = arith.constant 96 : index
            %get3A_284 = tpu.vector_load %arg15[%get3A_282, %get3A_283] {strides = array<i32>} : memref<80x128xbf16, #tpu.memory_space<vmem>>, vector<32xbf16>,
            %get3A_285 = arith.index_cast %add3A_233 : i32 to index
            %get3A_286 = arith.constant 96 : index
            %get3A_287 = tpu.vector_load %arg16[%get3A_285, %get3A_286] {strides = array<i32>} : memref<80x128xbf16, #tpu.memory_space<vmem>>, vector<32xbf16>,
            %mul3A_288 = arith.mulf %get3A_284, %get3A_287 : vector<32xbf16>
            %bitcast3A_289 = vector.bitcast %mul3A_288 : vector<32xbf16> to vector<16xi32>
            %shift_left3A_290 = arith.constant 16 : i32
            %shift_left3A_291 = vector.broadcast %shift_left3A_290 : i32 to vector<16xi32>
            %shift_left3A_292 = arith.shli %bitcast3A_289, %shift_left3A_291 : vector<16xi32>
            %bitcast3A_293 = vector.bitcast %shift_left3A_292 : vector<16xi32> to vector<16xf32>
            %and3A_294 = arith.constant -65536 : i32
            %and3A_295 = vector.broadcast %and3A_294 : i32 to vector<16xi32>
            %and3A_296 = arith.andi %bitcast3A_289, %and3A_295 : vector<16xi32>
            %bitcast3A_297 = vector.bitcast %and3A_296 : vector<16xi32> to vector<16xf32>
            %add3A_298 = arith.addf %bitcast3A_245, %bitcast3A_249 : vector<16xf32>
            %add3A_299 = arith.addf %bitcast3A_261, %bitcast3A_265 : vector<16xf32>
            %add3A_300 = arith.addf %bitcast3A_277, %bitcast3A_281 : vector<16xf32>
            %add3A_301 = arith.addf %bitcast3A_293, %bitcast3A_297 : vector<16xf32>
            %add3A_302 = arith.addf %add3A_298, %add3A_299 : vector<16xf32>
            %add3A_303 = arith.addf %add3A_300, %add3A_301 : vector<16xf32>
            %add3A_304 = arith.addf %add3A_302, %add3A_303 : vector<16xf32>
            %eq3A_305 = vector.broadcast %add3A_230 : i32 to vector<16xi32>
            %eq3A_306 = arith.cmpi eq, %iota3A, %eq3A_305 : vector<16xi32>
            %reduce_sum3A_307 = arith.constant true
            %reduce_sum3A_308 = vector.broadcast %reduce_sum3A_307 : i1 to vector<16xi1>
            %reduce_sum3A_309 = tpu.scan <sum>, %add3A_304 masked %reduce_sum3A_308 : vector<16xf32>, vector<16xi1> -> vector<16xf32>
            %reduce_sum3A_310 = vector.extract %reduce_sum3A_309[15] : f32 from vector<16xf32>
            %broadcast_in_dim3A_311 = vector.broadcast %reduce_sum3A_310 : f32 to vector<16xf32>
            %select_n3A_312 = arith.select %eq3A_306, %broadcast_in_dim3A_311, %select_n3A : vector<16xi1>, vector<16xf32>
            %scan3A_313 = arith.constant 2 : i32
            %scan3A_314 = arith.addi %scan3A_143, %scan3A_313 : i32
            %mul3A_315 = arith.constant 1 : i32
            %mul3A_316 = arith.muli %scan3A_314, %mul3A_315 : i32
            %add3A_317 = arith.constant 0 : i32
            %add3A_318 = arith.addi %add3A_317, %mul3A_316 : i32
            %mul3A_319 = arith.constant 16 : i32
            %mul3A_320 = arith.muli %add3A_131, %mul3A_319 : i32
            %add3A_321 = arith.addi %mul3A_320, %add3A_318 : i32
            %get3A_322 = arith.index_cast %add3A_321 : i32 to index
            %get3A_323 = arith.constant 0 : index
            %get3A_324 = tpu.vector_load %arg15[%get3A_322, %get3A_323] {strides = array<i32>} : memref<80x128xbf16, #tpu.memory_space<vmem>>, vector<32xbf16>,
            %get3A_325 = arith.index_cast %add3A_321 : i32 to index
            %get3A_326 = arith.constant 0 : index
            %get3A_327 = tpu.vector_load %arg16[%get3A_325, %get3A_326] {strides = array<i32>} : memref<80x128xbf16, #tpu.memory_space<vmem>>, vector<32xbf16>,
            %mul3A_328 = arith.mulf %get3A_324, %get3A_327 : vector<32xbf16>
            %bitcast3A_329 = vector.bitcast %mul3A_328 : vector<32xbf16> to vector<16xi32>
            %shift_left3A_330 = arith.constant 16 : i32
            %shift_left3A_331 = vector.broadcast %shift_left3A_330 : i32 to vector<16xi32>
            %shift_left3A_332 = arith.shli %bitcast3A_329, %shift_left3A_331 : vector<16xi32>
            %bitcast3A_333 = vector.bitcast %shift_left3A_332 : vector<16xi32> to vector<16xf32>
            %and3A_334 = arith.constant -65536 : i32
            %and3A_335 = vector.broadcast %and3A_334 : i32 to vector<16xi32>
            %and3A_336 = arith.andi %bitcast3A_329, %and3A_335 : vector<16xi32>
            %bitcast3A_337 = vector.bitcast %and3A_336 : vector<16xi32> to vector<16xf32>
            %get3A_338 = arith.index_cast %add3A_321 : i32 to index
            %get3A_339 = arith.constant 32 : index
            %get3A_340 = tpu.vector_load %arg15[%get3A_338, %get3A_339] {strides = array<i32>} : memref<80x128xbf16, #tpu.memory_space<vmem>>, vector<32xbf16>,
            %get3A_341 = arith.index_cast %add3A_321 : i32 to index
            %get3A_342 = arith.constant 32 : index
            %get3A_343 = tpu.vector_load %arg16[%get3A_341, %get3A_342] {strides = array<i32>} : memref<80x128xbf16, #tpu.memory_space<vmem>>, vector<32xbf16>,
            %mul3A_344 = arith.mulf %get3A_340, %get3A_343 : vector<32xbf16>
            %bitcast3A_345 = vector.bitcast %mul3A_344 : vector<32xbf16> to vector<16xi32>
            %shift_left3A_346 = arith.constant 16 : i32
            %shift_left3A_347 = vector.broadcast %shift_left3A_346 : i32 to vector<16xi32>
            %shift_left3A_348 = arith.shli %bitcast3A_345, %shift_left3A_347 : vector<16xi32>
            %bitcast3A_349 = vector.bitcast %shift_left3A_348 : vector<16xi32> to vector<16xf32>
            %and3A_350 = arith.constant -65536 : i32
            %and3A_351 = vector.broadcast %and3A_350 : i32 to vector<16xi32>
            %and3A_352 = arith.andi %bitcast3A_345, %and3A_351 : vector<16xi32>
            %bitcast3A_353 = vector.bitcast %and3A_352 : vector<16xi32> to vector<16xf32>
            %get3A_354 = arith.index_cast %add3A_321 : i32 to index
            %get3A_355 = arith.constant 64 : index
            %get3A_356 = tpu.vector_load %arg15[%get3A_354, %get3A_355] {strides = array<i32>} : memref<80x128xbf16, #tpu.memory_space<vmem>>, vector<32xbf16>,
            %get3A_357 = arith.index_cast %add3A_321 : i32 to index
            %get3A_358 = arith.constant 64 : index
            %get3A_359 = tpu.vector_load %arg16[%get3A_357, %get3A_358] {strides = array<i32>} : memref<80x128xbf16, #tpu.memory_space<vmem>>, vector<32xbf16>,
            %mul3A_360 = arith.mulf %get3A_356, %get3A_359 : vector<32xbf16>
            %bitcast3A_361 = vector.bitcast %mul3A_360 : vector<32xbf16> to vector<16xi32>
            %shift_left3A_362 = arith.constant 16 : i32
            %shift_left3A_363 = vector.broadcast %shift_left3A_362 : i32 to vector<16xi32>
            %shift_left3A_364 = arith.shli %bitcast3A_361, %shift_left3A_363 : vector<16xi32>
            %bitcast3A_365 = vector.bitcast %shift_left3A_364 : vector<16xi32> to vector<16xf32>
            %and3A_366 = arith.constant -65536 : i32
            %and3A_367 = vector.broadcast %and3A_366 : i32 to vector<16xi32>
            %and3A_368 = arith.andi %bitcast3A_361, %and3A_367 : vector<16xi32>
            %bitcast3A_369 = vector.bitcast %and3A_368 : vector<16xi32> to vector<16xf32>
            %get3A_370 = arith.index_cast %add3A_321 : i32 to index
            %get3A_371 = arith.constant 96 : index
            %get3A_372 = tpu.vector_load %arg15[%get3A_370, %get3A_371] {strides = array<i32>} : memref<80x128xbf16, #tpu.memory_space<vmem>>, vector<32xbf16>,
            %get3A_373 = arith.index_cast %add3A_321 : i32 to index
            %get3A_374 = arith.constant 96 : index
            %get3A_375 = tpu.vector_load %arg16[%get3A_373, %get3A_374] {strides = array<i32>} : memref<80x128xbf16, #tpu.memory_space<vmem>>, vector<32xbf16>,
            %mul3A_376 = arith.mulf %get3A_372, %get3A_375 : vector<32xbf16>
            %bitcast3A_377 = vector.bitcast %mul3A_376 : vector<32xbf16> to vector<16xi32>
            %shift_left3A_378 = arith.constant 16 : i32
            %shift_left3A_379 = vector.broadcast %shift_left3A_378 : i32 to vector<16xi32>
            %shift_left3A_380 = arith.shli %bitcast3A_377, %shift_left3A_379 : vector<16xi32>
            %bitcast3A_381 = vector.bitcast %shift_left3A_380 : vector<16xi32> to vector<16xf32>
            %and3A_382 = arith.constant -65536 : i32
            %and3A_383 = vector.broadcast %and3A_382 : i32 to vector<16xi32>
            %and3A_384 = arith.andi %bitcast3A_377, %and3A_383 : vector<16xi32>
            %bitcast3A_385 = vector.bitcast %and3A_384 : vector<16xi32> to vector<16xf32>
            %add3A_386 = arith.addf %bitcast3A_333, %bitcast3A_337 : vector<16xf32>
            %add3A_387 = arith.addf %bitcast3A_349, %bitcast3A_353 : vector<16xf32>
            %add3A_388 = arith.addf %bitcast3A_365, %bitcast3A_369 : vector<16xf32>
            %add3A_389 = arith.addf %bitcast3A_381, %bitcast3A_385 : vector<16xf32>
            %add3A_390 = arith.addf %add3A_386, %add3A_387 : vector<16xf32>
            %add3A_391 = arith.addf %add3A_388, %add3A_389 : vector<16xf32>
            %add3A_392 = arith.addf %add3A_390, %add3A_391 : vector<16xf32>
            %eq3A_393 = vector.broadcast %add3A_318 : i32 to vector<16xi32>
            %eq3A_394 = arith.cmpi eq, %iota3A, %eq3A_393 : vector<16xi32>
            %reduce_sum3A_395 = arith.constant true
            %reduce_sum3A_396 = vector.broadcast %reduce_sum3A_395 : i1 to vector<16xi1>
            %reduce_sum3A_397 = tpu.scan <sum>, %add3A_392 masked %reduce_sum3A_396 : vector<16xf32>, vector<16xi1> -> vector<16xf32>
            %reduce_sum3A_398 = vector.extract %reduce_sum3A_397[15] : f32 from vector<16xf32>
            %broadcast_in_dim3A_399 = vector.broadcast %reduce_sum3A_398 : f32 to vector<16xf32>
            %select_n3A_400 = arith.select %eq3A_394, %broadcast_in_dim3A_399, %select_n3A_312 : vector<16xi1>, vector<16xf32>
            %scan3A_401 = arith.constant 3 : i32
            %scan3A_402 = arith.addi %scan3A_143, %scan3A_401 : i32
            %mul3A_403 = arith.constant 1 : i32
            %mul3A_404 = arith.muli %scan3A_402, %mul3A_403 : i32
            %add3A_405 = arith.constant 0 : i32
            %add3A_406 = arith.addi %add3A_405, %mul3A_404 : i32
            %mul3A_407 = arith.constant 16 : i32
            %mul3A_408 = arith.muli %add3A_131, %mul3A_407 : i32
            %add3A_409 = arith.addi %mul3A_408, %add3A_406 : i32
            %get3A_410 = arith.index_cast %add3A_409 : i32 to index
            %get3A_411 = arith.constant 0 : index
            %get3A_412 = tpu.vector_load %arg15[%get3A_410, %get3A_411] {strides = array<i32>} : memref<80x128xbf16, #tpu.memory_space<vmem>>, vector<32xbf16>,
            %get3A_413 = arith.index_cast %add3A_409 : i32 to index
            %get3A_414 = arith.constant 0 : index
            %get3A_415 = tpu.vector_load %arg16[%get3A_413, %get3A_414] {strides = array<i32>} : memref<80x128xbf16, #tpu.memory_space<vmem>>, vector<32xbf16>,
            %mul3A_416 = arith.mulf %get3A_412, %get3A_415 : vector<32xbf16>
            %bitcast3A_417 = vector.bitcast %mul3A_416 : vector<32xbf16> to vector<16xi32>
            %shift_left3A_418 = arith.constant 16 : i32
            %shift_left3A_419 = vector.broadcast %shift_left3A_418 : i32 to vector<16xi32>
            %shift_left3A_420 = arith.shli %bitcast3A_417, %shift_left3A_419 : vector<16xi32>
            %bitcast3A_421 = vector.bitcast %shift_left3A_420 : vector<16xi32> to vector<16xf32>
            %and3A_422 = arith.constant -65536 : i32
            %and3A_423 = vector.broadcast %and3A_422 : i32 to vector<16xi32>
            %and3A_424 = arith.andi %bitcast3A_417, %and3A_423 : vector<16xi32>
            %bitcast3A_425 = vector.bitcast %and3A_424 : vector<16xi32> to vector<16xf32>
            %get3A_426 = arith.index_cast %add3A_409 : i32 to index
            %get3A_427 = arith.constant 32 : index
            %get3A_428 = tpu.vector_load %arg15[%get3A_426, %get3A_427] {strides = array<i32>} : memref<80x128xbf16, #tpu.memory_space<vmem>>, vector<32xbf16>,
            %get3A_429 = arith.index_cast %add3A_409 : i32 to index
            %get3A_430 = arith.constant 32 : index
            %get3A_431 = tpu.vector_load %arg16[%get3A_429, %get3A_430] {strides = array<i32>} : memref<80x128xbf16, #tpu.memory_space<vmem>>, vector<32xbf16>,
            %mul3A_432 = arith.mulf %get3A_428, %get3A_431 : vector<32xbf16>
            %bitcast3A_433 = vector.bitcast %mul3A_432 : vector<32xbf16> to vector<16xi32>
            %shift_left3A_434 = arith.constant 16 : i32
            %shift_left3A_435 = vector.broadcast %shift_left3A_434 : i32 to vector<16xi32>
            %shift_left3A_436 = arith.shli %bitcast3A_433, %shift_left3A_435 : vector<16xi32>
            %bitcast3A_437 = vector.bitcast %shift_left3A_436 : vector<16xi32> to vector<16xf32>
            %and3A_438 = arith.constant -65536 : i32
            %and3A_439 = vector.broadcast %and3A_438 : i32 to vector<16xi32>
            %and3A_440 = arith.andi %bitcast3A_433, %and3A_439 : vector<16xi32>
            %bitcast3A_441 = vector.bitcast %and3A_440 : vector<16xi32> to vector<16xf32>
            %get3A_442 = arith.index_cast %add3A_409 : i32 to index
            %get3A_443 = arith.constant 64 : index
            %get3A_444 = tpu.vector_load %arg15[%get3A_442, %get3A_443] {strides = array<i32>} : memref<80x128xbf16, #tpu.memory_space<vmem>>, vector<32xbf16>,
            %get3A_445 = arith.index_cast %add3A_409 : i32 to index
            %get3A_446 = arith.constant 64 : index
            %get3A_447 = tpu.vector_load %arg16[%get3A_445, %get3A_446] {strides = array<i32>} : memref<80x128xbf16, #tpu.memory_space<vmem>>, vector<32xbf16>,
            %mul3A_448 = arith.mulf %get3A_444, %get3A_447 : vector<32xbf16>
            %bitcast3A_449 = vector.bitcast %mul3A_448 : vector<32xbf16> to vector<16xi32>
            %shift_left3A_450 = arith.constant 16 : i32
            %shift_left3A_451 = vector.broadcast %shift_left3A_450 : i32 to vector<16xi32>
            %shift_left3A_452 = arith.shli %bitcast3A_449, %shift_left3A_451 : vector<16xi32>
            %bitcast3A_453 = vector.bitcast %shift_left3A_452 : vector<16xi32> to vector<16xf32>
            %and3A_454 = arith.constant -65536 : i32
            %and3A_455 = vector.broadcast %and3A_454 : i32 to vector<16xi32>
            %and3A_456 = arith.andi %bitcast3A_449, %and3A_455 : vector<16xi32>
            %bitcast3A_457 = vector.bitcast %and3A_456 : vector<16xi32> to vector<16xf32>
            %get3A_458 = arith.index_cast %add3A_409 : i32 to index
            %get3A_459 = arith.constant 96 : index
            %get3A_460 = tpu.vector_load %arg15[%get3A_458, %get3A_459] {strides = array<i32>} : memref<80x128xbf16, #tpu.memory_space<vmem>>, vector<32xbf16>,
            %get3A_461 = arith.index_cast %add3A_409 : i32 to index
            %get3A_462 = arith.constant 96 : index
            %get3A_463 = tpu.vector_load %arg16[%get3A_461, %get3A_462] {strides = array<i32>} : memref<80x128xbf16, #tpu.memory_space<vmem>>, vector<32xbf16>,
            %mul3A_464 = arith.mulf %get3A_460, %get3A_463 : vector<32xbf16>
            %bitcast3A_465 = vector.bitcast %mul3A_464 : vector<32xbf16> to vector<16xi32>
            %shift_left3A_466 = arith.constant 16 : i32
            %shift_left3A_467 = vector.broadcast %shift_left3A_466 : i32 to vector<16xi32>
            %shift_left3A_468 = arith.shli %bitcast3A_465, %shift_left3A_467 : vector<16xi32>
            %bitcast3A_469 = vector.bitcast %shift_left3A_468 : vector<16xi32> to vector<16xf32>
            %and3A_470 = arith.constant -65536 : i32
            %and3A_471 = vector.broadcast %and3A_470 : i32 to vector<16xi32>
            %and3A_472 = arith.andi %bitcast3A_465, %and3A_471 : vector<16xi32>
            %bitcast3A_473 = vector.bitcast %and3A_472 : vector<16xi32> to vector<16xf32>
            %add3A_474 = arith.addf %bitcast3A_421, %bitcast3A_425 : vector<16xf32>
            %add3A_475 = arith.addf %bitcast3A_437, %bitcast3A_441 : vector<16xf32>
            %add3A_476 = arith.addf %bitcast3A_453, %bitcast3A_457 : vector<16xf32>
            %add3A_477 = arith.addf %bitcast3A_469, %bitcast3A_473 : vector<16xf32>
            %add3A_478 = arith.addf %add3A_474, %add3A_475 : vector<16xf32>
            %add3A_479 = arith.addf %add3A_476, %add3A_477 : vector<16xf32>
            %add3A_480 = arith.addf %add3A_478, %add3A_479 : vector<16xf32>
            %eq3A_481 = vector.broadcast %add3A_406 : i32 to vector<16xi32>
            %eq3A_482 = arith.cmpi eq, %iota3A, %eq3A_481 : vector<16xi32>
            %reduce_sum3A_483 = arith.constant true
            %reduce_sum3A_484 = vector.broadcast %reduce_sum3A_483 : i1 to vector<16xi1>
            %reduce_sum3A_485 = tpu.scan <sum>, %add3A_480 masked %reduce_sum3A_484 : vector<16xf32>, vector<16xi1> -> vector<16xf32>
            %reduce_sum3A_486 = vector.extract %reduce_sum3A_485[15] : f32 from vector<16xf32>
            %broadcast_in_dim3A_487 = vector.broadcast %reduce_sum3A_486 : f32 to vector<16xf32>
            %select_n3A_488 = arith.select %eq3A_482, %broadcast_in_dim3A_487, %select_n3A_400 : vector<16xi1>, vector<16xf32>
            scf.yield %select_n3A_488 : vector<16xf32>
          }
          %scan3A_138 = arith.constant 16 : i32
          %mul3A_139 = arith.constant 16 : i32
          %mul3A_140 = arith.muli %add3A_131, %mul3A_139 : i32
          %add3A_141 = arith.addi %mul3A_114, %mul3A_140 : i32
          %swap3A = arith.index_cast %add3A_141 : i32 to index
          %swap3A_142 = tpu.vector_load %arg21[%swap3A] {strides = array<i32>} : memref<10000xf32, #tpu.memory_space<vmem>>, vector<16xf32>,
          tpu.vector_store %arg21[%swap3A], %scan3A_137 {strides = array<i32>} : memref<10000xf32, #tpu.memory_space<vmem>>, vector<16xf32>,
        }
        %scan3A_119 = arith.constant 5 : i32
        %add3A_120 = arith.constant 3 : i32
        %add3A_121 = arith.addi %add3A_81, %add3A_120 : i32
        %lt3A_122 = arith.constant 125 : i32
        %lt3A_123 = arith.cmpi slt, %add3A_121, %lt3A_122 : i32
        %convert_element_type3A_124 = arith.extui %lt3A_123 : i1 to i32
        %cond3A_125 = arith.constant 0 : i32
        %cond3A_126 = arith.cmpi ne, %convert_element_type3A_124, %cond3A_125 : i32
        scf.if %cond3A_126 {
          %add3A_127 = arith.constant 3 : i32
          %add3A_128 = arith.addi %add3A_81, %add3A_127 : i32
          %mul3A_129 = arith.constant 80 : i32
          %mul3A_130 = arith.muli %add3A_128, %mul3A_129 : i32
          %add3A_131 = arith.addi %mul3A_6, %mul3A_130 : i32
          %mul3A_132 = arith.constant 80 : i32
          %mul3A_133 = arith.muli %add3A_128, %mul3A_132 : i32
          %add3A_134 = arith.addi %mul3A_6, %mul3A_133 : i32
          %dma_wait3A_135 = tpu.memref_slice %arg4[%add3A_131] : memref<320000xi32, #tpu.memory_space<hbm>> -> memref<80xi32, #tpu.memory_space<hbm>>
          %dma_wait3A_136 = tpu.memref_slice %arg4[%add3A_131] : memref<320000xi32, #tpu.memory_space<hbm>> -> memref<80xi32, #tpu.memory_space<hbm>>
          tpu.wait_dma2 semaphore(%arg22 : memref<!tpu.dma_semaphore, #tpu.memory_space<semaphore_mem>>) src(%dma_wait3A_136 : memref<80xi32, #tpu.memory_space<hbm>>) dst(%arg9 : memref<80xi32, #tpu.memory_space<vmem>>)
          %dma_wait3A_137 = tpu.memref_slice %arg5[%add3A_134] : memref<320000xi32, #tpu.memory_space<hbm>> -> memref<80xi32, #tpu.memory_space<hbm>>
          %dma_wait3A_138 = tpu.memref_slice %arg5[%add3A_134] : memref<320000xi32, #tpu.memory_space<hbm>> -> memref<80xi32, #tpu.memory_space<hbm>>
          tpu.wait_dma2 semaphore(%arg22 : memref<!tpu.dma_semaphore, #tpu.memory_space<semaphore_mem>>) src(%dma_wait3A_138 : memref<80xi32, #tpu.memory_space<hbm>>) dst(%arg10 : memref<80xi32, #tpu.memory_space<vmem>>)
          %dma_start3A_139 = arith.constant 0 : i32
          %dma_start3A_140 = arith.constant 0 : i32
          %dma_start3A_141 = tpu.memref_slice %arg7[%dma_start3A_139, %dma_start3A_140] : memref<10000x128xbf16, #tpu.memory_space<vmem_shared>> -> memref<10000x128xbf16, #tpu.memory_space<vmem_shared>>
          tpu.enqueue_indirect_dma source(%dma_start3A_141 : memref<10000x128xbf16, #tpu.memory_space<vmem_shared>>) target(%arg15 : memref<80x128xbf16, #tpu.memory_space<vmem>>) offsets(%arg9 : memref<80xi32, #tpu.memory_space<vmem>>) semaphore(%arg25 : memref<!tpu.dma_semaphore, #tpu.memory_space<semaphore_mem>>)
          %dma_start3A_142 = arith.constant 0 : i32
          %dma_start3A_143 = arith.constant 0 : i32
          %dma_start3A_144 = tpu.memref_slice %arg8[%dma_start3A_142, %dma_start3A_143] : memref<10000x128xbf16, #tpu.memory_space<vmem_shared>> -> memref<10000x128xbf16, #tpu.memory_space<vmem_shared>>
          tpu.enqueue_indirect_dma source(%dma_start3A_144 : memref<10000x128xbf16, #tpu.memory_space<vmem_shared>>) target(%arg16 : memref<80x128xbf16, #tpu.memory_space<vmem>>) offsets(%arg10 : memref<80xi32, #tpu.memory_space<vmem>>) semaphore(%arg25 : memref<!tpu.dma_semaphore, #tpu.memory_space<semaphore_mem>>)
        } else {
        }
      } else {
      }
      %add3A_86 = arith.constant 1 : i32
      %add3A_87 = arith.addi %add3A_79, %add3A_86 : i32
      %lt3A_88 = arith.constant 125 : i32
      %lt3A_89 = arith.cmpi slt, %add3A_87, %lt3A_88 : i32
      %convert_element_type3A_90 = arith.extui %lt3A_89 : i1 to i32
      %cond3A_91 = arith.constant 0 : i32
      %cond3A_92 = arith.cmpi ne, %convert_element_type3A_90, %cond3A_91 : i32
      scf.if %cond3A_92 {
        %dma_wait3A_100 = arith.constant 0 : i32
        %dma_wait3A_101 = arith.constant 0 : i32
        %dma_wait3A_102 = tpu.memref_slice %arg7[%dma_wait3A_100, %dma_wait3A_101] : memref<10000x128xbf16, #tpu.memory_space<vmem_shared>> -> memref<10000x128xbf16, #tpu.memory_space<vmem_shared>>
        tpu.wait_indirect_dma semaphore(%arg26 : memref<!tpu.dma_semaphore, #tpu.memory_space<semaphore_mem>>) src(%dma_wait3A_102 : memref<10000x128xbf16, #tpu.memory_space<vmem_shared>>) dst(%arg17 : memref<80x128xbf16, #tpu.memory_space<vmem>>)
        %dma_wait3A_103 = arith.constant 0 : i32
        %dma_wait3A_104 = arith.constant 0 : i32
        %dma_wait3A_105 = tpu.memref_slice %arg8[%dma_wait3A_103, %dma_wait3A_104] : memref<10000x128xbf16, #tpu.memory_space<vmem_shared>> -> memref<10000x128xbf16, #tpu.memory_space<vmem_shared>>
        tpu.wait_indirect_dma semaphore(%arg26 : memref<!tpu.dma_semaphore, #tpu.memory_space<semaphore_mem>>) src(%dma_wait3A_105 : memref<10000x128xbf16, #tpu.memory_space<vmem_shared>>) dst(%arg18 : memref<80x128xbf16, #tpu.memory_space<vmem>>)
        %add3A_106 = arith.constant 3 : i32
        %add3A_107 = arith.addi %add3A_87, %add3A_106 : i32
        %lt3A_108 = arith.constant 125 : i32
        %lt3A_109 = arith.cmpi slt, %add3A_107, %lt3A_108 : i32
        %convert_element_type3A_110 = arith.extui %lt3A_109 : i1 to i32
        %cond3A_111 = arith.constant 0 : i32
        %cond3A_112 = arith.cmpi ne, %convert_element_type3A_110, %cond3A_111 : i32
        scf.if %cond3A_112 {
          %add3A_127 = arith.constant 3 : i32
          %add3A_128 = arith.addi %add3A_87, %add3A_127 : i32
          %mul3A_129 = arith.constant 80 : i32
          %mul3A_130 = arith.muli %add3A_128, %mul3A_129 : i32
          %add3A_131 = arith.addi %mul3A_6, %mul3A_130 : i32
          %mul3A_132 = arith.constant 80 : i32
          %mul3A_133 = arith.muli %add3A_128, %mul3A_132 : i32
          %add3A_134 = arith.addi %mul3A_6, %mul3A_133 : i32
          %dma_start3A_135 = tpu.memref_slice %arg4[%add3A_131] : memref<320000xi32, #tpu.memory_space<hbm>> -> memref<80xi32, #tpu.memory_space<hbm>>
          %dma_start3A_136 = tpu.memref_slice %arg4[%add3A_131] : memref<320000xi32, #tpu.memory_space<hbm>> -> memref<80xi32, #tpu.memory_space<hbm>>
          tpu.enqueue_dma source(%dma_start3A_136 : memref<80xi32, #tpu.memory_space<hbm>>) target(%arg11 : memref<80xi32, #tpu.memory_space<vmem>>) target_semaphore(%arg23 : memref<!tpu.dma_semaphore, #tpu.memory_space<semaphore_mem>>)
          %dma_start3A_137 = tpu.memref_slice %arg5[%add3A_134] : memref<320000xi32, #tpu.memory_space<hbm>> -> memref<80xi32, #tpu.memory_space<hbm>>
          %dma_start3A_138 = tpu.memref_slice %arg5[%add3A_134] : memref<320000xi32, #tpu.memory_space<hbm>> -> memref<80xi32, #tpu.memory_space<hbm>>
          tpu.enqueue_dma source(%dma_start3A_138 : memref<80xi32, #tpu.memory_space<hbm>>) target(%arg12 : memref<80xi32, #tpu.memory_space<vmem>>) target_semaphore(%arg23 : memref<!tpu.dma_semaphore, #tpu.memory_space<semaphore_mem>>)
        } else {
        }
        %mul3A_113 = arith.constant 80 : i32
        %mul3A_114 = arith.muli %add3A_87, %mul3A_113 : i32
        %scan3A_115 = arith.constant 0 : i32
        %scan3A_116 = arith.constant 5 : i32
        %scan3A_117 = arith.addi %scan3A_115, %scan3A_116 : i32
        %scan3A_118 = arith.constant 1 : i32
        scf.for %scan3A_127 = %scan3A_115 to %scan3A_117 step %scan3A_118  : i32 {
          %mul3A_128 = arith.constant 1 : i32
          %mul3A_129 = arith.muli %scan3A_127, %mul3A_128 : i32
          %add3A_130 = arith.constant 0 : i32
          %add3A_131 = arith.addi %add3A_130, %mul3A_129 : i32
          %iota3A = tpu.iota {dimensions = array<i32: 0>} : vector<16xi32>
          %broadcast_in_dim3A = arith.constant 0.000000e+00 : f32
          %broadcast_in_dim3A_132 = vector.broadcast %broadcast_in_dim3A : f32 to vector<16xf32>
          %scan3A_133 = arith.constant 0 : i32
          %scan3A_134 = arith.constant 16 : i32
          %scan3A_135 = arith.addi %scan3A_133, %scan3A_134 : i32
          %scan3A_136 = arith.constant 4 : i32
          %scan3A_137 = scf.for %scan3A_143 = %scan3A_133 to %scan3A_135 step %scan3A_136 iter_args(%scan3A_144 = %broadcast_in_dim3A_132) -> (vector<16xf32>)  : i32 {
            %mul3A_145 = arith.constant 1 : i32
            %mul3A_146 = arith.muli %scan3A_143, %mul3A_145 : i32
            %add3A_147 = arith.constant 0 : i32
            %add3A_148 = arith.addi %add3A_147, %mul3A_146 : i32
            %mul3A_149 = arith.constant 16 : i32
            %mul3A_150 = arith.muli %add3A_131, %mul3A_149 : i32
            %add3A_151 = arith.addi %mul3A_150, %add3A_148 : i32
            %get3A = arith.index_cast %add3A_151 : i32 to index
            %get3A_152 = arith.constant 0 : index
            %get3A_153 = tpu.vector_load %arg17[%get3A, %get3A_152] {strides = array<i32>} : memref<80x128xbf16, #tpu.memory_space<vmem>>, vector<32xbf16>,
            %get3A_154 = arith.index_cast %add3A_151 : i32 to index
            %get3A_155 = arith.constant 0 : index
            %get3A_156 = tpu.vector_load %arg18[%get3A_154, %get3A_155] {strides = array<i32>} : memref<80x128xbf16, #tpu.memory_space<vmem>>, vector<32xbf16>,
            %mul3A_157 = arith.mulf %get3A_153, %get3A_156 : vector<32xbf16>
            %bitcast3A = vector.bitcast %mul3A_157 : vector<32xbf16> to vector<16xi32>
            %shift_left3A = arith.constant 16 : i32
            %shift_left3A_158 = vector.broadcast %shift_left3A : i32 to vector<16xi32>
            %shift_left3A_159 = arith.shli %bitcast3A, %shift_left3A_158 : vector<16xi32>
            %bitcast3A_160 = vector.bitcast %shift_left3A_159 : vector<16xi32> to vector<16xf32>
            %and3A = arith.constant -65536 : i32
            %and3A_161 = vector.broadcast %and3A : i32 to vector<16xi32>
            %and3A_162 = arith.andi %bitcast3A, %and3A_161 : vector<16xi32>
            %bitcast3A_163 = vector.bitcast %and3A_162 : vector<16xi32> to vector<16xf32>
            %get3A_164 = arith.index_cast %add3A_151 : i32 to index
            %get3A_165 = arith.constant 32 : index
            %get3A_166 = tpu.vector_load %arg17[%get3A_164, %get3A_165] {strides = array<i32>} : memref<80x128xbf16, #tpu.memory_space<vmem>>, vector<32xbf16>,
            %get3A_167 = arith.index_cast %add3A_151 : i32 to index
            %get3A_168 = arith.constant 32 : index
            %get3A_169 = tpu.vector_load %arg18[%get3A_167, %get3A_168] {strides = array<i32>} : memref<80x128xbf16, #tpu.memory_space<vmem>>, vector<32xbf16>,
            %mul3A_170 = arith.mulf %get3A_166, %get3A_169 : vector<32xbf16>
            %bitcast3A_171 = vector.bitcast %mul3A_170 : vector<32xbf16> to vector<16xi32>
            %shift_left3A_172 = arith.constant 16 : i32
            %shift_left3A_173 = vector.broadcast %shift_left3A_172 : i32 to vector<16xi32>
            %shift_left3A_174 = arith.shli %bitcast3A_171, %shift_left3A_173 : vector<16xi32>
            %bitcast3A_175 = vector.bitcast %shift_left3A_174 : vector<16xi32> to vector<16xf32>
            %and3A_176 = arith.constant -65536 : i32
            %and3A_177 = vector.broadcast %and3A_176 : i32 to vector<16xi32>
            %and3A_178 = arith.andi %bitcast3A_171, %and3A_177 : vector<16xi32>
            %bitcast3A_179 = vector.bitcast %and3A_178 : vector<16xi32> to vector<16xf32>
            %get3A_180 = arith.index_cast %add3A_151 : i32 to index
            %get3A_181 = arith.constant 64 : index
            %get3A_182 = tpu.vector_load %arg17[%get3A_180, %get3A_181] {strides = array<i32>} : memref<80x128xbf16, #tpu.memory_space<vmem>>, vector<32xbf16>,
            %get3A_183 = arith.index_cast %add3A_151 : i32 to index
            %get3A_184 = arith.constant 64 : index
            %get3A_185 = tpu.vector_load %arg18[%get3A_183, %get3A_184] {strides = array<i32>} : memref<80x128xbf16, #tpu.memory_space<vmem>>, vector<32xbf16>,
            %mul3A_186 = arith.mulf %get3A_182, %get3A_185 : vector<32xbf16>
            %bitcast3A_187 = vector.bitcast %mul3A_186 : vector<32xbf16> to vector<16xi32>
            %shift_left3A_188 = arith.constant 16 : i32
            %shift_left3A_189 = vector.broadcast %shift_left3A_188 : i32 to vector<16xi32>
            %shift_left3A_190 = arith.shli %bitcast3A_187, %shift_left3A_189 : vector<16xi32>
            %bitcast3A_191 = vector.bitcast %shift_left3A_190 : vector<16xi32> to vector<16xf32>
            %and3A_192 = arith.constant -65536 : i32
            %and3A_193 = vector.broadcast %and3A_192 : i32 to vector<16xi32>
            %and3A_194 = arith.andi %bitcast3A_187, %and3A_193 : vector<16xi32>
            %bitcast3A_195 = vector.bitcast %and3A_194 : vector<16xi32> to vector<16xf32>
            %get3A_196 = arith.index_cast %add3A_151 : i32 to index
            %get3A_197 = arith.constant 96 : index
            %get3A_198 = tpu.vector_load %arg17[%get3A_196, %get3A_197] {strides = array<i32>} : memref<80x128xbf16, #tpu.memory_space<vmem>>, vector<32xbf16>,
            %get3A_199 = arith.index_cast %add3A_151 : i32 to index
            %get3A_200 = arith.constant 96 : index
            %get3A_201 = tpu.vector_load %arg18[%get3A_199, %get3A_200] {strides = array<i32>} : memref<80x128xbf16, #tpu.memory_space<vmem>>, vector<32xbf16>,
            %mul3A_202 = arith.mulf %get3A_198, %get3A_201 : vector<32xbf16>
            %bitcast3A_203 = vector.bitcast %mul3A_202 : vector<32xbf16> to vector<16xi32>
            %shift_left3A_204 = arith.constant 16 : i32
            %shift_left3A_205 = vector.broadcast %shift_left3A_204 : i32 to vector<16xi32>
            %shift_left3A_206 = arith.shli %bitcast3A_203, %shift_left3A_205 : vector<16xi32>
            %bitcast3A_207 = vector.bitcast %shift_left3A_206 : vector<16xi32> to vector<16xf32>
            %and3A_208 = arith.constant -65536 : i32
            %and3A_209 = vector.broadcast %and3A_208 : i32 to vector<16xi32>
            %and3A_210 = arith.andi %bitcast3A_203, %and3A_209 : vector<16xi32>
            %bitcast3A_211 = vector.bitcast %and3A_210 : vector<16xi32> to vector<16xf32>
            %add3A_212 = arith.addf %bitcast3A_160, %bitcast3A_163 : vector<16xf32>
            %add3A_213 = arith.addf %bitcast3A_175, %bitcast3A_179 : vector<16xf32>
            %add3A_214 = arith.addf %bitcast3A_191, %bitcast3A_195 : vector<16xf32>
            %add3A_215 = arith.addf %bitcast3A_207, %bitcast3A_211 : vector<16xf32>
            %add3A_216 = arith.addf %add3A_212, %add3A_213 : vector<16xf32>
            %add3A_217 = arith.addf %add3A_214, %add3A_215 : vector<16xf32>
            %add3A_218 = arith.addf %add3A_216, %add3A_217 : vector<16xf32>
            %eq3A_219 = vector.broadcast %add3A_148 : i32 to vector<16xi32>
            %eq3A_220 = arith.cmpi eq, %iota3A, %eq3A_219 : vector<16xi32>
            %reduce_sum3A = arith.constant true
            %reduce_sum3A_221 = vector.broadcast %reduce_sum3A : i1 to vector<16xi1>
            %reduce_sum3A_222 = tpu.scan <sum>, %add3A_218 masked %reduce_sum3A_221 : vector<16xf32>, vector<16xi1> -> vector<16xf32>
            %reduce_sum3A_223 = vector.extract %reduce_sum3A_222[15] : f32 from vector<16xf32>
            %broadcast_in_dim3A_224 = vector.broadcast %reduce_sum3A_223 : f32 to vector<16xf32>
            %select_n3A = arith.select %eq3A_220, %broadcast_in_dim3A_224, %scan3A_144 : vector<16xi1>, vector<16xf32>
            %scan3A_225 = arith.constant 1 : i32
            %scan3A_226 = arith.addi %scan3A_143, %scan3A_225 : i32
            %mul3A_227 = arith.constant 1 : i32
            %mul3A_228 = arith.muli %scan3A_226, %mul3A_227 : i32
            %add3A_229 = arith.constant 0 : i32
            %add3A_230 = arith.addi %add3A_229, %mul3A_228 : i32
            %mul3A_231 = arith.constant 16 : i32
            %mul3A_232 = arith.muli %add3A_131, %mul3A_231 : i32
            %add3A_233 = arith.addi %mul3A_232, %add3A_230 : i32
            %get3A_234 = arith.index_cast %add3A_233 : i32 to index
            %get3A_235 = arith.constant 0 : index
            %get3A_236 = tpu.vector_load %arg17[%get3A_234, %get3A_235] {strides = array<i32>} : memref<80x128xbf16, #tpu.memory_space<vmem>>, vector<32xbf16>,
            %get3A_237 = arith.index_cast %add3A_233 : i32 to index
            %get3A_238 = arith.constant 0 : index
            %get3A_239 = tpu.vector_load %arg18[%get3A_237, %get3A_238] {strides = array<i32>} : memref<80x128xbf16, #tpu.memory_space<vmem>>, vector<32xbf16>,
            %mul3A_240 = arith.mulf %get3A_236, %get3A_239 : vector<32xbf16>
            %bitcast3A_241 = vector.bitcast %mul3A_240 : vector<32xbf16> to vector<16xi32>
            %shift_left3A_242 = arith.constant 16 : i32
            %shift_left3A_243 = vector.broadcast %shift_left3A_242 : i32 to vector<16xi32>
            %shift_left3A_244 = arith.shli %bitcast3A_241, %shift_left3A_243 : vector<16xi32>
            %bitcast3A_245 = vector.bitcast %shift_left3A_244 : vector<16xi32> to vector<16xf32>
            %and3A_246 = arith.constant -65536 : i32
            %and3A_247 = vector.broadcast %and3A_246 : i32 to vector<16xi32>
            %and3A_248 = arith.andi %bitcast3A_241, %and3A_247 : vector<16xi32>
            %bitcast3A_249 = vector.bitcast %and3A_248 : vector<16xi32> to vector<16xf32>
            %get3A_250 = arith.index_cast %add3A_233 : i32 to index
            %get3A_251 = arith.constant 32 : index
            %get3A_252 = tpu.vector_load %arg17[%get3A_250, %get3A_251] {strides = array<i32>} : memref<80x128xbf16, #tpu.memory_space<vmem>>, vector<32xbf16>,
            %get3A_253 = arith.index_cast %add3A_233 : i32 to index
            %get3A_254 = arith.constant 32 : index
            %get3A_255 = tpu.vector_load %arg18[%get3A_253, %get3A_254] {strides = array<i32>} : memref<80x128xbf16, #tpu.memory_space<vmem>>, vector<32xbf16>,
            %mul3A_256 = arith.mulf %get3A_252, %get3A_255 : vector<32xbf16>
            %bitcast3A_257 = vector.bitcast %mul3A_256 : vector<32xbf16> to vector<16xi32>
            %shift_left3A_258 = arith.constant 16 : i32
            %shift_left3A_259 = vector.broadcast %shift_left3A_258 : i32 to vector<16xi32>
            %shift_left3A_260 = arith.shli %bitcast3A_257, %shift_left3A_259 : vector<16xi32>
            %bitcast3A_261 = vector.bitcast %shift_left3A_260 : vector<16xi32> to vector<16xf32>
            %and3A_262 = arith.constant -65536 : i32
            %and3A_263 = vector.broadcast %and3A_262 : i32 to vector<16xi32>
            %and3A_264 = arith.andi %bitcast3A_257, %and3A_263 : vector<16xi32>
            %bitcast3A_265 = vector.bitcast %and3A_264 : vector<16xi32> to vector<16xf32>
            %get3A_266 = arith.index_cast %add3A_233 : i32 to index
            %get3A_267 = arith.constant 64 : index
            %get3A_268 = tpu.vector_load %arg17[%get3A_266, %get3A_267] {strides = array<i32>} : memref<80x128xbf16, #tpu.memory_space<vmem>>, vector<32xbf16>,
            %get3A_269 = arith.index_cast %add3A_233 : i32 to index
            %get3A_270 = arith.constant 64 : index
            %get3A_271 = tpu.vector_load %arg18[%get3A_269, %get3A_270] {strides = array<i32>} : memref<80x128xbf16, #tpu.memory_space<vmem>>, vector<32xbf16>,
            %mul3A_272 = arith.mulf %get3A_268, %get3A_271 : vector<32xbf16>
            %bitcast3A_273 = vector.bitcast %mul3A_272 : vector<32xbf16> to vector<16xi32>
            %shift_left3A_274 = arith.constant 16 : i32
            %shift_left3A_275 = vector.broadcast %shift_left3A_274 : i32 to vector<16xi32>
            %shift_left3A_276 = arith.shli %bitcast3A_273, %shift_left3A_275 : vector<16xi32>
            %bitcast3A_277 = vector.bitcast %shift_left3A_276 : vector<16xi32> to vector<16xf32>
            %and3A_278 = arith.constant -65536 : i32
            %and3A_279 = vector.broadcast %and3A_278 : i32 to vector<16xi32>
            %and3A_280 = arith.andi %bitcast3A_273, %and3A_279 : vector<16xi32>
            %bitcast3A_281 = vector.bitcast %and3A_280 : vector<16xi32> to vector<16xf32>
            %get3A_282 = arith.index_cast %add3A_233 : i32 to index
            %get3A_283 = arith.constant 96 : index
            %get3A_284 = tpu.vector_load %arg17[%get3A_282, %get3A_283] {strides = array<i32>} : memref<80x128xbf16, #tpu.memory_space<vmem>>, vector<32xbf16>,
            %get3A_285 = arith.index_cast %add3A_233 : i32 to index
            %get3A_286 = arith.constant 96 : index
            %get3A_287 = tpu.vector_load %arg18[%get3A_285, %get3A_286] {strides = array<i32>} : memref<80x128xbf16, #tpu.memory_space<vmem>>, vector<32xbf16>,
            %mul3A_288 = arith.mulf %get3A_284, %get3A_287 : vector<32xbf16>
            %bitcast3A_289 = vector.bitcast %mul3A_288 : vector<32xbf16> to vector<16xi32>
            %shift_left3A_290 = arith.constant 16 : i32
            %shift_left3A_291 = vector.broadcast %shift_left3A_290 : i32 to vector<16xi32>
            %shift_left3A_292 = arith.shli %bitcast3A_289, %shift_left3A_291 : vector<16xi32>
            %bitcast3A_293 = vector.bitcast %shift_left3A_292 : vector<16xi32> to vector<16xf32>
            %and3A_294 = arith.constant -65536 : i32
            %and3A_295 = vector.broadcast %and3A_294 : i32 to vector<16xi32>
            %and3A_296 = arith.andi %bitcast3A_289, %and3A_295 : vector<16xi32>
            %bitcast3A_297 = vector.bitcast %and3A_296 : vector<16xi32> to vector<16xf32>
            %add3A_298 = arith.addf %bitcast3A_245, %bitcast3A_249 : vector<16xf32>
            %add3A_299 = arith.addf %bitcast3A_261, %bitcast3A_265 : vector<16xf32>
            %add3A_300 = arith.addf %bitcast3A_277, %bitcast3A_281 : vector<16xf32>
            %add3A_301 = arith.addf %bitcast3A_293, %bitcast3A_297 : vector<16xf32>
            %add3A_302 = arith.addf %add3A_298, %add3A_299 : vector<16xf32>
            %add3A_303 = arith.addf %add3A_300, %add3A_301 : vector<16xf32>
            %add3A_304 = arith.addf %add3A_302, %add3A_303 : vector<16xf32>
            %eq3A_305 = vector.broadcast %add3A_230 : i32 to vector<16xi32>
            %eq3A_306 = arith.cmpi eq, %iota3A, %eq3A_305 : vector<16xi32>
            %reduce_sum3A_307 = arith.constant true
            %reduce_sum3A_308 = vector.broadcast %reduce_sum3A_307 : i1 to vector<16xi1>
            %reduce_sum3A_309 = tpu.scan <sum>, %add3A_304 masked %reduce_sum3A_308 : vector<16xf32>, vector<16xi1> -> vector<16xf32>
            %reduce_sum3A_310 = vector.extract %reduce_sum3A_309[15] : f32 from vector<16xf32>
            %broadcast_in_dim3A_311 = vector.broadcast %reduce_sum3A_310 : f32 to vector<16xf32>
            %select_n3A_312 = arith.select %eq3A_306, %broadcast_in_dim3A_311, %select_n3A : vector<16xi1>, vector<16xf32>
            %scan3A_313 = arith.constant 2 : i32
            %scan3A_314 = arith.addi %scan3A_143, %scan3A_313 : i32
            %mul3A_315 = arith.constant 1 : i32
            %mul3A_316 = arith.muli %scan3A_314, %mul3A_315 : i32
            %add3A_317 = arith.constant 0 : i32
            %add3A_318 = arith.addi %add3A_317, %mul3A_316 : i32
            %mul3A_319 = arith.constant 16 : i32
            %mul3A_320 = arith.muli %add3A_131, %mul3A_319 : i32
            %add3A_321 = arith.addi %mul3A_320, %add3A_318 : i32
            %get3A_322 = arith.index_cast %add3A_321 : i32 to index
            %get3A_323 = arith.constant 0 : index
            %get3A_324 = tpu.vector_load %arg17[%get3A_322, %get3A_323] {strides = array<i32>} : memref<80x128xbf16, #tpu.memory_space<vmem>>, vector<32xbf16>,
            %get3A_325 = arith.index_cast %add3A_321 : i32 to index
            %get3A_326 = arith.constant 0 : index
            %get3A_327 = tpu.vector_load %arg18[%get3A_325, %get3A_326] {strides = array<i32>} : memref<80x128xbf16, #tpu.memory_space<vmem>>, vector<32xbf16>,
            %mul3A_328 = arith.mulf %get3A_324, %get3A_327 : vector<32xbf16>
            %bitcast3A_329 = vector.bitcast %mul3A_328 : vector<32xbf16> to vector<16xi32>
            %shift_left3A_330 = arith.constant 16 : i32
            %shift_left3A_331 = vector.broadcast %shift_left3A_330 : i32 to vector<16xi32>
            %shift_left3A_332 = arith.shli %bitcast3A_329, %shift_left3A_331 : vector<16xi32>
            %bitcast3A_333 = vector.bitcast %shift_left3A_332 : vector<16xi32> to vector<16xf32>
            %and3A_334 = arith.constant -65536 : i32
            %and3A_335 = vector.broadcast %and3A_334 : i32 to vector<16xi32>
            %and3A_336 = arith.andi %bitcast3A_329, %and3A_335 : vector<16xi32>
            %bitcast3A_337 = vector.bitcast %and3A_336 : vector<16xi32> to vector<16xf32>
            %get3A_338 = arith.index_cast %add3A_321 : i32 to index
            %get3A_339 = arith.constant 32 : index
            %get3A_340 = tpu.vector_load %arg17[%get3A_338, %get3A_339] {strides = array<i32>} : memref<80x128xbf16, #tpu.memory_space<vmem>>, vector<32xbf16>,
            %get3A_341 = arith.index_cast %add3A_321 : i32 to index
            %get3A_342 = arith.constant 32 : index
            %get3A_343 = tpu.vector_load %arg18[%get3A_341, %get3A_342] {strides = array<i32>} : memref<80x128xbf16, #tpu.memory_space<vmem>>, vector<32xbf16>,
            %mul3A_344 = arith.mulf %get3A_340, %get3A_343 : vector<32xbf16>
            %bitcast3A_345 = vector.bitcast %mul3A_344 : vector<32xbf16> to vector<16xi32>
            %shift_left3A_346 = arith.constant 16 : i32
            %shift_left3A_347 = vector.broadcast %shift_left3A_346 : i32 to vector<16xi32>
            %shift_left3A_348 = arith.shli %bitcast3A_345, %shift_left3A_347 : vector<16xi32>
            %bitcast3A_349 = vector.bitcast %shift_left3A_348 : vector<16xi32> to vector<16xf32>
            %and3A_350 = arith.constant -65536 : i32
            %and3A_351 = vector.broadcast %and3A_350 : i32 to vector<16xi32>
            %and3A_352 = arith.andi %bitcast3A_345, %and3A_351 : vector<16xi32>
            %bitcast3A_353 = vector.bitcast %and3A_352 : vector<16xi32> to vector<16xf32>
            %get3A_354 = arith.index_cast %add3A_321 : i32 to index
            %get3A_355 = arith.constant 64 : index
            %get3A_356 = tpu.vector_load %arg17[%get3A_354, %get3A_355] {strides = array<i32>} : memref<80x128xbf16, #tpu.memory_space<vmem>>, vector<32xbf16>,
            %get3A_357 = arith.index_cast %add3A_321 : i32 to index
            %get3A_358 = arith.constant 64 : index
            %get3A_359 = tpu.vector_load %arg18[%get3A_357, %get3A_358] {strides = array<i32>} : memref<80x128xbf16, #tpu.memory_space<vmem>>, vector<32xbf16>,
            %mul3A_360 = arith.mulf %get3A_356, %get3A_359 : vector<32xbf16>
            %bitcast3A_361 = vector.bitcast %mul3A_360 : vector<32xbf16> to vector<16xi32>
            %shift_left3A_362 = arith.constant 16 : i32
            %shift_left3A_363 = vector.broadcast %shift_left3A_362 : i32 to vector<16xi32>
            %shift_left3A_364 = arith.shli %bitcast3A_361, %shift_left3A_363 : vector<16xi32>
            %bitcast3A_365 = vector.bitcast %shift_left3A_364 : vector<16xi32> to vector<16xf32>
            %and3A_366 = arith.constant -65536 : i32
            %and3A_367 = vector.broadcast %and3A_366 : i32 to vector<16xi32>
            %and3A_368 = arith.andi %bitcast3A_361, %and3A_367 : vector<16xi32>
            %bitcast3A_369 = vector.bitcast %and3A_368 : vector<16xi32> to vector<16xf32>
            %get3A_370 = arith.index_cast %add3A_321 : i32 to index
            %get3A_371 = arith.constant 96 : index
            %get3A_372 = tpu.vector_load %arg17[%get3A_370, %get3A_371] {strides = array<i32>} : memref<80x128xbf16, #tpu.memory_space<vmem>>, vector<32xbf16>,
            %get3A_373 = arith.index_cast %add3A_321 : i32 to index
            %get3A_374 = arith.constant 96 : index
            %get3A_375 = tpu.vector_load %arg18[%get3A_373, %get3A_374] {strides = array<i32>} : memref<80x128xbf16, #tpu.memory_space<vmem>>, vector<32xbf16>,
            %mul3A_376 = arith.mulf %get3A_372, %get3A_375 : vector<32xbf16>
            %bitcast3A_377 = vector.bitcast %mul3A_376 : vector<32xbf16> to vector<16xi32>
            %shift_left3A_378 = arith.constant 16 : i32
            %shift_left3A_379 = vector.broadcast %shift_left3A_378 : i32 to vector<16xi32>
            %shift_left3A_380 = arith.shli %bitcast3A_377, %shift_left3A_379 : vector<16xi32>
            %bitcast3A_381 = vector.bitcast %shift_left3A_380 : vector<16xi32> to vector<16xf32>
            %and3A_382 = arith.constant -65536 : i32
            %and3A_383 = vector.broadcast %and3A_382 : i32 to vector<16xi32>
            %and3A_384 = arith.andi %bitcast3A_377, %and3A_383 : vector<16xi32>
            %bitcast3A_385 = vector.bitcast %and3A_384 : vector<16xi32> to vector<16xf32>
            %add3A_386 = arith.addf %bitcast3A_333, %bitcast3A_337 : vector<16xf32>
            %add3A_387 = arith.addf %bitcast3A_349, %bitcast3A_353 : vector<16xf32>
            %add3A_388 = arith.addf %bitcast3A_365, %bitcast3A_369 : vector<16xf32>
            %add3A_389 = arith.addf %bitcast3A_381, %bitcast3A_385 : vector<16xf32>
            %add3A_390 = arith.addf %add3A_386, %add3A_387 : vector<16xf32>
            %add3A_391 = arith.addf %add3A_388, %add3A_389 : vector<16xf32>
            %add3A_392 = arith.addf %add3A_390, %add3A_391 : vector<16xf32>
            %eq3A_393 = vector.broadcast %add3A_318 : i32 to vector<16xi32>
            %eq3A_394 = arith.cmpi eq, %iota3A, %eq3A_393 : vector<16xi32>
            %reduce_sum3A_395 = arith.constant true
            %reduce_sum3A_396 = vector.broadcast %reduce_sum3A_395 : i1 to vector<16xi1>
            %reduce_sum3A_397 = tpu.scan <sum>, %add3A_392 masked %reduce_sum3A_396 : vector<16xf32>, vector<16xi1> -> vector<16xf32>
            %reduce_sum3A_398 = vector.extract %reduce_sum3A_397[15] : f32 from vector<16xf32>
            %broadcast_in_dim3A_399 = vector.broadcast %reduce_sum3A_398 : f32 to vector<16xf32>
            %select_n3A_400 = arith.select %eq3A_394, %broadcast_in_dim3A_399, %select_n3A_312 : vector<16xi1>, vector<16xf32>
            %scan3A_401 = arith.constant 3 : i32
            %scan3A_402 = arith.addi %scan3A_143, %scan3A_401 : i32
            %mul3A_403 = arith.constant 1 : i32
            %mul3A_404 = arith.muli %scan3A_402, %mul3A_403 : i32
            %add3A_405 = arith.constant 0 : i32
            %add3A_406 = arith.addi %add3A_405, %mul3A_404 : i32
            %mul3A_407 = arith.constant 16 : i32
            %mul3A_408 = arith.muli %add3A_131, %mul3A_407 : i32
            %add3A_409 = arith.addi %mul3A_408, %add3A_406 : i32
            %get3A_410 = arith.index_cast %add3A_409 : i32 to index
            %get3A_411 = arith.constant 0 : index
            %get3A_412 = tpu.vector_load %arg17[%get3A_410, %get3A_411] {strides = array<i32>} : memref<80x128xbf16, #tpu.memory_space<vmem>>, vector<32xbf16>,
            %get3A_413 = arith.index_cast %add3A_409 : i32 to index
            %get3A_414 = arith.constant 0 : index
            %get3A_415 = tpu.vector_load %arg18[%get3A_413, %get3A_414] {strides = array<i32>} : memref<80x128xbf16, #tpu.memory_space<vmem>>, vector<32xbf16>,
            %mul3A_416 = arith.mulf %get3A_412, %get3A_415 : vector<32xbf16>
            %bitcast3A_417 = vector.bitcast %mul3A_416 : vector<32xbf16> to vector<16xi32>
            %shift_left3A_418 = arith.constant 16 : i32
            %shift_left3A_419 = vector.broadcast %shift_left3A_418 : i32 to vector<16xi32>
            %shift_left3A_420 = arith.shli %bitcast3A_417, %shift_left3A_419 : vector<16xi32>
            %bitcast3A_421 = vector.bitcast %shift_left3A_420 : vector<16xi32> to vector<16xf32>
            %and3A_422 = arith.constant -65536 : i32
            %and3A_423 = vector.broadcast %and3A_422 : i32 to vector<16xi32>
            %and3A_424 = arith.andi %bitcast3A_417, %and3A_423 : vector<16xi32>
            %bitcast3A_425 = vector.bitcast %and3A_424 : vector<16xi32> to vector<16xf32>
            %get3A_426 = arith.index_cast %add3A_409 : i32 to index
            %get3A_427 = arith.constant 32 : index
            %get3A_428 = tpu.vector_load %arg17[%get3A_426, %get3A_427] {strides = array<i32>} : memref<80x128xbf16, #tpu.memory_space<vmem>>, vector<32xbf16>,
            %get3A_429 = arith.index_cast %add3A_409 : i32 to index
            %get3A_430 = arith.constant 32 : index
            %get3A_431 = tpu.vector_load %arg18[%get3A_429, %get3A_430] {strides = array<i32>} : memref<80x128xbf16, #tpu.memory_space<vmem>>, vector<32xbf16>,
            %mul3A_432 = arith.mulf %get3A_428, %get3A_431 : vector<32xbf16>
            %bitcast3A_433 = vector.bitcast %mul3A_432 : vector<32xbf16> to vector<16xi32>
            %shift_left3A_434 = arith.constant 16 : i32
            %shift_left3A_435 = vector.broadcast %shift_left3A_434 : i32 to vector<16xi32>
            %shift_left3A_436 = arith.shli %bitcast3A_433, %shift_left3A_435 : vector<16xi32>
            %bitcast3A_437 = vector.bitcast %shift_left3A_436 : vector<16xi32> to vector<16xf32>
            %and3A_438 = arith.constant -65536 : i32
            %and3A_439 = vector.broadcast %and3A_438 : i32 to vector<16xi32>
            %and3A_440 = arith.andi %bitcast3A_433, %and3A_439 : vector<16xi32>
            %bitcast3A_441 = vector.bitcast %and3A_440 : vector<16xi32> to vector<16xf32>
            %get3A_442 = arith.index_cast %add3A_409 : i32 to index
            %get3A_443 = arith.constant 64 : index
            %get3A_444 = tpu.vector_load %arg17[%get3A_442, %get3A_443] {strides = array<i32>} : memref<80x128xbf16, #tpu.memory_space<vmem>>, vector<32xbf16>,
            %get3A_445 = arith.index_cast %add3A_409 : i32 to index
            %get3A_446 = arith.constant 64 : index
            %get3A_447 = tpu.vector_load %arg18[%get3A_445, %get3A_446] {strides = array<i32>} : memref<80x128xbf16, #tpu.memory_space<vmem>>, vector<32xbf16>,
            %mul3A_448 = arith.mulf %get3A_444, %get3A_447 : vector<32xbf16>
            %bitcast3A_449 = vector.bitcast %mul3A_448 : vector<32xbf16> to vector<16xi32>
            %shift_left3A_450 = arith.constant 16 : i32
            %shift_left3A_451 = vector.broadcast %shift_left3A_450 : i32 to vector<16xi32>
            %shift_left3A_452 = arith.shli %bitcast3A_449, %shift_left3A_451 : vector<16xi32>
            %bitcast3A_453 = vector.bitcast %shift_left3A_452 : vector<16xi32> to vector<16xf32>
            %and3A_454 = arith.constant -65536 : i32
            %and3A_455 = vector.broadcast %and3A_454 : i32 to vector<16xi32>
            %and3A_456 = arith.andi %bitcast3A_449, %and3A_455 : vector<16xi32>
            %bitcast3A_457 = vector.bitcast %and3A_456 : vector<16xi32> to vector<16xf32>
            %get3A_458 = arith.index_cast %add3A_409 : i32 to index
            %get3A_459 = arith.constant 96 : index
            %get3A_460 = tpu.vector_load %arg17[%get3A_458, %get3A_459] {strides = array<i32>} : memref<80x128xbf16, #tpu.memory_space<vmem>>, vector<32xbf16>,
            %get3A_461 = arith.index_cast %add3A_409 : i32 to index
            %get3A_462 = arith.constant 96 : index
            %get3A_463 = tpu.vector_load %arg18[%get3A_461, %get3A_462] {strides = array<i32>} : memref<80x128xbf16, #tpu.memory_space<vmem>>, vector<32xbf16>,
            %mul3A_464 = arith.mulf %get3A_460, %get3A_463 : vector<32xbf16>
            %bitcast3A_465 = vector.bitcast %mul3A_464 : vector<32xbf16> to vector<16xi32>
            %shift_left3A_466 = arith.constant 16 : i32
            %shift_left3A_467 = vector.broadcast %shift_left3A_466 : i32 to vector<16xi32>
            %shift_left3A_468 = arith.shli %bitcast3A_465, %shift_left3A_467 : vector<16xi32>
            %bitcast3A_469 = vector.bitcast %shift_left3A_468 : vector<16xi32> to vector<16xf32>
            %and3A_470 = arith.constant -65536 : i32
            %and3A_471 = vector.broadcast %and3A_470 : i32 to vector<16xi32>
            %and3A_472 = arith.andi %bitcast3A_465, %and3A_471 : vector<16xi32>
            %bitcast3A_473 = vector.bitcast %and3A_472 : vector<16xi32> to vector<16xf32>
            %add3A_474 = arith.addf %bitcast3A_421, %bitcast3A_425 : vector<16xf32>
            %add3A_475 = arith.addf %bitcast3A_437, %bitcast3A_441 : vector<16xf32>
            %add3A_476 = arith.addf %bitcast3A_453, %bitcast3A_457 : vector<16xf32>
            %add3A_477 = arith.addf %bitcast3A_469, %bitcast3A_473 : vector<16xf32>
            %add3A_478 = arith.addf %add3A_474, %add3A_475 : vector<16xf32>
            %add3A_479 = arith.addf %add3A_476, %add3A_477 : vector<16xf32>
            %add3A_480 = arith.addf %add3A_478, %add3A_479 : vector<16xf32>
            %eq3A_481 = vector.broadcast %add3A_406 : i32 to vector<16xi32>
            %eq3A_482 = arith.cmpi eq, %iota3A, %eq3A_481 : vector<16xi32>
            %reduce_sum3A_483 = arith.constant true
            %reduce_sum3A_484 = vector.broadcast %reduce_sum3A_483 : i1 to vector<16xi1>
            %reduce_sum3A_485 = tpu.scan <sum>, %add3A_480 masked %reduce_sum3A_484 : vector<16xf32>, vector<16xi1> -> vector<16xf32>
            %reduce_sum3A_486 = vector.extract %reduce_sum3A_485[15] : f32 from vector<16xf32>
            %broadcast_in_dim3A_487 = vector.broadcast %reduce_sum3A_486 : f32 to vector<16xf32>
            %select_n3A_488 = arith.select %eq3A_482, %broadcast_in_dim3A_487, %select_n3A_400 : vector<16xi1>, vector<16xf32>
            scf.yield %select_n3A_488 : vector<16xf32>
          }
          %scan3A_138 = arith.constant 16 : i32
          %mul3A_139 = arith.constant 16 : i32
          %mul3A_140 = arith.muli %add3A_131, %mul3A_139 : i32
          %add3A_141 = arith.addi %mul3A_114, %mul3A_140 : i32
          %swap3A = arith.index_cast %add3A_141 : i32 to index
          %swap3A_142 = tpu.vector_load %arg21[%swap3A] {strides = array<i32>} : memref<10000xf32, #tpu.memory_space<vmem>>, vector<16xf32>,
          tpu.vector_store %arg21[%swap3A], %scan3A_137 {strides = array<i32>} : memref<10000xf32, #tpu.memory_space<vmem>>, vector<16xf32>,
        }
        %scan3A_119 = arith.constant 5 : i32
        %add3A_120 = arith.constant 3 : i32
        %add3A_121 = arith.addi %add3A_87, %add3A_120 : i32
        %lt3A_122 = arith.constant 125 : i32
        %lt3A_123 = arith.cmpi slt, %add3A_121, %lt3A_122 : i32
        %convert_element_type3A_124 = arith.extui %lt3A_123 : i1 to i32
        %cond3A_125 = arith.constant 0 : i32
        %cond3A_126 = arith.cmpi ne, %convert_element_type3A_124, %cond3A_125 : i32
        scf.if %cond3A_126 {
          %add3A_127 = arith.constant 3 : i32
          %add3A_128 = arith.addi %add3A_87, %add3A_127 : i32
          %mul3A_129 = arith.constant 80 : i32
          %mul3A_130 = arith.muli %add3A_128, %mul3A_129 : i32
          %add3A_131 = arith.addi %mul3A_6, %mul3A_130 : i32
          %mul3A_132 = arith.constant 80 : i32
          %mul3A_133 = arith.muli %add3A_128, %mul3A_132 : i32
          %add3A_134 = arith.addi %mul3A_6, %mul3A_133 : i32
          %dma_wait3A_135 = tpu.memref_slice %arg4[%add3A_131] : memref<320000xi32, #tpu.memory_space<hbm>> -> memref<80xi32, #tpu.memory_space<hbm>>
          %dma_wait3A_136 = tpu.memref_slice %arg4[%add3A_131] : memref<320000xi32, #tpu.memory_space<hbm>> -> memref<80xi32, #tpu.memory_space<hbm>>
          tpu.wait_dma2 semaphore(%arg23 : memref<!tpu.dma_semaphore, #tpu.memory_space<semaphore_mem>>) src(%dma_wait3A_136 : memref<80xi32, #tpu.memory_space<hbm>>) dst(%arg11 : memref<80xi32, #tpu.memory_space<vmem>>)
          %dma_wait3A_137 = tpu.memref_slice %arg5[%add3A_134] : memref<320000xi32, #tpu.memory_space<hbm>> -> memref<80xi32, #tpu.memory_space<hbm>>
          %dma_wait3A_138 = tpu.memref_slice %arg5[%add3A_134] : memref<320000xi32, #tpu.memory_space<hbm>> -> memref<80xi32, #tpu.memory_space<hbm>>
          tpu.wait_dma2 semaphore(%arg23 : memref<!tpu.dma_semaphore, #tpu.memory_space<semaphore_mem>>) src(%dma_wait3A_138 : memref<80xi32, #tpu.memory_space<hbm>>) dst(%arg12 : memref<80xi32, #tpu.memory_space<vmem>>)
          %dma_start3A_139 = arith.constant 0 : i32
          %dma_start3A_140 = arith.constant 0 : i32
          %dma_start3A_141 = tpu.memref_slice %arg7[%dma_start3A_139, %dma_start3A_140] : memref<10000x128xbf16, #tpu.memory_space<vmem_shared>> -> memref<10000x128xbf16, #tpu.memory_space<vmem_shared>>
          tpu.enqueue_indirect_dma source(%dma_start3A_141 : memref<10000x128xbf16, #tpu.memory_space<vmem_shared>>) target(%arg17 : memref<80x128xbf16, #tpu.memory_space<vmem>>) offsets(%arg11 : memref<80xi32, #tpu.memory_space<vmem>>) semaphore(%arg26 : memref<!tpu.dma_semaphore, #tpu.memory_space<semaphore_mem>>)
          %dma_start3A_142 = arith.constant 0 : i32
          %dma_start3A_143 = arith.constant 0 : i32
          %dma_start3A_144 = tpu.memref_slice %arg8[%dma_start3A_142, %dma_start3A_143] : memref<10000x128xbf16, #tpu.memory_space<vmem_shared>> -> memref<10000x128xbf16, #tpu.memory_space<vmem_shared>>
          tpu.enqueue_indirect_dma source(%dma_start3A_144 : memref<10000x128xbf16, #tpu.memory_space<vmem_shared>>) target(%arg18 : memref<80x128xbf16, #tpu.memory_space<vmem>>) offsets(%arg12 : memref<80xi32, #tpu.memory_space<vmem>>) semaphore(%arg26 : memref<!tpu.dma_semaphore, #tpu.memory_space<semaphore_mem>>)
        } else {
        }
      } else {
      }
      %add3A_93 = arith.constant 2 : i32
      %add3A_94 = arith.addi %add3A_79, %add3A_93 : i32
      %lt3A_95 = arith.constant 125 : i32
      %lt3A_96 = arith.cmpi slt, %add3A_94, %lt3A_95 : i32
      %convert_element_type3A_97 = arith.extui %lt3A_96 : i1 to i32
      %cond3A_98 = arith.constant 0 : i32
      %cond3A_99 = arith.cmpi ne, %convert_element_type3A_97, %cond3A_98 : i32
      scf.if %cond3A_99 {
        %dma_wait3A_100 = arith.constant 0 : i32
        %dma_wait3A_101 = arith.constant 0 : i32
        %dma_wait3A_102 = tpu.memref_slice %arg7[%dma_wait3A_100, %dma_wait3A_101] : memref<10000x128xbf16, #tpu.memory_space<vmem_shared>> -> memref<10000x128xbf16, #tpu.memory_space<vmem_shared>>
        tpu.wait_indirect_dma semaphore(%arg27 : memref<!tpu.dma_semaphore, #tpu.memory_space<semaphore_mem>>) src(%dma_wait3A_102 : memref<10000x128xbf16, #tpu.memory_space<vmem_shared>>) dst(%arg19 : memref<80x128xbf16, #tpu.memory_space<vmem>>)
        %dma_wait3A_103 = arith.constant 0 : i32
        %dma_wait3A_104 = arith.constant 0 : i32
        %dma_wait3A_105 = tpu.memref_slice %arg8[%dma_wait3A_103, %dma_wait3A_104] : memref<10000x128xbf16, #tpu.memory_space<vmem_shared>> -> memref<10000x128xbf16, #tpu.memory_space<vmem_shared>>
        tpu.wait_indirect_dma semaphore(%arg27 : memref<!tpu.dma_semaphore, #tpu.memory_space<semaphore_mem>>) src(%dma_wait3A_105 : memref<10000x128xbf16, #tpu.memory_space<vmem_shared>>) dst(%arg20 : memref<80x128xbf16, #tpu.memory_space<vmem>>)
        %add3A_106 = arith.constant 3 : i32
        %add3A_107 = arith.addi %add3A_94, %add3A_106 : i32
        %lt3A_108 = arith.constant 125 : i32
        %lt3A_109 = arith.cmpi slt, %add3A_107, %lt3A_108 : i32
        %convert_element_type3A_110 = arith.extui %lt3A_109 : i1 to i32
        %cond3A_111 = arith.constant 0 : i32
        %cond3A_112 = arith.cmpi ne, %convert_element_type3A_110, %cond3A_111 : i32
        scf.if %cond3A_112 {
          %add3A_127 = arith.constant 3 : i32
          %add3A_128 = arith.addi %add3A_94, %add3A_127 : i32
          %mul3A_129 = arith.constant 80 : i32
          %mul3A_130 = arith.muli %add3A_128, %mul3A_129 : i32
          %add3A_131 = arith.addi %mul3A_6, %mul3A_130 : i32
          %mul3A_132 = arith.constant 80 : i32
          %mul3A_133 = arith.muli %add3A_128, %mul3A_132 : i32
          %add3A_134 = arith.addi %mul3A_6, %mul3A_133 : i32
          %dma_start3A_135 = tpu.memref_slice %arg4[%add3A_131] : memref<320000xi32, #tpu.memory_space<hbm>> -> memref<80xi32, #tpu.memory_space<hbm>>
          %dma_start3A_136 = tpu.memref_slice %arg4[%add3A_131] : memref<320000xi32, #tpu.memory_space<hbm>> -> memref<80xi32, #tpu.memory_space<hbm>>
          tpu.enqueue_dma source(%dma_start3A_136 : memref<80xi32, #tpu.memory_space<hbm>>) target(%arg13 : memref<80xi32, #tpu.memory_space<vmem>>) target_semaphore(%arg24 : memref<!tpu.dma_semaphore, #tpu.memory_space<semaphore_mem>>)
          %dma_start3A_137 = tpu.memref_slice %arg5[%add3A_134] : memref<320000xi32, #tpu.memory_space<hbm>> -> memref<80xi32, #tpu.memory_space<hbm>>
          %dma_start3A_138 = tpu.memref_slice %arg5[%add3A_134] : memref<320000xi32, #tpu.memory_space<hbm>> -> memref<80xi32, #tpu.memory_space<hbm>>
          tpu.enqueue_dma source(%dma_start3A_138 : memref<80xi32, #tpu.memory_space<hbm>>) target(%arg14 : memref<80xi32, #tpu.memory_space<vmem>>) target_semaphore(%arg24 : memref<!tpu.dma_semaphore, #tpu.memory_space<semaphore_mem>>)
        } else {
        }
        %mul3A_113 = arith.constant 80 : i32
        %mul3A_114 = arith.muli %add3A_94, %mul3A_113 : i32
        %scan3A_115 = arith.constant 0 : i32
        %scan3A_116 = arith.constant 5 : i32
        %scan3A_117 = arith.addi %scan3A_115, %scan3A_116 : i32
        %scan3A_118 = arith.constant 1 : i32
        scf.for %scan3A_127 = %scan3A_115 to %scan3A_117 step %scan3A_118  : i32 {
          %mul3A_128 = arith.constant 1 : i32
          %mul3A_129 = arith.muli %scan3A_127, %mul3A_128 : i32
          %add3A_130 = arith.constant 0 : i32
          %add3A_131 = arith.addi %add3A_130, %mul3A_129 : i32
          %iota3A = tpu.iota {dimensions = array<i32: 0>} : vector<16xi32>
          %broadcast_in_dim3A = arith.constant 0.000000e+00 : f32
          %broadcast_in_dim3A_132 = vector.broadcast %broadcast_in_dim3A : f32 to vector<16xf32>
          %scan3A_133 = arith.constant 0 : i32
          %scan3A_134 = arith.constant 16 : i32
          %scan3A_135 = arith.addi %scan3A_133, %scan3A_134 : i32
          %scan3A_136 = arith.constant 4 : i32
          %scan3A_137 = scf.for %scan3A_143 = %scan3A_133 to %scan3A_135 step %scan3A_136 iter_args(%scan3A_144 = %broadcast_in_dim3A_132) -> (vector<16xf32>)  : i32 {
            %mul3A_145 = arith.constant 1 : i32
            %mul3A_146 = arith.muli %scan3A_143, %mul3A_145 : i32
            %add3A_147 = arith.constant 0 : i32
            %add3A_148 = arith.addi %add3A_147, %mul3A_146 : i32
            %mul3A_149 = arith.constant 16 : i32
            %mul3A_150 = arith.muli %add3A_131, %mul3A_149 : i32
            %add3A_151 = arith.addi %mul3A_150, %add3A_148 : i32
            %get3A = arith.index_cast %add3A_151 : i32 to index
            %get3A_152 = arith.constant 0 : index
            %get3A_153 = tpu.vector_load %arg19[%get3A, %get3A_152] {strides = array<i32>} : memref<80x128xbf16, #tpu.memory_space<vmem>>, vector<32xbf16>,
            %get3A_154 = arith.index_cast %add3A_151 : i32 to index
            %get3A_155 = arith.constant 0 : index
            %get3A_156 = tpu.vector_load %arg20[%get3A_154, %get3A_155] {strides = array<i32>} : memref<80x128xbf16, #tpu.memory_space<vmem>>, vector<32xbf16>,
            %mul3A_157 = arith.mulf %get3A_153, %get3A_156 : vector<32xbf16>
            %bitcast3A = vector.bitcast %mul3A_157 : vector<32xbf16> to vector<16xi32>
            %shift_left3A = arith.constant 16 : i32
            %shift_left3A_158 = vector.broadcast %shift_left3A : i32 to vector<16xi32>
            %shift_left3A_159 = arith.shli %bitcast3A, %shift_left3A_158 : vector<16xi32>
            %bitcast3A_160 = vector.bitcast %shift_left3A_159 : vector<16xi32> to vector<16xf32>
            %and3A = arith.constant -65536 : i32
            %and3A_161 = vector.broadcast %and3A : i32 to vector<16xi32>
            %and3A_162 = arith.andi %bitcast3A, %and3A_161 : vector<16xi32>
            %bitcast3A_163 = vector.bitcast %and3A_162 : vector<16xi32> to vector<16xf32>
            %get3A_164 = arith.index_cast %add3A_151 : i32 to index
            %get3A_165 = arith.constant 32 : index
            %get3A_166 = tpu.vector_load %arg19[%get3A_164, %get3A_165] {strides = array<i32>} : memref<80x128xbf16, #tpu.memory_space<vmem>>, vector<32xbf16>,
            %get3A_167 = arith.index_cast %add3A_151 : i32 to index
            %get3A_168 = arith.constant 32 : index
            %get3A_169 = tpu.vector_load %arg20[%get3A_167, %get3A_168] {strides = array<i32>} : memref<80x128xbf16, #tpu.memory_space<vmem>>, vector<32xbf16>,
            %mul3A_170 = arith.mulf %get3A_166, %get3A_169 : vector<32xbf16>
            %bitcast3A_171 = vector.bitcast %mul3A_170 : vector<32xbf16> to vector<16xi32>
            %shift_left3A_172 = arith.constant 16 : i32
            %shift_left3A_173 = vector.broadcast %shift_left3A_172 : i32 to vector<16xi32>
            %shift_left3A_174 = arith.shli %bitcast3A_171, %shift_left3A_173 : vector<16xi32>
            %bitcast3A_175 = vector.bitcast %shift_left3A_174 : vector<16xi32> to vector<16xf32>
            %and3A_176 = arith.constant -65536 : i32
            %and3A_177 = vector.broadcast %and3A_176 : i32 to vector<16xi32>
            %and3A_178 = arith.andi %bitcast3A_171, %and3A_177 : vector<16xi32>
            %bitcast3A_179 = vector.bitcast %and3A_178 : vector<16xi32> to vector<16xf32>
            %get3A_180 = arith.index_cast %add3A_151 : i32 to index
            %get3A_181 = arith.constant 64 : index
            %get3A_182 = tpu.vector_load %arg19[%get3A_180, %get3A_181] {strides = array<i32>} : memref<80x128xbf16, #tpu.memory_space<vmem>>, vector<32xbf16>,
            %get3A_183 = arith.index_cast %add3A_151 : i32 to index
            %get3A_184 = arith.constant 64 : index
            %get3A_185 = tpu.vector_load %arg20[%get3A_183, %get3A_184] {strides = array<i32>} : memref<80x128xbf16, #tpu.memory_space<vmem>>, vector<32xbf16>,
            %mul3A_186 = arith.mulf %get3A_182, %get3A_185 : vector<32xbf16>
            %bitcast3A_187 = vector.bitcast %mul3A_186 : vector<32xbf16> to vector<16xi32>
            %shift_left3A_188 = arith.constant 16 : i32
            %shift_left3A_189 = vector.broadcast %shift_left3A_188 : i32 to vector<16xi32>
            %shift_left3A_190 = arith.shli %bitcast3A_187, %shift_left3A_189 : vector<16xi32>
            %bitcast3A_191 = vector.bitcast %shift_left3A_190 : vector<16xi32> to vector<16xf32>
            %and3A_192 = arith.constant -65536 : i32
            %and3A_193 = vector.broadcast %and3A_192 : i32 to vector<16xi32>
            %and3A_194 = arith.andi %bitcast3A_187, %and3A_193 : vector<16xi32>
            %bitcast3A_195 = vector.bitcast %and3A_194 : vector<16xi32> to vector<16xf32>
            %get3A_196 = arith.index_cast %add3A_151 : i32 to index
            %get3A_197 = arith.constant 96 : index
            %get3A_198 = tpu.vector_load %arg19[%get3A_196, %get3A_197] {strides = array<i32>} : memref<80x128xbf16, #tpu.memory_space<vmem>>, vector<32xbf16>,
            %get3A_199 = arith.index_cast %add3A_151 : i32 to index
            %get3A_200 = arith.constant 96 : index
            %get3A_201 = tpu.vector_load %arg20[%get3A_199, %get3A_200] {strides = array<i32>} : memref<80x128xbf16, #tpu.memory_space<vmem>>, vector<32xbf16>,
            %mul3A_202 = arith.mulf %get3A_198, %get3A_201 : vector<32xbf16>
            %bitcast3A_203 = vector.bitcast %mul3A_202 : vector<32xbf16> to vector<16xi32>
            %shift_left3A_204 = arith.constant 16 : i32
            %shift_left3A_205 = vector.broadcast %shift_left3A_204 : i32 to vector<16xi32>
            %shift_left3A_206 = arith.shli %bitcast3A_203, %shift_left3A_205 : vector<16xi32>
            %bitcast3A_207 = vector.bitcast %shift_left3A_206 : vector<16xi32> to vector<16xf32>
            %and3A_208 = arith.constant -65536 : i32
            %and3A_209 = vector.broadcast %and3A_208 : i32 to vector<16xi32>
            %and3A_210 = arith.andi %bitcast3A_203, %and3A_209 : vector<16xi32>
            %bitcast3A_211 = vector.bitcast %and3A_210 : vector<16xi32> to vector<16xf32>
            %add3A_212 = arith.addf %bitcast3A_160, %bitcast3A_163 : vector<16xf32>
            %add3A_213 = arith.addf %bitcast3A_175, %bitcast3A_179 : vector<16xf32>
            %add3A_214 = arith.addf %bitcast3A_191, %bitcast3A_195 : vector<16xf32>
            %add3A_215 = arith.addf %bitcast3A_207, %bitcast3A_211 : vector<16xf32>
            %add3A_216 = arith.addf %add3A_212, %add3A_213 : vector<16xf32>
            %add3A_217 = arith.addf %add3A_214, %add3A_215 : vector<16xf32>
            %add3A_218 = arith.addf %add3A_216, %add3A_217 : vector<16xf32>
            %eq3A_219 = vector.broadcast %add3A_148 : i32 to vector<16xi32>
            %eq3A_220 = arith.cmpi eq, %iota3A, %eq3A_219 : vector<16xi32>
            %reduce_sum3A = arith.constant true
            %reduce_sum3A_221 = vector.broadcast %reduce_sum3A : i1 to vector<16xi1>
            %reduce_sum3A_222 = tpu.scan <sum>, %add3A_218 masked %reduce_sum3A_221 : vector<16xf32>, vector<16xi1> -> vector<16xf32>
            %reduce_sum3A_223 = vector.extract %reduce_sum3A_222[15] : f32 from vector<16xf32>
            %broadcast_in_dim3A_224 = vector.broadcast %reduce_sum3A_223 : f32 to vector<16xf32>
            %select_n3A = arith.select %eq3A_220, %broadcast_in_dim3A_224, %scan3A_144 : vector<16xi1>, vector<16xf32>
            %scan3A_225 = arith.constant 1 : i32
            %scan3A_226 = arith.addi %scan3A_143, %scan3A_225 : i32
            %mul3A_227 = arith.constant 1 : i32
            %mul3A_228 = arith.muli %scan3A_226, %mul3A_227 : i32
            %add3A_229 = arith.constant 0 : i32
            %add3A_230 = arith.addi %add3A_229, %mul3A_228 : i32
            %mul3A_231 = arith.constant 16 : i32
            %mul3A_232 = arith.muli %add3A_131, %mul3A_231 : i32
            %add3A_233 = arith.addi %mul3A_232, %add3A_230 : i32
            %get3A_234 = arith.index_cast %add3A_233 : i32 to index
            %get3A_235 = arith.constant 0 : index
            %get3A_236 = tpu.vector_load %arg19[%get3A_234, %get3A_235] {strides = array<i32>} : memref<80x128xbf16, #tpu.memory_space<vmem>>, vector<32xbf16>,
            %get3A_237 = arith.index_cast %add3A_233 : i32 to index
            %get3A_238 = arith.constant 0 : index
            %get3A_239 = tpu.vector_load %arg20[%get3A_237, %get3A_238] {strides = array<i32>} : memref<80x128xbf16, #tpu.memory_space<vmem>>, vector<32xbf16>,
            %mul3A_240 = arith.mulf %get3A_236, %get3A_239 : vector<32xbf16>
            %bitcast3A_241 = vector.bitcast %mul3A_240 : vector<32xbf16> to vector<16xi32>
            %shift_left3A_242 = arith.constant 16 : i32
            %shift_left3A_243 = vector.broadcast %shift_left3A_242 : i32 to vector<16xi32>
            %shift_left3A_244 = arith.shli %bitcast3A_241, %shift_left3A_243 : vector<16xi32>
            %bitcast3A_245 = vector.bitcast %shift_left3A_244 : vector<16xi32> to vector<16xf32>
            %and3A_246 = arith.constant -65536 : i32
            %and3A_247 = vector.broadcast %and3A_246 : i32 to vector<16xi32>
            %and3A_248 = arith.andi %bitcast3A_241, %and3A_247 : vector<16xi32>
            %bitcast3A_249 = vector.bitcast %and3A_248 : vector<16xi32> to vector<16xf32>
            %get3A_250 = arith.index_cast %add3A_233 : i32 to index
            %get3A_251 = arith.constant 32 : index
            %get3A_252 = tpu.vector_load %arg19[%get3A_250, %get3A_251] {strides = array<i32>} : memref<80x128xbf16, #tpu.memory_space<vmem>>, vector<32xbf16>,
            %get3A_253 = arith.index_cast %add3A_233 : i32 to index
            %get3A_254 = arith.constant 32 : index
            %get3A_255 = tpu.vector_load %arg20[%get3A_253, %get3A_254] {strides = array<i32>} : memref<80x128xbf16, #tpu.memory_space<vmem>>, vector<32xbf16>,
            %mul3A_256 = arith.mulf %get3A_252, %get3A_255 : vector<32xbf16>
            %bitcast3A_257 = vector.bitcast %mul3A_256 : vector<32xbf16> to vector<16xi32>
            %shift_left3A_258 = arith.constant 16 : i32
            %shift_left3A_259 = vector.broadcast %shift_left3A_258 : i32 to vector<16xi32>
            %shift_left3A_260 = arith.shli %bitcast3A_257, %shift_left3A_259 : vector<16xi32>
            %bitcast3A_261 = vector.bitcast %shift_left3A_260 : vector<16xi32> to vector<16xf32>
            %and3A_262 = arith.constant -65536 : i32
            %and3A_263 = vector.broadcast %and3A_262 : i32 to vector<16xi32>
            %and3A_264 = arith.andi %bitcast3A_257, %and3A_263 : vector<16xi32>
            %bitcast3A_265 = vector.bitcast %and3A_264 : vector<16xi32> to vector<16xf32>
            %get3A_266 = arith.index_cast %add3A_233 : i32 to index
            %get3A_267 = arith.constant 64 : index
            %get3A_268 = tpu.vector_load %arg19[%get3A_266, %get3A_267] {strides = array<i32>} : memref<80x128xbf16, #tpu.memory_space<vmem>>, vector<32xbf16>,
            %get3A_269 = arith.index_cast %add3A_233 : i32 to index
            %get3A_270 = arith.constant 64 : index
            %get3A_271 = tpu.vector_load %arg20[%get3A_269, %get3A_270] {strides = array<i32>} : memref<80x128xbf16, #tpu.memory_space<vmem>>, vector<32xbf16>,
            %mul3A_272 = arith.mulf %get3A_268, %get3A_271 : vector<32xbf16>
            %bitcast3A_273 = vector.bitcast %mul3A_272 : vector<32xbf16> to vector<16xi32>
            %shift_left3A_274 = arith.constant 16 : i32
            %shift_left3A_275 = vector.broadcast %shift_left3A_274 : i32 to vector<16xi32>
            %shift_left3A_276 = arith.shli %bitcast3A_273, %shift_left3A_275 : vector<16xi32>
            %bitcast3A_277 = vector.bitcast %shift_left3A_276 : vector<16xi32> to vector<16xf32>
            %and3A_278 = arith.constant -65536 : i32
            %and3A_279 = vector.broadcast %and3A_278 : i32 to vector<16xi32>
            %and3A_280 = arith.andi %bitcast3A_273, %and3A_279 : vector<16xi32>
            %bitcast3A_281 = vector.bitcast %and3A_280 : vector<16xi32> to vector<16xf32>
            %get3A_282 = arith.index_cast %add3A_233 : i32 to index
            %get3A_283 = arith.constant 96 : index
            %get3A_284 = tpu.vector_load %arg19[%get3A_282, %get3A_283] {strides = array<i32>} : memref<80x128xbf16, #tpu.memory_space<vmem>>, vector<32xbf16>,
            %get3A_285 = arith.index_cast %add3A_233 : i32 to index
            %get3A_286 = arith.constant 96 : index
            %get3A_287 = tpu.vector_load %arg20[%get3A_285, %get3A_286] {strides = array<i32>} : memref<80x128xbf16, #tpu.memory_space<vmem>>, vector<32xbf16>,
            %mul3A_288 = arith.mulf %get3A_284, %get3A_287 : vector<32xbf16>
            %bitcast3A_289 = vector.bitcast %mul3A_288 : vector<32xbf16> to vector<16xi32>
            %shift_left3A_290 = arith.constant 16 : i32
            %shift_left3A_291 = vector.broadcast %shift_left3A_290 : i32 to vector<16xi32>
            %shift_left3A_292 = arith.shli %bitcast3A_289, %shift_left3A_291 : vector<16xi32>
            %bitcast3A_293 = vector.bitcast %shift_left3A_292 : vector<16xi32> to vector<16xf32>
            %and3A_294 = arith.constant -65536 : i32
            %and3A_295 = vector.broadcast %and3A_294 : i32 to vector<16xi32>
            %and3A_296 = arith.andi %bitcast3A_289, %and3A_295 : vector<16xi32>
            %bitcast3A_297 = vector.bitcast %and3A_296 : vector<16xi32> to vector<16xf32>
            %add3A_298 = arith.addf %bitcast3A_245, %bitcast3A_249 : vector<16xf32>
            %add3A_299 = arith.addf %bitcast3A_261, %bitcast3A_265 : vector<16xf32>
            %add3A_300 = arith.addf %bitcast3A_277, %bitcast3A_281 : vector<16xf32>
            %add3A_301 = arith.addf %bitcast3A_293, %bitcast3A_297 : vector<16xf32>
            %add3A_302 = arith.addf %add3A_298, %add3A_299 : vector<16xf32>
            %add3A_303 = arith.addf %add3A_300, %add3A_301 : vector<16xf32>
            %add3A_304 = arith.addf %add3A_302, %add3A_303 : vector<16xf32>
            %eq3A_305 = vector.broadcast %add3A_230 : i32 to vector<16xi32>
            %eq3A_306 = arith.cmpi eq, %iota3A, %eq3A_305 : vector<16xi32>
            %reduce_sum3A_307 = arith.constant true
            %reduce_sum3A_308 = vector.broadcast %reduce_sum3A_307 : i1 to vector<16xi1>
            %reduce_sum3A_309 = tpu.scan <sum>, %add3A_304 masked %reduce_sum3A_308 : vector<16xf32>, vector<16xi1> -> vector<16xf32>
            %reduce_sum3A_310 = vector.extract %reduce_sum3A_309[15] : f32 from vector<16xf32>
            %broadcast_in_dim3A_311 = vector.broadcast %reduce_sum3A_310 : f32 to vector<16xf32>
            %select_n3A_312 = arith.select %eq3A_306, %broadcast_in_dim3A_311, %select_n3A : vector<16xi1>, vector<16xf32>
            %scan3A_313 = arith.constant 2 : i32
            %scan3A_314 = arith.addi %scan3A_143, %scan3A_313 : i32
            %mul3A_315 = arith.constant 1 : i32
            %mul3A_316 = arith.muli %scan3A_314, %mul3A_315 : i32
            %add3A_317 = arith.constant 0 : i32
            %add3A_318 = arith.addi %add3A_317, %mul3A_316 : i32
            %mul3A_319 = arith.constant 16 : i32
            %mul3A_320 = arith.muli %add3A_131, %mul3A_319 : i32
            %add3A_321 = arith.addi %mul3A_320, %add3A_318 : i32
            %get3A_322 = arith.index_cast %add3A_321 : i32 to index
            %get3A_323 = arith.constant 0 : index
            %get3A_324 = tpu.vector_load %arg19[%get3A_322, %get3A_323] {strides = array<i32>} : memref<80x128xbf16, #tpu.memory_space<vmem>>, vector<32xbf16>,
            %get3A_325 = arith.index_cast %add3A_321 : i32 to index
            %get3A_326 = arith.constant 0 : index
            %get3A_327 = tpu.vector_load %arg20[%get3A_325, %get3A_326] {strides = array<i32>} : memref<80x128xbf16, #tpu.memory_space<vmem>>, vector<32xbf16>,
            %mul3A_328 = arith.mulf %get3A_324, %get3A_327 : vector<32xbf16>
            %bitcast3A_329 = vector.bitcast %mul3A_328 : vector<32xbf16> to vector<16xi32>
            %shift_left3A_330 = arith.constant 16 : i32
            %shift_left3A_331 = vector.broadcast %shift_left3A_330 : i32 to vector<16xi32>
            %shift_left3A_332 = arith.shli %bitcast3A_329, %shift_left3A_331 : vector<16xi32>
            %bitcast3A_333 = vector.bitcast %shift_left3A_332 : vector<16xi32> to vector<16xf32>
            %and3A_334 = arith.constant -65536 : i32
            %and3A_335 = vector.broadcast %and3A_334 : i32 to vector<16xi32>
            %and3A_336 = arith.andi %bitcast3A_329, %and3A_335 : vector<16xi32>
            %bitcast3A_337 = vector.bitcast %and3A_336 : vector<16xi32> to vector<16xf32>
            %get3A_338 = arith.index_cast %add3A_321 : i32 to index
            %get3A_339 = arith.constant 32 : index
            %get3A_340 = tpu.vector_load %arg19[%get3A_338, %get3A_339] {strides = array<i32>} : memref<80x128xbf16, #tpu.memory_space<vmem>>, vector<32xbf16>,
            %get3A_341 = arith.index_cast %add3A_321 : i32 to index
            %get3A_342 = arith.constant 32 : index
            %get3A_343 = tpu.vector_load %arg20[%get3A_341, %get3A_342] {strides = array<i32>} : memref<80x128xbf16, #tpu.memory_space<vmem>>, vector<32xbf16>,
            %mul3A_344 = arith.mulf %get3A_340, %get3A_343 : vector<32xbf16>
            %bitcast3A_345 = vector.bitcast %mul3A_344 : vector<32xbf16> to vector<16xi32>
            %shift_left3A_346 = arith.constant 16 : i32
            %shift_left3A_347 = vector.broadcast %shift_left3A_346 : i32 to vector<16xi32>
            %shift_left3A_348 = arith.shli %bitcast3A_345, %shift_left3A_347 : vector<16xi32>
            %bitcast3A_349 = vector.bitcast %shift_left3A_348 : vector<16xi32> to vector<16xf32>
            %and3A_350 = arith.constant -65536 : i32
            %and3A_351 = vector.broadcast %and3A_350 : i32 to vector<16xi32>
            %and3A_352 = arith.andi %bitcast3A_345, %and3A_351 : vector<16xi32>
            %bitcast3A_353 = vector.bitcast %and3A_352 : vector<16xi32> to vector<16xf32>
            %get3A_354 = arith.index_cast %add3A_321 : i32 to index
            %get3A_355 = arith.constant 64 : index
            %get3A_356 = tpu.vector_load %arg19[%get3A_354, %get3A_355] {strides = array<i32>} : memref<80x128xbf16, #tpu.memory_space<vmem>>, vector<32xbf16>,
            %get3A_357 = arith.index_cast %add3A_321 : i32 to index
            %get3A_358 = arith.constant 64 : index
            %get3A_359 = tpu.vector_load %arg20[%get3A_357, %get3A_358] {strides = array<i32>} : memref<80x128xbf16, #tpu.memory_space<vmem>>, vector<32xbf16>,
            %mul3A_360 = arith.mulf %get3A_356, %get3A_359 : vector<32xbf16>
            %bitcast3A_361 = vector.bitcast %mul3A_360 : vector<32xbf16> to vector<16xi32>
            %shift_left3A_362 = arith.constant 16 : i32
            %shift_left3A_363 = vector.broadcast %shift_left3A_362 : i32 to vector<16xi32>
            %shift_left3A_364 = arith.shli %bitcast3A_361, %shift_left3A_363 : vector<16xi32>
            %bitcast3A_365 = vector.bitcast %shift_left3A_364 : vector<16xi32> to vector<16xf32>
            %and3A_366 = arith.constant -65536 : i32
            %and3A_367 = vector.broadcast %and3A_366 : i32 to vector<16xi32>
            %and3A_368 = arith.andi %bitcast3A_361, %and3A_367 : vector<16xi32>
            %bitcast3A_369 = vector.bitcast %and3A_368 : vector<16xi32> to vector<16xf32>
            %get3A_370 = arith.index_cast %add3A_321 : i32 to index
            %get3A_371 = arith.constant 96 : index
            %get3A_372 = tpu.vector_load %arg19[%get3A_370, %get3A_371] {strides = array<i32>} : memref<80x128xbf16, #tpu.memory_space<vmem>>, vector<32xbf16>,
            %get3A_373 = arith.index_cast %add3A_321 : i32 to index
            %get3A_374 = arith.constant 96 : index
            %get3A_375 = tpu.vector_load %arg20[%get3A_373, %get3A_374] {strides = array<i32>} : memref<80x128xbf16, #tpu.memory_space<vmem>>, vector<32xbf16>,
            %mul3A_376 = arith.mulf %get3A_372, %get3A_375 : vector<32xbf16>
            %bitcast3A_377 = vector.bitcast %mul3A_376 : vector<32xbf16> to vector<16xi32>
            %shift_left3A_378 = arith.constant 16 : i32
            %shift_left3A_379 = vector.broadcast %shift_left3A_378 : i32 to vector<16xi32>
            %shift_left3A_380 = arith.shli %bitcast3A_377, %shift_left3A_379 : vector<16xi32>
            %bitcast3A_381 = vector.bitcast %shift_left3A_380 : vector<16xi32> to vector<16xf32>
            %and3A_382 = arith.constant -65536 : i32
            %and3A_383 = vector.broadcast %and3A_382 : i32 to vector<16xi32>
            %and3A_384 = arith.andi %bitcast3A_377, %and3A_383 : vector<16xi32>
            %bitcast3A_385 = vector.bitcast %and3A_384 : vector<16xi32> to vector<16xf32>
            %add3A_386 = arith.addf %bitcast3A_333, %bitcast3A_337 : vector<16xf32>
            %add3A_387 = arith.addf %bitcast3A_349, %bitcast3A_353 : vector<16xf32>
            %add3A_388 = arith.addf %bitcast3A_365, %bitcast3A_369 : vector<16xf32>
            %add3A_389 = arith.addf %bitcast3A_381, %bitcast3A_385 : vector<16xf32>
            %add3A_390 = arith.addf %add3A_386, %add3A_387 : vector<16xf32>
            %add3A_391 = arith.addf %add3A_388, %add3A_389 : vector<16xf32>
            %add3A_392 = arith.addf %add3A_390, %add3A_391 : vector<16xf32>
            %eq3A_393 = vector.broadcast %add3A_318 : i32 to vector<16xi32>
            %eq3A_394 = arith.cmpi eq, %iota3A, %eq3A_393 : vector<16xi32>
            %reduce_sum3A_395 = arith.constant true
            %reduce_sum3A_396 = vector.broadcast %reduce_sum3A_395 : i1 to vector<16xi1>
            %reduce_sum3A_397 = tpu.scan <sum>, %add3A_392 masked %reduce_sum3A_396 : vector<16xf32>, vector<16xi1> -> vector<16xf32>
            %reduce_sum3A_398 = vector.extract %reduce_sum3A_397[15] : f32 from vector<16xf32>
            %broadcast_in_dim3A_399 = vector.broadcast %reduce_sum3A_398 : f32 to vector<16xf32>
            %select_n3A_400 = arith.select %eq3A_394, %broadcast_in_dim3A_399, %select_n3A_312 : vector<16xi1>, vector<16xf32>
            %scan3A_401 = arith.constant 3 : i32
            %scan3A_402 = arith.addi %scan3A_143, %scan3A_401 : i32
            %mul3A_403 = arith.constant 1 : i32
            %mul3A_404 = arith.muli %scan3A_402, %mul3A_403 : i32
            %add3A_405 = arith.constant 0 : i32
            %add3A_406 = arith.addi %add3A_405, %mul3A_404 : i32
            %mul3A_407 = arith.constant 16 : i32
            %mul3A_408 = arith.muli %add3A_131, %mul3A_407 : i32
            %add3A_409 = arith.addi %mul3A_408, %add3A_406 : i32
            %get3A_410 = arith.index_cast %add3A_409 : i32 to index
            %get3A_411 = arith.constant 0 : index
            %get3A_412 = tpu.vector_load %arg19[%get3A_410, %get3A_411] {strides = array<i32>} : memref<80x128xbf16, #tpu.memory_space<vmem>>, vector<32xbf16>,
            %get3A_413 = arith.index_cast %add3A_409 : i32 to index
            %get3A_414 = arith.constant 0 : index
            %get3A_415 = tpu.vector_load %arg20[%get3A_413, %get3A_414] {strides = array<i32>} : memref<80x128xbf16, #tpu.memory_space<vmem>>, vector<32xbf16>,
            %mul3A_416 = arith.mulf %get3A_412, %get3A_415 : vector<32xbf16>
            %bitcast3A_417 = vector.bitcast %mul3A_416 : vector<32xbf16> to vector<16xi32>
            %shift_left3A_418 = arith.constant 16 : i32
            %shift_left3A_419 = vector.broadcast %shift_left3A_418 : i32 to vector<16xi32>
            %shift_left3A_420 = arith.shli %bitcast3A_417, %shift_left3A_419 : vector<16xi32>
            %bitcast3A_421 = vector.bitcast %shift_left3A_420 : vector<16xi32> to vector<16xf32>
            %and3A_422 = arith.constant -65536 : i32
            %and3A_423 = vector.broadcast %and3A_422 : i32 to vector<16xi32>
            %and3A_424 = arith.andi %bitcast3A_417, %and3A_423 : vector<16xi32>
            %bitcast3A_425 = vector.bitcast %and3A_424 : vector<16xi32> to vector<16xf32>
            %get3A_426 = arith.index_cast %add3A_409 : i32 to index
            %get3A_427 = arith.constant 32 : index
            %get3A_428 = tpu.vector_load %arg19[%get3A_426, %get3A_427] {strides = array<i32>} : memref<80x128xbf16, #tpu.memory_space<vmem>>, vector<32xbf16>,
            %get3A_429 = arith.index_cast %add3A_409 : i32 to index
            %get3A_430 = arith.constant 32 : index
            %get3A_431 = tpu.vector_load %arg20[%get3A_429, %get3A_430] {strides = array<i32>} : memref<80x128xbf16, #tpu.memory_space<vmem>>, vector<32xbf16>,
            %mul3A_432 = arith.mulf %get3A_428, %get3A_431 : vector<32xbf16>
            %bitcast3A_433 = vector.bitcast %mul3A_432 : vector<32xbf16> to vector<16xi32>
            %shift_left3A_434 = arith.constant 16 : i32
            %shift_left3A_435 = vector.broadcast %shift_left3A_434 : i32 to vector<16xi32>
            %shift_left3A_436 = arith.shli %bitcast3A_433, %shift_left3A_435 : vector<16xi32>
            %bitcast3A_437 = vector.bitcast %shift_left3A_436 : vector<16xi32> to vector<16xf32>
            %and3A_438 = arith.constant -65536 : i32
            %and3A_439 = vector.broadcast %and3A_438 : i32 to vector<16xi32>
            %and3A_440 = arith.andi %bitcast3A_433, %and3A_439 : vector<16xi32>
            %bitcast3A_441 = vector.bitcast %and3A_440 : vector<16xi32> to vector<16xf32>
            %get3A_442 = arith.index_cast %add3A_409 : i32 to index
            %get3A_443 = arith.constant 64 : index
            %get3A_444 = tpu.vector_load %arg19[%get3A_442, %get3A_443] {strides = array<i32>} : memref<80x128xbf16, #tpu.memory_space<vmem>>, vector<32xbf16>,
            %get3A_445 = arith.index_cast %add3A_409 : i32 to index
            %get3A_446 = arith.constant 64 : index
            %get3A_447 = tpu.vector_load %arg20[%get3A_445, %get3A_446] {strides = array<i32>} : memref<80x128xbf16, #tpu.memory_space<vmem>>, vector<32xbf16>,
            %mul3A_448 = arith.mulf %get3A_444, %get3A_447 : vector<32xbf16>
            %bitcast3A_449 = vector.bitcast %mul3A_448 : vector<32xbf16> to vector<16xi32>
            %shift_left3A_450 = arith.constant 16 : i32
            %shift_left3A_451 = vector.broadcast %shift_left3A_450 : i32 to vector<16xi32>
            %shift_left3A_452 = arith.shli %bitcast3A_449, %shift_left3A_451 : vector<16xi32>
            %bitcast3A_453 = vector.bitcast %shift_left3A_452 : vector<16xi32> to vector<16xf32>
            %and3A_454 = arith.constant -65536 : i32
            %and3A_455 = vector.broadcast %and3A_454 : i32 to vector<16xi32>
            %and3A_456 = arith.andi %bitcast3A_449, %and3A_455 : vector<16xi32>
            %bitcast3A_457 = vector.bitcast %and3A_456 : vector<16xi32> to vector<16xf32>
            %get3A_458 = arith.index_cast %add3A_409 : i32 to index
            %get3A_459 = arith.constant 96 : index
            %get3A_460 = tpu.vector_load %arg19[%get3A_458, %get3A_459] {strides = array<i32>} : memref<80x128xbf16, #tpu.memory_space<vmem>>, vector<32xbf16>,
            %get3A_461 = arith.index_cast %add3A_409 : i32 to index
            %get3A_462 = arith.constant 96 : index
            %get3A_463 = tpu.vector_load %arg20[%get3A_461, %get3A_462] {strides = array<i32>} : memref<80x128xbf16, #tpu.memory_space<vmem>>, vector<32xbf16>,
            %mul3A_464 = arith.mulf %get3A_460, %get3A_463 : vector<32xbf16>
            %bitcast3A_465 = vector.bitcast %mul3A_464 : vector<32xbf16> to vector<16xi32>
            %shift_left3A_466 = arith.constant 16 : i32
            %shift_left3A_467 = vector.broadcast %shift_left3A_466 : i32 to vector<16xi32>
            %shift_left3A_468 = arith.shli %bitcast3A_465, %shift_left3A_467 : vector<16xi32>
            %bitcast3A_469 = vector.bitcast %shift_left3A_468 : vector<16xi32> to vector<16xf32>
            %and3A_470 = arith.constant -65536 : i32
            %and3A_471 = vector.broadcast %and3A_470 : i32 to vector<16xi32>
            %and3A_472 = arith.andi %bitcast3A_465, %and3A_471 : vector<16xi32>
            %bitcast3A_473 = vector.bitcast %and3A_472 : vector<16xi32> to vector<16xf32>
            %add3A_474 = arith.addf %bitcast3A_421, %bitcast3A_425 : vector<16xf32>
            %add3A_475 = arith.addf %bitcast3A_437, %bitcast3A_441 : vector<16xf32>
            %add3A_476 = arith.addf %bitcast3A_453, %bitcast3A_457 : vector<16xf32>
            %add3A_477 = arith.addf %bitcast3A_469, %bitcast3A_473 : vector<16xf32>
            %add3A_478 = arith.addf %add3A_474, %add3A_475 : vector<16xf32>
            %add3A_479 = arith.addf %add3A_476, %add3A_477 : vector<16xf32>
            %add3A_480 = arith.addf %add3A_478, %add3A_479 : vector<16xf32>
            %eq3A_481 = vector.broadcast %add3A_406 : i32 to vector<16xi32>
            %eq3A_482 = arith.cmpi eq, %iota3A, %eq3A_481 : vector<16xi32>
            %reduce_sum3A_483 = arith.constant true
            %reduce_sum3A_484 = vector.broadcast %reduce_sum3A_483 : i1 to vector<16xi1>
            %reduce_sum3A_485 = tpu.scan <sum>, %add3A_480 masked %reduce_sum3A_484 : vector<16xf32>, vector<16xi1> -> vector<16xf32>
            %reduce_sum3A_486 = vector.extract %reduce_sum3A_485[15] : f32 from vector<16xf32>
            %broadcast_in_dim3A_487 = vector.broadcast %reduce_sum3A_486 : f32 to vector<16xf32>
            %select_n3A_488 = arith.select %eq3A_482, %broadcast_in_dim3A_487, %select_n3A_400 : vector<16xi1>, vector<16xf32>
            scf.yield %select_n3A_488 : vector<16xf32>
          }
          %scan3A_138 = arith.constant 16 : i32
          %mul3A_139 = arith.constant 16 : i32
          %mul3A_140 = arith.muli %add3A_131, %mul3A_139 : i32
          %add3A_141 = arith.addi %mul3A_114, %mul3A_140 : i32
          %swap3A = arith.index_cast %add3A_141 : i32 to index
          %swap3A_142 = tpu.vector_load %arg21[%swap3A] {strides = array<i32>} : memref<10000xf32, #tpu.memory_space<vmem>>, vector<16xf32>,
          tpu.vector_store %arg21[%swap3A], %scan3A_137 {strides = array<i32>} : memref<10000xf32, #tpu.memory_space<vmem>>, vector<16xf32>,
        }
        %scan3A_119 = arith.constant 5 : i32
        %add3A_120 = arith.constant 3 : i32
        %add3A_121 = arith.addi %add3A_94, %add3A_120 : i32
        %lt3A_122 = arith.constant 125 : i32
        %lt3A_123 = arith.cmpi slt, %add3A_121, %lt3A_122 : i32
        %convert_element_type3A_124 = arith.extui %lt3A_123 : i1 to i32
        %cond3A_125 = arith.constant 0 : i32
        %cond3A_126 = arith.cmpi ne, %convert_element_type3A_124, %cond3A_125 : i32
        scf.if %cond3A_126 {
          %add3A_127 = arith.constant 3 : i32
          %add3A_128 = arith.addi %add3A_94, %add3A_127 : i32
          %mul3A_129 = arith.constant 80 : i32
          %mul3A_130 = arith.muli %add3A_128, %mul3A_129 : i32
          %add3A_131 = arith.addi %mul3A_6, %mul3A_130 : i32
          %mul3A_132 = arith.constant 80 : i32
          %mul3A_133 = arith.muli %add3A_128, %mul3A_132 : i32
          %add3A_134 = arith.addi %mul3A_6, %mul3A_133 : i32
          %dma_wait3A_135 = tpu.memref_slice %arg4[%add3A_131] : memref<320000xi32, #tpu.memory_space<hbm>> -> memref<80xi32, #tpu.memory_space<hbm>>
          %dma_wait3A_136 = tpu.memref_slice %arg4[%add3A_131] : memref<320000xi32, #tpu.memory_space<hbm>> -> memref<80xi32, #tpu.memory_space<hbm>>
          tpu.wait_dma2 semaphore(%arg24 : memref<!tpu.dma_semaphore, #tpu.memory_space<semaphore_mem>>) src(%dma_wait3A_136 : memref<80xi32, #tpu.memory_space<hbm>>) dst(%arg13 : memref<80xi32, #tpu.memory_space<vmem>>)
          %dma_wait3A_137 = tpu.memref_slice %arg5[%add3A_134] : memref<320000xi32, #tpu.memory_space<hbm>> -> memref<80xi32, #tpu.memory_space<hbm>>
          %dma_wait3A_138 = tpu.memref_slice %arg5[%add3A_134] : memref<320000xi32, #tpu.memory_space<hbm>> -> memref<80xi32, #tpu.memory_space<hbm>>
          tpu.wait_dma2 semaphore(%arg24 : memref<!tpu.dma_semaphore, #tpu.memory_space<semaphore_mem>>) src(%dma_wait3A_138 : memref<80xi32, #tpu.memory_space<hbm>>) dst(%arg14 : memref<80xi32, #tpu.memory_space<vmem>>)
          %dma_start3A_139 = arith.constant 0 : i32
          %dma_start3A_140 = arith.constant 0 : i32
          %dma_start3A_141 = tpu.memref_slice %arg7[%dma_start3A_139, %dma_start3A_140] : memref<10000x128xbf16, #tpu.memory_space<vmem_shared>> -> memref<10000x128xbf16, #tpu.memory_space<vmem_shared>>
          tpu.enqueue_indirect_dma source(%dma_start3A_141 : memref<10000x128xbf16, #tpu.memory_space<vmem_shared>>) target(%arg19 : memref<80x128xbf16, #tpu.memory_space<vmem>>) offsets(%arg13 : memref<80xi32, #tpu.memory_space<vmem>>) semaphore(%arg27 : memref<!tpu.dma_semaphore, #tpu.memory_space<semaphore_mem>>)
          %dma_start3A_142 = arith.constant 0 : i32
          %dma_start3A_143 = arith.constant 0 : i32
          %dma_start3A_144 = tpu.memref_slice %arg8[%dma_start3A_142, %dma_start3A_143] : memref<10000x128xbf16, #tpu.memory_space<vmem_shared>> -> memref<10000x128xbf16, #tpu.memory_space<vmem_shared>>
          tpu.enqueue_indirect_dma source(%dma_start3A_144 : memref<10000x128xbf16, #tpu.memory_space<vmem_shared>>) target(%arg20 : memref<80x128xbf16, #tpu.memory_space<vmem>>) offsets(%arg14 : memref<80xi32, #tpu.memory_space<vmem>>) semaphore(%arg27 : memref<!tpu.dma_semaphore, #tpu.memory_space<semaphore_mem>>)
        } else {
        }
      } else {
      }
    }
    %scan3A_74 = arith.constant 42 : i32
    "tpu.region"() ({
      %run_scoped3A = tpu.sem_alloc : memref<!tpu.dma_semaphore, #tpu.memory_space<semaphore_mem>>
      %dma_start3A_75 = tpu.memref_slice %arg6[%mul3A_6] : memref<320000xf32, #tpu.memory_space<hbm>> -> memref<10000xf32, #tpu.memory_space<hbm>>
      %dma_start3A_76 = tpu.memref_slice %arg6[%mul3A_6] : memref<320000xf32, #tpu.memory_space<hbm>> -> memref<10000xf32, #tpu.memory_space<hbm>>
      tpu.enqueue_dma source(%arg21 : memref<10000xf32, #tpu.memory_space<vmem>>) target(%dma_start3A_76 : memref<10000xf32, #tpu.memory_space<hbm>>) target_semaphore(%run_scoped3A : memref<!tpu.dma_semaphore, #tpu.memory_space<semaphore_mem>>)
      %dma_wait3A_77 = tpu.memref_slice %arg6[%mul3A_6] : memref<320000xf32, #tpu.memory_space<hbm>> -> memref<10000xf32, #tpu.memory_space<hbm>>
      %dma_wait3A_78 = tpu.memref_slice %arg6[%mul3A_6] : memref<320000xf32, #tpu.memory_space<hbm>> -> memref<10000xf32, #tpu.memory_space<hbm>>
      tpu.wait_dma2 semaphore(%run_scoped3A : memref<!tpu.dma_semaphore, #tpu.memory_space<semaphore_mem>>) src(%arg21 : memref<10000xf32, #tpu.memory_space<vmem>>) dst(%dma_wait3A_78 : memref<10000xf32, #tpu.memory_space<hbm>>)
      tpu.yield
    }) : () -> ()
    return
  }
}

</mosaic_0001>

<sc_bundles>
// kernel: kernel.3.cloned.1.call-start
scs
__scs_entry_jumppad:
0x0: {  	(pc) =	sbr.rel $0x88, $3  }
0x1: {  	(tag) =	ssettag $0x0;
	lr =	simm.s32 $0x1  }
0x2: {  	[smem:$0x3F9E] =	sst lr;
	_ =	strace $0xD0000000  }
0x3: {  	_ = 	snop  }
0x4: {  	_ = 	snop  }
0x5: {  	_ = 	snop  }
0x6: {  	_ = 	snop  }
0x7: {  	_ = 	snop  }
__scs_overlays_trampoline_lowered:
0x8: {  	[smem:$0x3FAD] =	sst s0  }
0x9: {  	[smem:$0x3FAE] =	sst s1  }
0xa: {  	[smem:$0x3FAF] =	sst s2  }
0xb: {  	[smem:$0x3FB0] =	sst s3  }
0xc: {  	[smem:$0x3FB1] =	sst s4  }
0xd: {  	[smem:$0x3FB2] =	sst s5  }
0xe: {  	[smem:$0x3FB3] =	sst s6  }
0xf: {  	[smem:$0x3FB4] =	sst s7  }
0x10: {  	[smem:$0x3FB5] =	sst s8  }
0x11: {  	[smem:$0x3FB6] =	sst s9;
	s0 =	simm.s32 @!p0 $0x0  }
0x12: {  	s1 =	sld [smem:$0x3F9C];
	s0 =	simm.s32 @p0 $0x1  }
0x13: {  	[smem:$0x3FB7] =	sst s0;
	s0 =	simm.s32 @!p1 $0x0  }
0x14: {  	s2 =	sld [smem:$0x3F9B];
	s0 =	simm.s32 @p1 $0x1  }
0x15: {  	[smem:$0x3FB8] =	sst s0;
	s0 =	simm.s32 @!p2 $0x0  }
0x16: {  	s3 =	sld [smem:$0x3FDB];
	s0 =	simm.s32 @p2 $0x1  }
0x17: {  	s4 =	simm.s32 $0x1BF5;
	[smem:$0x3FBA] =	sst s0  }
0x18: {  	s0 =	sld [smem:$0x3F9D];
	_ =	swait.ge [sflag:s4], $0x0  }
0x19: {  	s7 =	sld [smem:$0x3F9E]  }
0x1a: {  	s8 =	sadd.s32 $0xFFFFE003, lr  }
0x1b: {  	s9 =	sadd.s32 $0xFFFFFEF7, lr;
	s5 =	simm.s32 $0xFFFFFFFF;
	p2 =	slt.u32 s8, $0xFFFFF086  }
0x1c: {  	p1 =	slt.u32 s9, $0xF7A;
	s5 =	simm.s32 @!p2 $0x0  }
0x1d: {  	s5 =	simm.s32 @p1 $0x1;
	p0 =	seq.s32 s7, s2  }
0x1e: {  	s7 =	smul.u32 @!p0 $0xF7A, s2;
	p2 =	seq.s32 @!p0 s5, $0x0  }
0x1f: {  	s9 =	smul.u32 $0xF7A, s1;
	s8 =	simm.s32 @!p0 $0x1BF5;
	p2 =	por !p2, p0  }
0x20: {  	[sflag:s8] =	ssyncset.s32 @!p0 $0xFFFFF086;
	s6 =	sadd.s32 @!p0 s3, s7;
	s7 =	simm.s32 @!p0 $0x108  }
0x21: {  	s3 =	sadd.s32 s3, s9;
	s6 =	sadd.s32 @!p0 $0x88, s6;
	s7 =	simm.s32 @p2 $0x1082  }
0x22: {  	[simem:s7], [sflag:s8] =	dma.local @!p0 [hbm:s6], $0xF7A  }
0x23: {  	s9 =	sor.u32 $0xD0000000, s2;
	s6 =	simm.s32 $0x108;
	_ =	swait.ge @!p0 [sflag:s8], $0x0  }
0x24: {  	s3 =	sadd.s32 $0x88, s3;
	s6 =	simm.s32 @!p1 $0x1082;
	[sflag:s4] =	ssyncset.s32 $0xFFFFF086  }
0x25: {  	[simem:s6], [sflag:s4] =	dma.local [hbm:s3], $0xF7A  }
0x26: {  	[smem:$0x3F9E] =	sst s1;
	(tag) =	ssettag s2;
	_ =	strace s9  }
0x27: {  	s1 =	sld [smem:$0x3FAE]  }
0x28: {  	s2 =	sld [smem:$0x3FAF]  }
0x29: {  	s4 =	sld [smem:$0x3FB1]  }
0x2a: {  	p0 =	seq.s32 s5, $0x0;
	s5 =	sld [smem:$0x3FB2]  }
0x2b: {  	s6 =	sld [smem:$0x3FB3]  }
0x2c: {  	s7 =	sld [smem:$0x3FB4]  }
0x2d: {  	s3 =	simm.s32 $0x108;
	s8 =	sld [smem:$0x3FB5]  }
0x2e: {  	s3 =	simm.s32 @!p0 $0x1082;
	s9 =	sld [smem:$0x3FB6]  }
0x2f: {  	lr =	sadd.s32 s0, s3;
	s0 =	sld [smem:$0x3FAD]  }
0x30: {  	s3 =	sld [smem:$0x3FB0]  }
0x31: {  	[smem:$0x3FB9] =	sst s10  }
0x32: {  	s10 =	sld [smem:$0x3FB7];
	_ =	sdelay $0x3  }
0x33: {  	p0 =	seq.s32 s10, $0x1;
	s10 =	sld [smem:$0x3FB9];
	_ =	sdelay $0x3  }
0x34: {  	[smem:$0x3FB9] =	sst s10  }
0x35: {  	s10 =	sld [smem:$0x3FB8];
	_ =	sdelay $0x3  }
0x36: {  	p1 =	seq.s32 s10, $0x1;
	s10 =	sld [smem:$0x3FB9];
	_ =	sdelay $0x3  }
0x37: {  	[smem:$0x3FB9] =	sst s10  }
0x38: {  	s10 =	sld [smem:$0x3FBA]  }
0x39: {  	_ = 	snop;
	(pc) =	sbr.ind lr, $3  }
0x3a: {  	_ = 	snop  }
0x3b: {  	_ = 	snop  }
0x3c: {  	p2 =	seq.s32 s10, $0x1;
	s10 =	sld [smem:$0x3FB9]  }
0x3d: {  	_ =	shalt  }
0x3e: {  	_ =	shalt  }
0x3f: {  	_ =	shalt  }
0x40: {  	_ =	shalt  }
0x41: {  	_ =	shalt  }
0x42: {  	_ =	shalt  }
0x43: {  	_ =	shalt  }
0x44: {  	_ =	shalt  }
0x45: {  	_ =	shalt  }
0x46: {  	_ =	shalt  }
0x47: {  	_ =	shalt  }
0x48: {  	_ =	shalt  }
0x49: {  	_ =	shalt  }
0x4a: {  	_ =	shalt  }
0x4b: {  	_ =	shalt  }
0x4c: {  	_ =	shalt  }
0x4d: {  	_ =	shalt  }
0x4e: {  	_ =	shalt  }
0x4f: {  	_ =	shalt  }
0x50: {  	_ =	shalt  }
0x51: {  	_ =	shalt  }
0x52: {  	_ =	shalt  }
0x53: {  	_ =	shalt  }
0x54: {  	_ =	shalt  }
0x55: {  	_ =	shalt  }
0x56: {  	_ =	shalt  }
0x57: {  	_ =	shalt  }
0x58: {  	_ =	shalt  }
0x59: {  	_ =	shalt  }
0x5a: {  	_ =	shalt  }
0x5b: {  	_ =	shalt  }
0x5c: {  	_ =	shalt  }
0x5d: {  	_ =	shalt  }
0x5e: {  	_ =	shalt  }
0x5f: {  	_ =	shalt  }
0x60: {  	_ =	shalt  }
0x61: {  	_ =	shalt  }
0x62: {  	_ =	shalt  }
0x63: {  	_ =	shalt  }
0x64: {  	_ =	shalt  }
0x65: {  	_ =	shalt  }
0x66: {  	_ =	shalt  }
0x67: {  	_ =	shalt  }
0x68: {  	_ =	shalt  }
0x69: {  	_ =	shalt  }
0x6a: {  	_ =	shalt  }
0x6b: {  	_ =	shalt  }
0x6c: {  	_ =	shalt  }
0x6d: {  	_ =	shalt  }
0x6e: {  	_ =	shalt  }
0x6f: {  	_ =	shalt  }
0x70: {  	_ =	shalt  }
0x71: {  	_ =	shalt  }
0x72: {  	_ =	shalt  }
0x73: {  	_ =	shalt  }
0x74: {  	_ =	shalt  }
0x75: {  	_ =	shalt  }
0x76: {  	_ =	shalt  }
0x77: {  	_ =	shalt  }
0x78: {  	_ =	shalt  }
0x79: {  	_ =	shalt  }
0x7a: {  	_ =	shalt  }
0x7b: {  	_ =	shalt  }
0x7c: {  	_ =	shalt  }
0x7d: {  	_ =	shalt  }
0x7e: {  	_ =	shalt  }
0x7f: {  	_ =	shalt  }
0x80: {  	_ =	shalt  }
0x81: {  	_ =	shalt  }
0x82: {  	_ =	shalt  }
0x83: {  	_ =	shalt  }
0x84: {  	_ =	shalt  }
0x85: {  	_ =	shalt  }
0x86: {  	_ =	shalt  }
0x87: {  	_ =	shalt  }
.Lfunc_end0:
.L_simem_size_0:
called_computation_lowered:
.L_overlay_start_0:
0x88: {  	s2 =	sld [smem:$0x3FD9]  }
0x89: {  	s3 =	sld [smem:$0x3FFE];
	_ =	sdelay $0x1  }
0x8a: {  	s1 =	srdreg.scid  }
0x8b: {  	s0 =	sand.u32 $0x1, s1  }
0x8c: {  	s17 =	sshll.u32 s0, $0xA;
	s2 =	sadd.s32 s3, s2  }
0x8d: {  	s2 =	sadd.s32 s2, s17  }
0x8e: {  	[smem:$0x3FC5] =	sst s2  }
0x8f: {  	_ = 	snop  }
0x90: {  	s2 =	sld [smem:$0x3FD0];
	(tm) =	ssettm $0x1  }
0x91: {  	s18 =	sld [smem:$0x3FFB];
	_ =	sdelay $0x3  }
0x92: {  	_ =	strace s18  }
0x93: {  	s3 =	sld [smem:$0x3FFC];
	_ =	sdelay $0x3  }
0x94: {  	_ =	strace s3  }
0x95: {  	s3 =	sld [smem:$0x3FFD];
	_ =	sdelay $0x3  }
0x96: {  	_ =	strace s3  }
0x97: {  	_ =	strace $0x8FFFFFFF  }
0x98: {  	s19 =	sld [smem:$0x3FDB];
	_ =	sdelay $0x1  }
0x99: {  	s4 =	simm.s32 $_scs_section_size  }
0x9a: {  	s5 =	simm.s32 $_size__tile_overlayer_lowered;
	s6 =	simm.s32 $_tile_overlayer_lowered  }
0x9b: {  	s22 =	simm.s32 $0x1BFF;
	s21 =	sshll.u32 s6, $0x1;
	s3 =	sadd.s32 s4, s19  }
0x9c: {  	s7 =	simm.s32 $0x0;
	s20 =	sshll.u32 s5, $0x1;
	s5 =	sadd.s32 s21, s3  }
0x9d: {  	[timem:s7], [sflag:s22] =	dma.local [hbm:s5], s20  }
0x9e: {  	_ =	swait.ge [sflag:s22], s20  }
0x9f: {  	s4 =	ssub.s32 $0x0, s20;
	[sflag:s22] =	ssyncset.done $0x0  }
0xa0: {  	[sflag:s22] =	ssyncadd.s32 s4;
	_ =	sdelay $0x1  }
0xa1: {  	s23 =	simm.s32 $0x1B8B  }
0xa2: {  	_ =	swait.ge [sflag:s23], $0x1  }
0xa3: {  	[sflag:s23] =	ssyncset.done $0x0  }
0xa4: {  	s25 =	simm.s32 $0x1B8E;
	s24 =	sld [smem:$0x3FFE];
	[sflag:s23] =	ssyncadd.s32 $0xFFFFFFFF  }
0xa5: {  	s26 =	simm.s32 $execute0_lowered;
	[smem:$0x3FD2] =	sst s25  }
0xa6: {  	s5 =	sshll.u32 s26, $0x1;
	_ =	strace $0x80000046;
	[dreg:$0x1] =	wrdreg $0xFFFFFFFF  }
0xa7: {  	s28 =	simm.s32 $_size_execute0_lowered;
	s3 =	sadd.s32 s3, s5;
	[dreg:$0x0] =	wrdreg $0x0  }
0xa8: {  	s5 =	sshll.u32 s28, $0x1;
	[dreg:$0x2] =	wrdreg s3  }
0xa9: {  	[dreg:$0x3] =	wrdreg s5  }
0xaa: {  	[dreg:$0x4] =	wrdreg $0xC0  }
0xab: {  	_ =	task [dreg:s7], $0x5FFFF  }
0xac: {  	[dreg:$0x1] =	wrdreg $0xFFFFFFFF  }
0xad: {  	[dreg:$0x0] =	wrdreg $0x60  }
0xae: {  	[dreg:$0x2] =	wrdreg s24  }
0xaf: {  	[dreg:$0x3] =	wrdreg s2  }
0xb0: {  	[dreg:$0x4] =	wrdreg $0x0  }
0xb1: {  	[dreg:$0x5] =	wrdreg $0x9C400  }
0xb2: {  	[dreg:$0x6] =	wrdreg $0x9  }
0xb3: {  	_ =	task.clear_ibuf [dreg:s7], $0x7FFFF;
	_ =	strace $0x90000046  }
0xb4: {  	s29 =	simm.s32 $0x9;
	_ =	strace $0x80000048  }
0xb5: {  	_ =	swait.ge [sflag:s29], $0x1  }
0xb6: {  	[sflag:s29] =	ssyncadd.s32 $0xFFFFFFFF  }
0xb7: {  	_ =	strace $0x90000048  }
0xb8: {  	_ =	sfence  }
0xb9: {  	s30 =	sld [smem:$0x0];
	_ =	sdelay $0x2  }
0xba: {  	s31 =	sshll.u32 s1, $0xD;
	s1 =	sshrl.u32 s1, $0x2  }
0xbb: {  	s3 =	sand.u32 $0x4000, s31;
	s1 =	sadd.s32 s1, s30  }
0xbc: {  	s0 =	sor.u32 s3, s0;
	s1 =	sshll.u32 s1, $0x11  }
0xbd: {  	s0 =	sor.u32 s1, s0  }
0xbe: {  	s0 =	sadd.s32 $0x8F2B, s0  }
0xbf: {  	[sflag:s0] =	ssyncadd.remote.s32 $0x1  }
0xc0: {  	_ =	sfence.sel $0xFFFF  }
0xc1: {  	[dreg:$0x0] =	wrdreg $0xFFFFFFFF;
	(pc) =	sbr.abs _section_cstart, $3  }
0xc2: {  	[dreg:$0x1] =	wrdreg $0xFFFFFFFF  }
0xc3: {  	_ =	task.clear_ibuf [dreg:s7], $0x2FFFF;
	_ =	strace $0x9FFFFFFF  }
0xc4: {  	(tm) =	ssettm $0x7FFFFFFF  }
0xc5: {  	_ =	shalt  }
tec
execute0_lowered:
.L_overlay_start_1:
0x0: {  	(tag) =	ssettag $0x1  }
0x1: {  	s0 =	rddreg [dreg:$0x0]  }
0x2: {  	s1 =	rddreg [dreg:$0x1]  }
0x3: {  	s2 =	rddreg [dreg:$0x2]  }
0x4: {  	s3 =	rddreg [dreg:$0x3];
	s4 =	stileid.u32;
	s15 =	simm.s32 $0x0  }
0x5: {  	s5 =	srdreg.scid;
	s28 =	simm.s32 $0x7;
	s31 =	simm.s32 $0x13920  }
0x6: {  	s30 =	simm.s32 $0x2;
	s7 =	smul.u32 $0x13800, s4;
	[smem:$0x7FF] =	sst s15  }
0x7: {  	s8 =	sand.u32 $0x1, s5;
	s5 =	sadd.s32 $0x31800, s0;
	s12 =	sshll.u32 s4, $0x1  }
0x8: {  	s14 =	sshll.u32 s4, $0x6;
	p0 =	sne.s32 s4, $0xF;
	_ =	strace $0x80000047  }
0x9: {  	s10 =	ssub.s32 $0x2, s8;
	s8 =	sor.u32 s8, s12;
	s12 =	simm.s32 $0x4  }
0xa: {  	s6 =	sshrl.u32 s7, $0x4;
	s11 =	sshrl.u32 s10, $0x1;
	s7 =	sshrl.u32 s7, $0x1  }
0xb: {  	s13 =	smul.u32 $0x2710, s8;
	s8 =	sor.u32 $0x1C07, s14;
	s14 =	sadd.s32 $0x13E00, s0  }
0xc: {  	s9 =	sadd.s32 s6, s0;
	s6 =	sadd.s32 $0x27A00, s0;
	s10 =	ssub.s32 s10, s11  }
0xd: {  	s29 =	sadd.s32 s7, s2;
	[dreg:$0x7] =	wrdreg s14;
	s0 =	sadd.s32 $0x27800, s0  }
0xe: {  	s7 =	sadd.s32 s7, s3;
	s16 =	sadd.s32 $0x600, s9;
	[dreg:$0x8] =	wrdreg s0  }
0xf: {  	s11 =	simm.s32 $0x17660;
	s9 =	sadd.s32 $0x14000, s9;
	[dreg:$0x5] =	wrdreg s16  }
0x10: {  	s17 =	sshrl.u32 s13, $0x3;
	s25 =	smax.u32 s10, $0x1;
	[dreg:$0x6] =	wrdreg s9  }
0x11: {  	s26 =	sshrl.u32 s29, $0x3;
	s29 =	sshrl.u32 s7, $0x3;
	[dreg:$0x10] =	wrdreg s25  }
0x12: {  	s10 =	simm.s32 $0x16260;
	s7 =	simm.s32 $0x6;
	[dreg:$0x11] =	wrdreg s26  }
0x13: {  	s9 =	sadd.s32 $0x9C000, s2;
	s18 =	sadd.s32 s5, s17;
	[dreg:$0x12] =	wrdreg s29  }
0x14: {  	s19 =	sadd.s32 s6, s17;
	s20 =	sadd.s32 $0xA, s17;
	[dreg:$0x9] =	wrdreg s18  }
0x15: {  	s21 =	sadd.s32 $0x14, s17;
	s24 =	sadd.s32 s1, s17;
	[dreg:$0xa] =	wrdreg s19  }
0x16: {  	s16 =	sadd.s32 s5, s20;
	s0 =	sadd.s32 s6, s20;
	[dreg:$0xf] =	wrdreg s24  }
0x17: {  	s22 =	sadd.s32 s5, s21;
	s23 =	sadd.s32 s6, s21;
	[dreg:$0xb] =	wrdreg s16  }
.Ltmp0:
0x18: {  	s18 =	sadd.s32 $0xF0, s13;
	[dreg:$0xc] =	wrdreg s0;
	(pc) =	sbr.rel .LBB2_1-.Ltmp0, $4  }
0x19: {  	s20 =	sadd.s32 $0x140, s13;
	s21 =	sadd.s32 $0x190, s13;
	[dreg:$0xd] =	wrdreg s22  }
0x1a: {  	s1 =	sshrl.u32 @!p0 s9, $0x3;
	[dreg:$0xe] =	wrdreg s23;
	s0 =	sadd.s32 $0x9C000, s3  }
0x1b: {  	s9 =	simm.s32 $0x50;
	[dreg:$0x13] =	wrdreg s1;
	s0 =	sshrl.u32 @!p0 s0, $0x3  }
0x1c: {  	v0 =	vlaneseq.u32;
	s13 =	simm.s32 $0x0;
	[dreg:$0x14] =	wrdreg s0;
	s0 =	simm.s32 $0x13970  }
.LBB2_16:
0x1d: {  	s15 =	simm.s32 $0x0;
	s1 =	rddreg [dreg:$0xf];
	s4 =	simm.s32 $0x1B260  }
0x1e: {  	[hbm4b:s1+s15] =	stream.linear.scatter [tilespmem:s4], [sflag:$0x7], $0x2710, $0x38;
	[tilespmem:$0x1D970] =	vst v63  }
0x1f: {  	_ =	swait.ge [sflag:s28], $0x2710  }
0x20: {  	s13 =	sadd.s32 $0x1, s13;
	s29 =	rddreg [dreg:$0x10]  }
0x21: {  	p1 =	sne.s32 s13, s29  }
.Ltmp1:
0x22: {  	_ = 	snop;
	(pc) =	sbr.rel @!p1 .LBB2_17-.Ltmp1, $3  }
0x23: {  	_ =	sdelay $0x1  }
0x24: {  	[sflag:s28] =	ssyncset.done $0x0  }
0x25: {  	[sflag:s28] =	ssyncadd.s32 $0xFFFFD8F0  }
.LBB2_1:
0x26: {  	s1 =	rddreg [dreg:$0x5]  }
0x27: {  	s4 =	rddreg [dreg:$0x11]  }
0x28: {  	[spmem:s4], [sflag:s8] =	dma.local [hbm:s1], $0x1380  }
0x29: {  	_ =	swait.ge [sflag:s28], $0x1380  }
0x2a: {  	[sflag:s28] =	ssyncset.done $0x0;
	s19 =	rddreg [dreg:$0x6]  }
0x2b: {  	s22 =	rddreg [dreg:$0x12];
	[sflag:s28] =	ssyncadd.s32 $0xFFFFEC80  }
0x2c: {  	[spmem:s22], [sflag:s8] =	dma.local [hbm:s19], $0x1380  }
0x2d: {  	_ =	swait.ge [sflag:s28], $0x1380  }
0x2e: {  	[sflag:s28] =	ssyncset.done $0x0;
	s1 =	rddreg [dreg:$0x7]  }
0x2f: {  	s4 =	rddreg [dreg:$0x13];
	[sflag:s28] =	ssyncadd.s32 $0xFFFFEC80  }
0x30: {  	[spmem:s4], [sflag:s8] =	dma.local @!p0 [hbm:s1], $0x80  }
0x31: {  	s1 =	simm.s32 @!p0 $0x7  }
0x32: {  	_ =	swait.ge @!p0 [sflag:s1], $0x80  }
0x33: {  	[sflag:s1] =	ssyncset.done @!p0 $0x0;
	s4 =	rddreg [dreg:$0x8]  }
0x34: {  	s14 =	rddreg [dreg:$0x14];
	[sflag:s1] =	ssyncadd.s32 @!p0 $0xFFFFFF80  }
0x35: {  	[spmem:s14], [sflag:s8] =	dma.local @!p0 [hbm:s4], $0x80  }
0x36: {  	_ =	swait.ge @!p0 [sflag:s1], $0x80  }
0x37: {  	[sflag:s1] =	ssyncset.done @!p0 $0x0  }
0x38: {  	[sflag:s1] =	ssyncadd.s32 @!p0 $0xFFFFFF80  }
0x39: {  	[bflag:$0x0] =	sbarrier.arrive $0xFFFF  }
0x3a: {  	s24 =	simm.s32 $0x13880;
	s23 =	rddreg [dreg:$0x9]  }
0x3b: {  	[tilespmem:s24], [sflag:$0x1] =	stream.linear.gather [hbm4b:s23+s15], $0x50, $0x38;
	[tilespmem:$0x1D970] =	vst v63  }
0x3c: {  	s26 =	simm.s32 $0x138D0;
	s25 =	rddreg [dreg:$0xa]  }
0x3d: {  	[tilespmem:s26], [sflag:$0x1] =	stream.linear.gather [hbm4b:s25+s15], $0x50, $0x38;
	[tilespmem:$0x1D970] =	vst v63  }
0x3e: {  	s29 =	rddreg [dreg:$0xb]  }
0x3f: {  	[tilespmem:s31], [sflag:$0x2] =	stream.linear.gather [hbm4b:s29+s15], $0x50, $0x38;
	[tilespmem:$0x1D970] =	vst v63  }
0x40: {  	s16 =	rddreg [dreg:$0xc]  }
0x41: {  	[tilespmem:s0], [sflag:$0x2] =	stream.linear.gather [hbm4b:s16+s15], $0x50, $0x38;
	[tilespmem:$0x1D970] =	vst v63  }
0x42: {  	s17 =	rddreg [dreg:$0xd];
	s16 =	simm.s32 $0x139C0  }
0x43: {  	[tilespmem:s16], [sflag:$0x3] =	stream.linear.gather [hbm4b:s17+s15], $0x50, $0x38;
	[tilespmem:$0x1D970] =	vst v63  }
0x44: {  	s22 =	simm.s32 $0x1;
	s19 =	rddreg [dreg:$0xe];
	s17 =	simm.s32 $0x13A10  }
0x45: {  	[tilespmem:s17], [sflag:$0x3] =	stream.linear.gather [hbm4b:s19+s15], $0x50, $0x38;
	[tilespmem:$0x1D970] =	vst v63  }
0x46: {  	_ =	swait.ge [sflag:s22], $0x50  }
0x47: {  	[sflag:s22] =	ssyncset.done $0x0  }
0x48: {  	[sflag:s22] =	ssyncadd.s32 $0xFFFFFFB0  }
0x49: {  	_ =	swait.ge [sflag:s22], $0x50  }
0x4a: {  	[sflag:s22] =	ssyncset.done $0x0  }
0x4b: {  	s23 =	simm.s32 $0x13A60;
	[sflag:s22] =	ssyncadd.s32 $0xFFFFFFB0  }
0x4c: {  	[tilespmem:s23], [sflag:$0x4] =	stream.indirect.gather [spmem:s2], $0x40, s24, s9, $0xb8;
	[tilespmem:$0x1D970] =	vst v63  }
0x4d: {  	s24 =	simm.s32 $0x14E60  }
0x4e: {  	[tilespmem:s24], [sflag:$0x4] =	stream.indirect.gather [spmem:s3], $0x40, s26, s9, $0xb8;
	[tilespmem:$0x1D970] =	vst v63  }
0x4f: {  	_ =	swait.ge [sflag:s30], $0x50  }
0x50: {  	[sflag:s30] =	ssyncset.done $0x0  }
0x51: {  	[sflag:s30] =	ssyncadd.s32 $0xFFFFFFB0  }
0x52: {  	_ =	swait.ge [sflag:s30], $0x50  }
0x53: {  	[sflag:s30] =	ssyncset.done $0x0  }
0x54: {  	[sflag:s30] =	ssyncadd.s32 $0xFFFFFFB0  }
0x55: {  	[tilespmem:s10], [sflag:$0x5] =	stream.indirect.gather [spmem:s2], $0x40, s31, s9, $0xb8;
	[tilespmem:$0x1D970] =	vst v63  }
0x56: {  	s25 =	simm.s32 $0x3  }
0x57: {  	[tilespmem:s11], [sflag:$0x5] =	stream.indirect.gather [spmem:s3], $0x40, s0, s9, $0xb8;
	[tilespmem:$0x1D970] =	vst v63  }
0x58: {  	_ =	swait.ge [sflag:s25], $0x50  }
0x59: {  	[sflag:s25] =	ssyncset.done $0x0  }
0x5a: {  	[sflag:s25] =	ssyncadd.s32 $0xFFFFFFB0  }
0x5b: {  	_ =	swait.ge [sflag:s25], $0x50  }
0x5c: {  	[sflag:s25] =	ssyncset.done $0x0  }
0x5d: {  	s26 =	simm.s32 $0x18A60;
	[sflag:s25] =	ssyncadd.s32 $0xFFFFFFB0  }
0x5e: {  	[tilespmem:s26], [sflag:$0x6] =	stream.indirect.gather [spmem:s2], $0x40, s16, s9, $0xb8;
	[tilespmem:$0x1D970] =	vst v63  }
0x5f: {  	s14 =	simm.s32 $0x0;
	s29 =	simm.s32 $0x19E60  }
0x60: {  	[tilespmem:s29], [sflag:$0x6] =	stream.indirect.gather [spmem:s3], $0x40, s17, s9, $0xb8;
	[tilespmem:$0x1D970] =	vst v63  }
.LBB2_2:
0x61: {  	_ =	swait.ge [sflag:s12], $0x1400;
	p1 =	seq.s32 s14, $0x29  }
0x62: {  	[sflag:s12] =	ssyncset.done $0x0;
	s16 =	smul.u32 @!p1 $0xF0, s14  }
0x63: {  	[sflag:s12] =	ssyncadd.s32 $0xFFFFEC00  }
0x64: {  	_ =	swait.ge [sflag:s12], $0x1400;
	s1 =	sadd.s32 @!p1 s16, s18  }
0x65: {  	s17 =	simm.s32 @!p1 $0x0;
	[sflag:s12] =	ssyncset.done $0x0;
	s1 =	sshrl.u32 @!p1 s1, $0x3  }
0x66: {  	s19 =	simm.s32 @!p1 $0x13880;
	[sflag:s12] =	ssyncadd.s32 $0xFFFFEC00;
	s15 =	sadd.s32 @!p1 s5, s1  }
0x67: {  	[tilespmem:s19], [sflag:$0x1] =	stream.linear.gather @!p1 [hbm4b:s15+s17], $0x50, $0x38;
	[tilespmem:$0x1D970] =	vst v63  }
0x68: {  	s26 =	smul.u32 $0x3C0, s14;
	s1 =	sadd.s32 @!p1 s6, s1;
	s15 =	simm.s32 @!p1 $0x138D0  }
0x69: {  	[tilespmem:s15], [sflag:$0x1] =	stream.linear.gather @!p1 [hbm4b:s1+s17], $0x50, $0x38;
	[tilespmem:$0x1D970] =	vst v63  }
0x6a: {  	s15 =	sshra.s32 s26, $0x2  }
0x6b: {  	s22 =	simm.s32 $0x13AE0;
	s29 =	sadd.s32 $0x1B260, s15  }
0x6c: {  	s23 =	simm.s32 $0x0;
	s19 =	simm.s32 $0x14EE0;
	s17 =	simm.s32 $0x0;
	v1 =	vmov s29  }
.LBB2_3:
0x6d: {  	v2 =	vld [tilespmem:s19+$0xFFFFFF90]  }
0x6e: {  	v3 =	vld [tilespmem:s22+$0x20]  }
0x6f: {  	v4 =	vld [tilespmem:s19+$0x20]  }
0x70: {  	v5 =	vld [tilespmem:s19+$0xFFFFFFF0]  }
0x71: {  	v6 =	vld [tilespmem:s22+$0xFFFFFFF0]  }
0x72: {  	v8 =	vld [tilespmem:s19+$0xFFFFFFE0]  }
0x73: {  	v10 =	vld [tilespmem:s22+$0xFFFFFFE0]  }
0x74: {  	v11 =	vld [tilespmem:s19+$0xFFFFFFC0]  }
0x75: {  	v12 =	vld [tilespmem:s22+$0xFFFFFFC0]  }
0x76: {  	v13 =	vld [tilespmem:s22+$0xFFFFFF80]  }
0x77: {  	v14 =	vld [tilespmem:s19+$0xFFFFFFA0]  }
0x78: {  	v15 =	vld [tilespmem:s19+$0xFFFFFFD0]  }
0x79: {  	v16 =	vld [tilespmem:s19+$0xFFFFFFB0]  }
0x7a: {  	v17 =	vld [tilespmem:s22+$0xFFFFFFB0]  }
0x7b: {  	v18 =	vld [tilespmem:s19+$0xFFFFFF80]  }
0x7c: {  	v19 =	vld [tilespmem:s22+$0xFFFFFF90]  }
0x7d: {  	v20 =	vld [tilespmem:s22+$0xFFFFFFD0]  }
0x7e: {  	v21 =	vld [tilespmem:s22+$0xFFFFFFA0]  }
0x7f: {  	v22 =	vld [tilespmem:s22+$0x10]  }
0x80: {  	s1 =	simm.s32 $0x1;
	v9 =	vimm.f32 $0.0e+00;
	v23 =	vld [tilespmem:s22+$0x0]  }
0x81: {  	v25 =	vld [tilespmem:s19+$0x10];
	v7 =	vmov s1;
	v5 =	vmul.bf16 v5, v6;
	v10 =	vmul.bf16 v8, v10  }
0x82: {  	s25 =	simm.s32 $0x2;
	v26 =	vld [tilespmem:s22+$0x30];
	s29 =	sadd.s32 $0x100, s19;
	vm2 =	veq.s32 v7, v0;
	v11 =	vmul.bf16 v11, v12;
	v16 =	vmul.bf16 v16, v17  }
0x83: {  	v30 =	vld [tilespmem:s29+$0x20];
	v8 =	vmov s25;
	v2 =	vmul.bf16 v2, v19;
	v3 =	vmul.bf16 v4, v3  }
0x84: {  	v31 =	vld [tilespmem:s29+$0xFFFFFFF0];
	v14 =	vmul.bf16 v14, v21;
	v15 =	vmul.bf16 v15, v20;
	v24 =	vshll.u32 v5, $0x10  }
0x85: {  	v6 =	vld [tilespmem:s19+$0x0];
	v5 =	vand.u32 $0xFFFF0000, v5;
	v12 =	vshll.u32 v10, $0x10;
	v10 =	vand.u32 $0xFFFF0000, v10  }
0x86: {  	v63 =	vld [tilespmem:s29+$0x70];
	v27 =	vand.u32 $0xFFFF0000, v11;
	v10 =	vadd.f32 v10, v12;
	v5 =	vadd.f32 v5, v24  }
0x87: {  	s26 =	simm.s32 $0x3;
	v17 =	vld [tilespmem:s19+$0x70];
	v11 =	vshll.u32 v11, $0x10;
	v28 =	vshll.u32 v2, $0x10;
	v2 =	vand.u32 $0xFFFF0000, v2  }
0x88: {  	v19 =	vld [tilespmem:s19+$0x60];
	v12 =	vmov s26;
	v11 =	vadd.f32 v27, v11;
	v10 =	vadd.f32 v5, v10  }
0x89: {  	v21 =	vld [tilespmem:s19+$0x50];
	v5 =	vmul.bf16 v18, v13;
	v18 =	vand.u32 $0xFFFF0000, v16;
	v16 =	vshll.u32 v16, $0x10  }
0x8a: {  	v24 =	vld [tilespmem:s19+$0x30];
	v2 =	vadd.f32 v2, v28;
	v6 =	vmul.bf16 v6, v23;
	v16 =	vadd.f32 v18, v16  }
0x8b: {  	v20 =	vld [tilespmem:s22+$0x50];
	v18 =	vmul.bf16 v25, v22;
	v22 =	vshll.u32 v3, $0x10;
	v25 =	vshll.u32 v14, $0x10  }
0x8c: {  	v28 =	vld [tilespmem:s22+$0x40];
	v3 =	vand.u32 $0xFFFF0000, v3;
	v14 =	vand.u32 $0xFFFF0000, v14;
	v27 =	vand.u32 $0xFFFF0000, v5  }
0x8d: {  	v13 =	vld [tilespmem:s22+$0x70];
	v4 =	vshll.u32 v5, $0x10;
	v29 =	vshll.u32 v6, $0x10;
	v22 =	vadd.f32 v3, v22  }
0x8e: {  	s24 =	sadd.s32 $0x100, s22;
	v5 =	vld [tilespmem:s22+$0x60];
	v6 =	vand.u32 $0xFFFF0000, v6;
	v14 =	vadd.f32 v14, v25;
	v4 =	vadd.f32 v27, v4  }
0x8f: {  	v25 =	vld [tilespmem:s24+$0xFFFFFFF0];
	v23 =	vshll.u32 v18, $0x10;
	v18 =	vand.u32 $0xFFFF0000, v18;
	v24 =	vmul.bf16 v24, v26  }
0x90: {  	v27 =	vld [tilespmem:s19+$0x40];
	v6 =	vadd.f32 v6, v29;
	v29 =	vshll.u32 v15, $0x10;
	v15 =	vand.u32 $0xFFFF0000, v15  }
0x91: {  	vm0 =	veq.s32 v12, v0;
	v26 =	vld [tilespmem:s29+$0xFFFFFF90];
	v18 =	vadd.f32 v18, v23;
	v15 =	vadd.f32 v15, v29  }
0x92: {  	v23 =	vld [tilespmem:s24+$0x20];
	v13 =	vmul.bf16 v17, v13;
	v17 =	vshll.u32 v24, $0x10;
	v2 =	vadd.f32 v2, v4  }
0x93: {  	v29 =	vld [tilespmem:s24+$0xFFFFFF80];
	v4 =	vadd.f32 v16, v14;
	v18 =	vadd.f32 v18, v6;
	v6 =	vmul.bf16 v21, v20  }
0x94: {  	v14 =	vld [tilespmem:s24+$0xFFFFFFE0];
	v20 =	vand.u32 $0xFFFF0000, v24;
	v11 =	vadd.f32 v15, v11;
	v3 =	vand.u32 $0xFFFF0000, v13  }
0x95: {  	v5 =	vmul.bf16 v19, v5;
	v19 =	vld [tilespmem:s29+$0xFFFFFFE0];
	v2 =	vadd.f32 v4, v2;
	v25 =	vmul.bf16 v31, v25  }
0x96: {  	v16 =	vmul.bf16 v27, v28;
	v21 =	vand.u32 $0xFFFF0000, v6;
	v27 =	vld [tilespmem:s29+$0xFFFFFFC0];
	v4 =	vshll.u32 v6, $0x10  }
0x97: {  	s4 =	simm.s32 $0x5;
	v6 =	vshll.u32 v13, $0x10;
	v13 =	vld [tilespmem:s24+$0xFFFFFFC0];
	v24 =	vshll.u32 v5, $0x10;
	v5 =	vand.u32 $0xFFFF0000, v5  }
0x98: {  	(xrf2) =	vadd.scan.msk.f32 $0xffff, v2;
	v2 =	vmov s4;
	v3 =	vadd.f32 v3, v6;
	v4 =	vadd.f32 v21, v4;
	v21 =	vld [tilespmem:s24+$0xFFFFFFB0]  }
0x99: {  	v28 =	vshll.u32 v16, $0x10;
	v16 =	vand.u32 $0xFFFF0000, v16;
	v5 =	vadd.f32 v5, v24;
	v24 =	vld [tilespmem:s29+$0xFFFFFFD0]  }
0x9a: {  	v6 =	vadd.f32 v20, v17;
	v17 =	vshll.u32 v25, $0x10;
	v16 =	vadd.f32 v16, v28;
	v28 =	vld [tilespmem:s29+$0xFFFFFFA0]  }
0x9b: {  	v20 =	vand.u32 $0xFFFF0000, v25;
	v23 =	vmul.bf16 v30, v23;
	v14 =	vmul.bf16 v19, v14;
	v19 =	vld [tilespmem:s29+$0xFFFFFFB0]  }
0x9c: {  	v15 =	vadd.f32 v6, v22;
	v5 =	vadd.f32 v3, v5;
	v13 =	vmul.bf16 v27, v13;
	v27 =	vld [tilespmem:s29+$0xFFFFFF80]  }
0x9d: {  	s25 =	simm.s32 $0x6;
	v4 =	vadd.f32 v4, v16;
	v16 =	vld [tilespmem:s24+$0xFFFFFF90];
	v25 =	vshll.u32 v14, $0x10;
	v14 =	vand.u32 $0xFFFF0000, v14  }
0x9e: {  	v22 =	vld [tilespmem:s24+$0xFFFFFFD0];
	v3 =	vmov s25;
	v62 =	vadd.f32 v15, v18;
	v14 =	vadd.f32 v14, v25  }
0x9f: {  	s26 =	simm.s32 $0x7;
	v18 =	vld [tilespmem:s24+$0x10];
	v25 =	vand.u32 $0xFFFF0000, v13;
	v6 =	vshll.u32 v13, $0x10;
	v13 =	vadd.f32 v20, v17  }
0xa0: {  	v17 =	vadd.f32 v5, v4;
	v20 =	vld [tilespmem:s24+$0xFFFFFFA0];
	v4 =	vmov s26;
	v6 =	vadd.f32 v25, v6  }
0xa1: {  	v25 =	vld [tilespmem:s24+$0x0];
	v15 =	vmul.bf16 v19, v21;
	v5 =	vadd.f32 v13, v14;
	v21 =	vadd.f32 v10, v11  }
0xa2: {  	(xrf2) =	vadd.scan.msk.f32 $0xffff, v17;
	v17 =	vmov s17;
	v10 =	vmul.bf16 v27, v29;
	v12 =	vmul.bf16 v26, v16;
	v16 =	vld [tilespmem:s29+$0x10]  }
0xa3: {  	v19 =	vld [tilespmem:s29+$0x0];
	vm1 =	veq.s32 v17, v0;
	v17 =	vmul.bf16 v24, v22;
	v22 =	vand.u32 $0xFFFF0000, v23;
	v11, _, _ =	vpop (xrf2)  }
0xa4: {  	v26 =	vld [tilespmem:s24+$0x30];
	v13 =	vand.u32 $0xFFFF0000, v15;
	v14 =	vshll.u32 v15, $0x10;
	(xrf2) =	vadd.scan.msk.f32 $0xffff, v21;
	v15 =	vbroadcast v11, $0xF  }
0xa5: {  	v29 =	vld [tilespmem:s29+$0x30];
	v11 =	vand.u32 $0xFFFF0000, v10;
	v10 =	vshll.u32 v10, $0x10;
	v27 =	vshll.u32 v12, $0x10  }
0xa6: {  	v24 =	vld [tilespmem:s24+$0x70];
	v28 =	vmul.bf16 v28, v20;
	v11 =	vadd.f32 v11, v10;
	v10 =	vadd.f32 v13, v14  }
0xa7: {  	v21 =	vld [tilespmem:s29+$0x40];
	(xrf2) =	vadd.scan.msk.f32 $0xffff, v62;
	v13 =	vshll.u32 v23, $0x10;
	v14 =	vand.u32 $0xFFFF0000, v12;
	v18 =	vmul.bf16 v16, v18  }
0xa8: {  	v20 =	vld [tilespmem:s29+$0x50];
	v9 =	vsel vm1, v15, v9;
	v15 =	vshll.u32 v28, $0x10;
	v25 =	vmul.bf16 v19, v25  }
0xa9: {  	v12 =	vld [tilespmem:s29+$0x60];
	v14 =	vadd.f32 v14, v27;
	vm1 =	veq.s32 v8, v0;
	v8 =	vshll.u32 v18, $0x10  }
0xaa: {  	v23 =	vld [tilespmem:s24+$0x50];
	v19 =	vmul.bf16 v29, v26;
	v26 =	vand.u32 $0xFFFF0000, v28;
	v27 =	vshll.u32 v25, $0x10  }
0xab: {  	v16 =	vld [tilespmem:s24+$0x60];
	v29 =	vand.u32 $0xFFFF0000, v25;
	v7 =	vand.u32 $0xFFFF0000, v18;
	v18 =	vmul.bf16 v63, v24  }
0xac: {  	s25 =	simm.s32 $0x4;
	s26 =	simm.s32 $0x8;
	s29 =	sadd.s32 $0x100, s29;
	v27 =	vadd.f32 v29, v27;
	v24 =	vld [tilespmem:s24+$0x40];
	v25 =	vadd.f32 v7, v8;
	v7 =	vshll.u32 v19, $0x10;
	v8, _, _ =	vpop (xrf2)  }
.LBB2_4:
0xad: {  	p2 =	slt.u32 s26, $0xC  }
0xae: {  	v28 =	vld [tilespmem:s29+$0xFFFFFF90];
	v29 =	vshll.u32 v17, $0x10;
	v17 =	vand.u32 $0xFFFF0000, v17;
	v30 =	vand.u32 $0xFFFF0000, v18;
	s24 =	sadd.s32 $0x100, s24;
	v31, _, _ =	vpop (xrf2);
	s1 =	smov.u32 s26;
	s26 =	sadd.s32 $0x4, s26  }
0xaf: {  	v13 =	vadd.f32 v22, v13;
	v32 =	vld [tilespmem:s24+$0x20];
	v22 =	vadd.f32 v25, v27;
	v25 =	vbroadcast v31, $0xF  }
0xb0: {  	v15 =	vadd.f32 v26, v15;
	v19 =	vand.u32 $0xFFFF0000, v19;
	v27 =	vld [tilespmem:s29+$0x20];
	v20 =	vmul.bf16 v20, v23  }
0xb1: {  	v11 =	vadd.f32 v14, v11;
	v12 =	vmul.bf16 v12, v16;
	v8 =	vbroadcast v8, $0xF;
	v23 =	vld [tilespmem:s29+$0xFFFFFFF0];
	v14, _, _ =	vpop (xrf2)  }
0xb2: {  	v10 =	vadd.f32 v10, v15;
	v9 =	vsel vm2, v25, v9;
	v16 =	vld [tilespmem:s24+$0xFFFFFFF0];
	v15 =	vmul.bf16 v21, v24  }
0xb3: {  	v25 =	vshll.u32 v12, $0x10;
	v24 =	vand.u32 $0xFFFF0000, v20;
	v14 =	vbroadcast v14, $0xF;
	v21 =	vld [tilespmem:s29+$0xFFFFFFE0]  }
0xb4: {  	v18 =	vshll.u32 v18, $0x10;
	v10 =	vadd.f32 v10, v11;
	v11 =	vshll.u32 v20, $0x10;
	v26 =	vld [tilespmem:s24+$0xFFFFFFE0]  }
0xb5: {  	v31 =	vshll.u32 v15, $0x10;
	v15 =	vand.u32 $0xFFFF0000, v15;
	v9 =	vsel vm1, v14, v9;
	v20 =	vld [tilespmem:s29+$0xFFFFFFC0]  }
0xb6: {  	v17 =	vadd.f32 v17, v29;
	v12 =	vand.u32 $0xFFFF0000, v12;
	v15 =	vadd.f32 v15, v31;
	v14 =	vld [tilespmem:s24+$0xFFFFFFC0]  }
0xb7: {  	s4 =	sadd.s32 $0x1, s1;
	v12 =	vadd.f32 v12, v25;
	v8 =	vsel vm0, v8, v9;
	v29 =	vld [tilespmem:s24+$0xFFFFFF80];
	v16 =	vmul.bf16 v23, v16  }
0xb8: {  	v7 =	vadd.f32 v19, v7;
	v18 =	vadd.f32 v30, v18;
	v23 =	vmov s4;
	v9 =	vld [tilespmem:s29+$0xFFFFFFA0];
	(xrf2) =	vadd.scan.msk.f32 $0xffff, v10  }
0xb9: {  	v11 =	vadd.f32 v24, v11;
	s4 =	sadd.s32 $0x2, s1;
	v19 =	vld [tilespmem:s29+$0xFFFFFFD0];
	v10 =	vmul.bf16 v21, v26;
	v21 =	vshll.u32 v16, $0x10  }
0xba: {  	v12 =	vadd.f32 v18, v12;
	v25 =	vmov s4;
	v16 =	vand.u32 $0xFFFF0000, v16;
	v24 =	vld [tilespmem:s29+$0xFFFFFFB0]  }
0xbb: {  	s4 =	sadd.s32 $0x3, s1;
	v18 =	vld [tilespmem:s24+$0xFFFFFFB0];
	v14 =	vmul.bf16 v20, v14;
	v20 =	vshll.u32 v10, $0x10;
	v10 =	vand.u32 $0xFFFF0000, v10  }
0xbc: {  	v11 =	vadd.f32 v11, v15;
	v26 =	vld [tilespmem:s29+$0xFFFFFF80];
	v10 =	vadd.f32 v10, v20;
	v20 =	vmov s4  }
0xbd: {  	v17 =	vadd.f32 v17, v6;
	v7 =	vadd.f32 v7, v13;
	v15 =	vld [tilespmem:s24+$0xFFFFFF90];
	v30 =	vand.u32 $0xFFFF0000, v14  }
0xbe: {  	v11 =	vadd.f32 v12, v11;
	v6 =	vshll.u32 v14, $0x10;
	v14 =	vadd.f32 v16, v21;
	v13 =	vld [tilespmem:s24+$0xFFFFFFD0]  }
0xbf: {  	v7 =	vadd.f32 v7, v22;
	v6 =	vadd.f32 v30, v6;
	v12 =	vld [tilespmem:s24+$0xFFFFFFA0]  }
0xc0: {  	v17 =	vadd.f32 v5, v17;
	v5 =	vadd.f32 v14, v10;
	v16 =	vmul.bf16 v24, v18;
	v18 =	vld [tilespmem:s24+$0x10]  }
0xc1: {  	v21 =	vld [tilespmem:s29+$0x0];
	(xrf2) =	vadd.scan.msk.f32 $0xffff, v11  }
0xc2: {  	vm0 =	veq.s32 v4, v0;
	v10 =	vmul.bf16 v26, v29;
	v14 =	vand.u32 $0xFFFF0000, v16;
	v22 =	vld [tilespmem:s24+$0x0];
	v4, _, _ =	vpop (xrf2)  }
0xc3: {  	v15 =	vmul.bf16 v28, v15;
	v16 =	vshll.u32 v16, $0x10;
	v24 =	vld [tilespmem:s29+$0x10];
	v26 =	vbroadcast v4, $0xF;
	v4 =	vmovc v20  }
0xc4: {  	v28 =	vmov s25;
	s25 =	smov.u32 s1;
	v11 =	vand.u32 $0xFFFF0000, v10;
	v20 =	vmul.bf16 v27, v32;
	v27 =	vld [tilespmem:s24+$0x30];
	(xrf2) =	vadd.scan.msk.f32 $0xffff, v17  }
0xc5: {  	v10 =	vshll.u32 v10, $0x10;
	v29 =	vshll.u32 v15, $0x10;
	v30 =	vmul.bf16 v9, v12;
	v31 =	vld [tilespmem:s29+$0x30]  }
0xc6: {  	vm1 =	veq.s32 v28, v0;
	v11 =	vadd.f32 v11, v10;
	v10 =	vadd.f32 v14, v16;
	v32 =	vld [tilespmem:s29+$0x70]  }
0xc7: {  	v17 =	vmul.bf16 v19, v13;
	v13 =	vshll.u32 v20, $0x10;
	v9 =	vsel vm1, v26, v8;
	v28 =	vld [tilespmem:s24+$0x70];
	(xrf2) =	vadd.scan.msk.f32 $0xffff, v7  }
0xc8: {  	v7 =	vand.u32 $0xFFFF0000, v15;
	v15 =	vshll.u32 v30, $0x10;
	v26 =	vmul.bf16 v24, v18;
	v12 =	vld [tilespmem:s29+$0x60]  }
.Ltmp2:
0xc9: {  	vm1 =	veq.s32 v3, v0;
	v3 =	vmovc v25;
	v14 =	vadd.f32 v7, v29;
	v7 =	vmul.bf16 v21, v22;
	v16 =	vld [tilespmem:s24+$0x60];
	(pc) =	sbr.rel @p2 .LBB2_4-.Ltmp2, $4  }
0xca: {  	vm2 =	veq.s32 v2, v0;
	v2 =	vmovc v23;
	v22 =	vand.u32 $0xFFFF0000, v20;
	v18 =	vshll.u32 v26, $0x10;
	v20 =	vld [tilespmem:s29+$0x50]  }
0xcb: {  	v24 =	vshll.u32 v7, $0x10;
	v21 =	vand.u32 $0xFFFF0000, v26;
	v19 =	vmul.bf16 v31, v27;
	v23 =	vld [tilespmem:s24+$0x50];
	v8, _, _ =	vpop (xrf2)  }
0xcc: {  	v27 =	vand.u32 $0xFFFF0000, v7;
	v25 =	vadd.f32 v21, v18;
	v21 =	vld [tilespmem:s29+$0x40];
	v18 =	vmul.bf16 v32, v28  }
0xcd: {  	v26 =	vand.u32 $0xFFFF0000, v30;
	v27 =	vadd.f32 v27, v24;
	v7 =	vshll.u32 v19, $0x10;
	s29 =	sadd.s32 $0x100, s29;
	v24 =	vld [tilespmem:s24+$0x40]  }
0xce: {  	v28 =	vshll.u32 v17, $0x10;
	v47 =	vand.u32 $0xFFFF0000, v17  }
0xcf: {  	v29 =	vand.u32 $0xFFFF0000, v18;
	v13 =	vadd.f32 v22, v13;
	v15 =	vadd.f32 v26, v15  }
0xd0: {  	v12 =	vmul.bf16 v12, v16;
	v11 =	vadd.f32 v14, v11;
	v51 =	vshll.u32 v18, $0x10  }
0xd1: {  	v48 =	vadd.f32 v25, v27;
	v18 =	vadd.f32 v29, v51;
	v20 =	vmul.bf16 v20, v23  }
0xd2: {  	v16 =	vshll.u32 v12, $0x10;
	v12 =	vand.u32 $0xFFFF0000, v12;
	v49 =	vmul.bf16 v21, v24  }
0xd3: {  	v10 =	vadd.f32 v10, v15;
	v12 =	vadd.f32 v12, v16;
	v50 =	vand.u32 $0xFFFF0000, v20  }
0xd4: {  	v20 =	vshll.u32 v20, $0x10;
	v21 =	vshll.u32 v49, $0x10;
	v14 =	vand.u32 $0xFFFF0000, v49  }
0xd5: {  	v52 =	vand.u32 $0xFFFF0000, v19;
	v15 =	vadd.f32 v50, v20;
	v14 =	vadd.f32 v14, v21  }
0xd6: {  	v17 =	vadd.f32 v47, v28;
	v7 =	vadd.f32 v52, v7  }
0xd7: {  	v12 =	vadd.f32 v18, v12;
	v14 =	vadd.f32 v15, v14  }
0xd8: {  	v6 =	vadd.f32 v17, v6;
	v10 =	vadd.f32 v10, v11  }
0xd9: {  	v7 =	vadd.f32 v7, v13;
	v53 =	vadd.f32 v12, v14  }
0xda: {  	v5 =	vadd.f32 v5, v6;
	(xrf2) =	vadd.scan.msk.f32 $0xffff, v10  }
0xdb: {  	v54 =	vadd.f32 v7, v48;
	(xrf2) =	vadd.scan.msk.f32 $0xffff, v53  }
0xdc: {  	(xrf2) =	vadd.scan.msk.f32 $0xffff, v5  }
0xdd: {  	(xrf2) =	vadd.scan.msk.f32 $0xffff, v54;
	_ =	sdelay $0x4  }
0xde: {  	v55, _, _ =	vpop (xrf2)  }
0xdf: {  	v56, _, _ =	vpop (xrf2);
	v5 =	vbroadcast v55, $0xF  }
0xe0: {  	v6 =	vbroadcast v56, $0xF;
	v57, _, _ =	vpop (xrf2)  }
0xe1: {  	v8 =	vbroadcast v8, $0xF;
	v5 =	vsel vm2, v5, v9;
	v58, _, _ =	vpop (xrf2)  }
0xe2: {  	v60 =	vmov s25;
	s1 =	sshll.u32 s23, $0x4;
	s23 =	sadd.s32 $0x1, s23;
	v5 =	vsel vm1, v6, v5;
	v59 =	vbroadcast v57, $0xF;
	v61, _, _ =	vpop (xrf2)  }
0xe3: {  	vm12 =	veq.s32 v60, v0;
	p2 =	sne.s32 s23, $0x5;
	v5 =	vsel vm0, v8, v5;
	v62 =	vbroadcast v61, $0xF;
	v63, _, _ =	vpop (xrf2)  }
.Ltmp3:
0xe4: {  	vm13 =	veq.s32 v2, v0;
	v5 =	vsel vm12, v59, v5;
	v2 =	vbroadcast v63, $0xF;
	(pc) =	sbr.rel @p2 .LBB2_3-.Ltmp3, $4  }
0xe5: {  	vm14 =	veq.s32 v3, v0;
	v3 =	vbroadcast v58, $0xF;
	v5 =	vsel vm13, v62, v5  }
0xe6: {  	vm15 =	veq.s32 v4, v0;
	v2 =	vsel vm14, v2, v5  }
0xe7: {  	s1 =	sand.u32 $0x3FFFFFF0, s1;
	v2 =	vsel vm15, v3, v2  }
0xe8: {  	s19 =	sadd.s32 $0x400, s19;
	s22 =	sadd.s32 $0x400, s22;
	[tilespmem:v1+s1+$0x0 ss:$0x1] =	vst.idx.msk $0xffff, v2  }
0xe9: {  	s1 =	simm.s32 @p1 $0x5  }
0xea: {  	_ =	swait.ge @p1 [sflag:s1], $0x1400  }
0xeb: {  	[sflag:s1] =	ssyncset.done @p1 $0x0  }
0xec: {  	[sflag:s1] =	ssyncadd.s32 @p1 $0xFFFFEC00  }
0xed: {  	_ =	swait.ge @p1 [sflag:s1], $0x1400  }
0xee: {  	[sflag:s1] =	ssyncset.done @p1 $0x0  }
0xef: {  	[sflag:s1] =	ssyncadd.s32 @p1 $0xFFFFEC00;
	s1 =	simm.s32 @!p1 $0x1  }
0xf0: {  	_ =	swait.ge @!p1 [sflag:s1], $0x50  }
0xf1: {  	[sflag:s1] =	ssyncset.done @!p1 $0x0  }
0xf2: {  	[sflag:s1] =	ssyncadd.s32 @!p1 $0xFFFFFFB0  }
0xf3: {  	_ =	swait.ge @!p1 [sflag:s1], $0x50  }
0xf4: {  	s4 =	simm.s32 @!p1 $0x13880;
	[sflag:s1] =	ssyncset.done @!p1 $0x0  }
0xf5: {  	s17 =	simm.s32 @!p1 $0x13A60;
	[sflag:s1] =	ssyncadd.s32 @!p1 $0xFFFFFFB0;
	s1 =	simm.s32 @!p1 $0x50  }
0xf6: {  	[tilespmem:s17], [sflag:$0x4] =	stream.indirect.gather @!p1 [spmem:s2], $0x40, s4, s1, $0xb8;
	[tilespmem:$0x1D970] =	vst v63  }
0xf7: {  	s4 =	simm.s32 @!p1 $0x138D0;
	s17 =	simm.s32 @!p1 $0x14E60  }
0xf8: {  	[tilespmem:s17], [sflag:$0x4] =	stream.indirect.gather @!p1 [spmem:s3], $0x40, s4, s1, $0xb8;
	[tilespmem:$0x1D970] =	vst v63  }
0xf9: {  	s1 =	simm.s32 @!p1 $0x5  }
0xfa: {  	_ =	swait.ge @!p1 [sflag:s1], $0x1400  }
0xfb: {  	[sflag:s1] =	ssyncset.done @!p1 $0x0  }
0xfc: {  	[sflag:s1] =	ssyncadd.s32 @!p1 $0xFFFFEC00  }
0xfd: {  	_ =	swait.ge @!p1 [sflag:s1], $0x1400  }
0xfe: {  	s4 =	sadd.s32 @!p1 s16, s20;
	[sflag:s1] =	ssyncset.done @!p1 $0x0  }
0xff: {  	s29 =	sadd.s32 $0x1B2B0, s15;
	[sflag:s1] =	ssyncadd.s32 @!p1 $0xFFFFEC00;
	s1 =	sshrl.u32 @!p1 s4, $0x3  }
0x100: {  	s16 =	simm.s32 @!p1 $0x0;
	s17 =	simm.s32 @!p1 $0x13920;
	s4 =	sadd.s32 @!p1 s5, s1  }
0x101: {  	[tilespmem:s17], [sflag:$0x2] =	stream.linear.gather @!p1 [hbm4b:s4+s16], $0x50, $0x38;
	[tilespmem:$0x1D970] =	vst v63  }
0x102: {  	s19 =	simm.s32 $0x162E0;
	s1 =	sadd.s32 @!p1 s6, s1;
	s4 =	simm.s32 @!p1 $0x13970  }
0x103: {  	[tilespmem:s4], [sflag:$0x2] =	stream.linear.gather @!p1 [hbm4b:s1+s16], $0x50, $0x38;
	[tilespmem:$0x1D970] =	vst v63  }
0x104: {  	s22 =	simm.s32 $0x0;
	v1 =	vmov s29;
	s17 =	simm.s32 $0x176E0;
	s16 =	simm.s32 $0x0  }
.LBB2_7:
0x105: {  	v2 =	vld [tilespmem:s17+$0xFFFFFF90]  }
0x106: {  	v3 =	vld [tilespmem:s19+$0x20]  }
0x107: {  	v4 =	vld [tilespmem:s17+$0x20]  }
0x108: {  	v5 =	vld [tilespmem:s17+$0xFFFFFFF0]  }
0x109: {  	v6 =	vld [tilespmem:s19+$0xFFFFFFF0]  }
0x10a: {  	v8 =	vld [tilespmem:s17+$0xFFFFFFE0]  }
0x10b: {  	v10 =	vld [tilespmem:s19+$0xFFFFFFE0]  }
0x10c: {  	v11 =	vld [tilespmem:s17+$0xFFFFFFC0]  }
0x10d: {  	v12 =	vld [tilespmem:s19+$0xFFFFFFC0]  }
0x10e: {  	v13 =	vld [tilespmem:s19+$0xFFFFFF80]  }
0x10f: {  	v14 =	vld [tilespmem:s17+$0xFFFFFFA0]  }
0x110: {  	v15 =	vld [tilespmem:s17+$0xFFFFFFD0]  }
0x111: {  	v16 =	vld [tilespmem:s17+$0xFFFFFFB0]  }
0x112: {  	v17 =	vld [tilespmem:s19+$0xFFFFFFB0]  }
0x113: {  	v18 =	vld [tilespmem:s17+$0xFFFFFF80]  }
0x114: {  	v19 =	vld [tilespmem:s19+$0xFFFFFF90]  }
0x115: {  	v20 =	vld [tilespmem:s19+$0xFFFFFFD0]  }
0x116: {  	v21 =	vld [tilespmem:s19+$0xFFFFFFA0]  }
0x117: {  	v22 =	vld [tilespmem:s19+$0x10]  }
0x118: {  	s1 =	simm.s32 $0x1;
	v9 =	vimm.f32 $0.0e+00;
	v23 =	vld [tilespmem:s19+$0x0]  }
0x119: {  	v25 =	vld [tilespmem:s17+$0x10];
	v7 =	vmov s1;
	v5 =	vmul.bf16 v5, v6;
	v10 =	vmul.bf16 v8, v10  }
0x11a: {  	s4 =	simm.s32 $0x2;
	v26 =	vld [tilespmem:s19+$0x30];
	s26 =	sadd.s32 $0x100, s17;
	vm2 =	veq.s32 v7, v0;
	v11 =	vmul.bf16 v11, v12;
	v16 =	vmul.bf16 v16, v17  }
0x11b: {  	v30 =	vld [tilespmem:s26+$0x20];
	v8 =	vmov s4;
	v2 =	vmul.bf16 v2, v19;
	v3 =	vmul.bf16 v4, v3  }
0x11c: {  	v31 =	vld [tilespmem:s26+$0xFFFFFFF0];
	v14 =	vmul.bf16 v14, v21;
	v15 =	vmul.bf16 v15, v20;
	v24 =	vshll.u32 v5, $0x10  }
0x11d: {  	v6 =	vld [tilespmem:s17+$0x0];
	v5 =	vand.u32 $0xFFFF0000, v5;
	v12 =	vshll.u32 v10, $0x10;
	v10 =	vand.u32 $0xFFFF0000, v10  }
0x11e: {  	v63 =	vld [tilespmem:s26+$0x70];
	v27 =	vand.u32 $0xFFFF0000, v11;
	v10 =	vadd.f32 v10, v12;
	v5 =	vadd.f32 v5, v24  }
0x11f: {  	s23 =	simm.s32 $0x3;
	v17 =	vld [tilespmem:s17+$0x70];
	v11 =	vshll.u32 v11, $0x10;
	v28 =	vshll.u32 v2, $0x10;
	v2 =	vand.u32 $0xFFFF0000, v2  }
0x120: {  	v19 =	vld [tilespmem:s17+$0x60];
	v12 =	vmov s23;
	v11 =	vadd.f32 v27, v11;
	v10 =	vadd.f32 v5, v10  }
0x121: {  	v21 =	vld [tilespmem:s17+$0x50];
	v5 =	vmul.bf16 v18, v13;
	v18 =	vand.u32 $0xFFFF0000, v16;
	v16 =	vshll.u32 v16, $0x10  }
0x122: {  	v24 =	vld [tilespmem:s17+$0x30];
	v2 =	vadd.f32 v2, v28;
	v6 =	vmul.bf16 v6, v23;
	v16 =	vadd.f32 v18, v16  }
0x123: {  	v20 =	vld [tilespmem:s19+$0x50];
	v18 =	vmul.bf16 v25, v22;
	v22 =	vshll.u32 v3, $0x10;
	v25 =	vshll.u32 v14, $0x10  }
0x124: {  	v28 =	vld [tilespmem:s19+$0x40];
	v3 =	vand.u32 $0xFFFF0000, v3;
	v14 =	vand.u32 $0xFFFF0000, v14;
	v27 =	vand.u32 $0xFFFF0000, v5  }
0x125: {  	v13 =	vld [tilespmem:s19+$0x70];
	v4 =	vshll.u32 v5, $0x10;
	v29 =	vshll.u32 v6, $0x10;
	v22 =	vadd.f32 v3, v22  }
0x126: {  	s23 =	sadd.s32 $0x100, s19;
	v5 =	vld [tilespmem:s19+$0x60];
	v6 =	vand.u32 $0xFFFF0000, v6;
	v14 =	vadd.f32 v14, v25;
	v4 =	vadd.f32 v27, v4  }
0x127: {  	v25 =	vld [tilespmem:s23+$0xFFFFFFF0];
	v23 =	vshll.u32 v18, $0x10;
	v18 =	vand.u32 $0xFFFF0000, v18;
	v24 =	vmul.bf16 v24, v26  }
0x128: {  	v27 =	vld [tilespmem:s17+$0x40];
	v6 =	vadd.f32 v6, v29;
	v29 =	vshll.u32 v15, $0x10;
	v15 =	vand.u32 $0xFFFF0000, v15  }
0x129: {  	vm0 =	veq.s32 v12, v0;
	v26 =	vld [tilespmem:s26+$0xFFFFFF90];
	v18 =	vadd.f32 v18, v23;
	v15 =	vadd.f32 v15, v29  }
0x12a: {  	v23 =	vld [tilespmem:s23+$0x20];
	v13 =	vmul.bf16 v17, v13;
	v17 =	vshll.u32 v24, $0x10;
	v2 =	vadd.f32 v2, v4  }
0x12b: {  	v29 =	vld [tilespmem:s23+$0xFFFFFF80];
	v4 =	vadd.f32 v16, v14;
	v18 =	vadd.f32 v18, v6;
	v6 =	vmul.bf16 v21, v20  }
0x12c: {  	v14 =	vld [tilespmem:s23+$0xFFFFFFE0];
	v20 =	vand.u32 $0xFFFF0000, v24;
	v11 =	vadd.f32 v15, v11;
	v3 =	vand.u32 $0xFFFF0000, v13  }
0x12d: {  	v5 =	vmul.bf16 v19, v5;
	v19 =	vld [tilespmem:s26+$0xFFFFFFE0];
	v2 =	vadd.f32 v4, v2;
	v25 =	vmul.bf16 v31, v25  }
0x12e: {  	v16 =	vmul.bf16 v27, v28;
	v21 =	vand.u32 $0xFFFF0000, v6;
	v27 =	vld [tilespmem:s26+$0xFFFFFFC0];
	v4 =	vshll.u32 v6, $0x10  }
0x12f: {  	s24 =	simm.s32 $0x5;
	v6 =	vshll.u32 v13, $0x10;
	v13 =	vld [tilespmem:s23+$0xFFFFFFC0];
	v24 =	vshll.u32 v5, $0x10;
	v5 =	vand.u32 $0xFFFF0000, v5  }
0x130: {  	(xrf2) =	vadd.scan.msk.f32 $0xffff, v2;
	v2 =	vmov s24;
	v3 =	vadd.f32 v3, v6;
	v4 =	vadd.f32 v21, v4;
	v21 =	vld [tilespmem:s23+$0xFFFFFFB0]  }
0x131: {  	v28 =	vshll.u32 v16, $0x10;
	v16 =	vand.u32 $0xFFFF0000, v16;
	v5 =	vadd.f32 v5, v24;
	v24 =	vld [tilespmem:s26+$0xFFFFFFD0]  }
0x132: {  	v6 =	vadd.f32 v20, v17;
	v17 =	vshll.u32 v25, $0x10;
	v16 =	vadd.f32 v16, v28;
	v28 =	vld [tilespmem:s26+$0xFFFFFFA0]  }
0x133: {  	v20 =	vand.u32 $0xFFFF0000, v25;
	v23 =	vmul.bf16 v30, v23;
	v14 =	vmul.bf16 v19, v14;
	v19 =	vld [tilespmem:s26+$0xFFFFFFB0]  }
0x134: {  	v15 =	vadd.f32 v6, v22;
	v5 =	vadd.f32 v3, v5;
	v13 =	vmul.bf16 v27, v13;
	v27 =	vld [tilespmem:s26+$0xFFFFFF80]  }
0x135: {  	s25 =	simm.s32 $0x6;
	v4 =	vadd.f32 v4, v16;
	v16 =	vld [tilespmem:s23+$0xFFFFFF90];
	v25 =	vshll.u32 v14, $0x10;
	v14 =	vand.u32 $0xFFFF0000, v14  }
0x136: {  	v22 =	vld [tilespmem:s23+$0xFFFFFFD0];
	v3 =	vmov s25;
	v62 =	vadd.f32 v15, v18;
	v14 =	vadd.f32 v14, v25  }
0x137: {  	s29 =	simm.s32 $0x7;
	v18 =	vld [tilespmem:s23+$0x10];
	v25 =	vand.u32 $0xFFFF0000, v13;
	v6 =	vshll.u32 v13, $0x10;
	v13 =	vadd.f32 v20, v17  }
0x138: {  	v17 =	vadd.f32 v5, v4;
	v20 =	vld [tilespmem:s23+$0xFFFFFFA0];
	v4 =	vmov s29;
	v6 =	vadd.f32 v25, v6  }
0x139: {  	v25 =	vld [tilespmem:s23+$0x0];
	v15 =	vmul.bf16 v19, v21;
	v5 =	vadd.f32 v13, v14;
	v21 =	vadd.f32 v10, v11  }
0x13a: {  	(xrf2) =	vadd.scan.msk.f32 $0xffff, v17;
	v17 =	vmov s16;
	v10 =	vmul.bf16 v27, v29;
	v12 =	vmul.bf16 v26, v16;
	v16 =	vld [tilespmem:s26+$0x10]  }
0x13b: {  	v19 =	vld [tilespmem:s26+$0x0];
	vm1 =	veq.s32 v17, v0;
	v17 =	vmul.bf16 v24, v22;
	v22 =	vand.u32 $0xFFFF0000, v23;
	v11, _, _ =	vpop (xrf2)  }
0x13c: {  	v26 =	vld [tilespmem:s23+$0x30];
	v13 =	vand.u32 $0xFFFF0000, v15;
	v14 =	vshll.u32 v15, $0x10;
	(xrf2) =	vadd.scan.msk.f32 $0xffff, v21;
	v15 =	vbroadcast v11, $0xF  }
0x13d: {  	v29 =	vld [tilespmem:s26+$0x30];
	v11 =	vand.u32 $0xFFFF0000, v10;
	v10 =	vshll.u32 v10, $0x10;
	v27 =	vshll.u32 v12, $0x10  }
0x13e: {  	v24 =	vld [tilespmem:s23+$0x70];
	v28 =	vmul.bf16 v28, v20;
	v11 =	vadd.f32 v11, v10;
	v10 =	vadd.f32 v13, v14  }
0x13f: {  	v21 =	vld [tilespmem:s26+$0x40];
	(xrf2) =	vadd.scan.msk.f32 $0xffff, v62;
	v13 =	vshll.u32 v23, $0x10;
	v14 =	vand.u32 $0xFFFF0000, v12;
	v18 =	vmul.bf16 v16, v18  }
0x140: {  	v20 =	vld [tilespmem:s26+$0x50];
	v9 =	vsel vm1, v15, v9;
	v15 =	vshll.u32 v28, $0x10;
	v25 =	vmul.bf16 v19, v25  }
0x141: {  	v12 =	vld [tilespmem:s26+$0x60];
	v14 =	vadd.f32 v14, v27;
	vm1 =	veq.s32 v8, v0;
	v8 =	vshll.u32 v18, $0x10  }
0x142: {  	v23 =	vld [tilespmem:s23+$0x50];
	v19 =	vmul.bf16 v29, v26;
	v26 =	vand.u32 $0xFFFF0000, v28;
	v27 =	vshll.u32 v25, $0x10  }
0x143: {  	v16 =	vld [tilespmem:s23+$0x60];
	v29 =	vand.u32 $0xFFFF0000, v25;
	v7 =	vand.u32 $0xFFFF0000, v18;
	v18 =	vmul.bf16 v63, v24  }
0x144: {  	s24 =	simm.s32 $0x4;
	s25 =	simm.s32 $0x8;
	s26 =	sadd.s32 $0x100, s26;
	v27 =	vadd.f32 v29, v27;
	v24 =	vld [tilespmem:s23+$0x40];
	v25 =	vadd.f32 v7, v8;
	v7 =	vshll.u32 v19, $0x10;
	v8, _, _ =	vpop (xrf2)  }
.LBB2_8:
0x145: {  	p2 =	slt.u32 s25, $0xC  }
0x146: {  	v28 =	vld [tilespmem:s26+$0xFFFFFF90];
	v29 =	vshll.u32 v17, $0x10;
	v17 =	vand.u32 $0xFFFF0000, v17;
	v30 =	vand.u32 $0xFFFF0000, v18;
	s23 =	sadd.s32 $0x100, s23;
	v31, _, _ =	vpop (xrf2);
	s1 =	smov.u32 s25;
	s25 =	sadd.s32 $0x4, s25  }
0x147: {  	v13 =	vadd.f32 v22, v13;
	v32 =	vld [tilespmem:s23+$0x20];
	v22 =	vadd.f32 v25, v27;
	v25 =	vbroadcast v31, $0xF  }
0x148: {  	v15 =	vadd.f32 v26, v15;
	v19 =	vand.u32 $0xFFFF0000, v19;
	v27 =	vld [tilespmem:s26+$0x20];
	v20 =	vmul.bf16 v20, v23  }
0x149: {  	v11 =	vadd.f32 v14, v11;
	v12 =	vmul.bf16 v12, v16;
	v8 =	vbroadcast v8, $0xF;
	v23 =	vld [tilespmem:s26+$0xFFFFFFF0];
	v14, _, _ =	vpop (xrf2)  }
0x14a: {  	v10 =	vadd.f32 v10, v15;
	v9 =	vsel vm2, v25, v9;
	v16 =	vld [tilespmem:s23+$0xFFFFFFF0];
	v15 =	vmul.bf16 v21, v24  }
0x14b: {  	v25 =	vshll.u32 v12, $0x10;
	v24 =	vand.u32 $0xFFFF0000, v20;
	v14 =	vbroadcast v14, $0xF;
	v21 =	vld [tilespmem:s26+$0xFFFFFFE0]  }
0x14c: {  	v18 =	vshll.u32 v18, $0x10;
	v10 =	vadd.f32 v10, v11;
	v11 =	vshll.u32 v20, $0x10;
	v26 =	vld [tilespmem:s23+$0xFFFFFFE0]  }
0x14d: {  	v31 =	vshll.u32 v15, $0x10;
	v15 =	vand.u32 $0xFFFF0000, v15;
	v9 =	vsel vm1, v14, v9;
	v20 =	vld [tilespmem:s26+$0xFFFFFFC0]  }
0x14e: {  	v17 =	vadd.f32 v17, v29;
	v12 =	vand.u32 $0xFFFF0000, v12;
	v15 =	vadd.f32 v15, v31;
	v14 =	vld [tilespmem:s23+$0xFFFFFFC0]  }
0x14f: {  	s4 =	sadd.s32 $0x1, s1;
	v12 =	vadd.f32 v12, v25;
	v8 =	vsel vm0, v8, v9;
	v29 =	vld [tilespmem:s23+$0xFFFFFF80];
	v16 =	vmul.bf16 v23, v16  }
0x150: {  	v7 =	vadd.f32 v19, v7;
	v18 =	vadd.f32 v30, v18;
	v23 =	vmov s4;
	v9 =	vld [tilespmem:s26+$0xFFFFFFA0];
	(xrf2) =	vadd.scan.msk.f32 $0xffff, v10  }
0x151: {  	v11 =	vadd.f32 v24, v11;
	s4 =	sadd.s32 $0x2, s1;
	v19 =	vld [tilespmem:s26+$0xFFFFFFD0];
	v10 =	vmul.bf16 v21, v26;
	v21 =	vshll.u32 v16, $0x10  }
0x152: {  	v12 =	vadd.f32 v18, v12;
	v25 =	vmov s4;
	v16 =	vand.u32 $0xFFFF0000, v16;
	v24 =	vld [tilespmem:s26+$0xFFFFFFB0]  }
0x153: {  	s4 =	sadd.s32 $0x3, s1;
	v18 =	vld [tilespmem:s23+$0xFFFFFFB0];
	v14 =	vmul.bf16 v20, v14;
	v20 =	vshll.u32 v10, $0x10;
	v10 =	vand.u32 $0xFFFF0000, v10  }
0x154: {  	v11 =	vadd.f32 v11, v15;
	v26 =	vld [tilespmem:s26+$0xFFFFFF80];
	v10 =	vadd.f32 v10, v20;
	v20 =	vmov s4  }
0x155: {  	v17 =	vadd.f32 v17, v6;
	v7 =	vadd.f32 v7, v13;
	v15 =	vld [tilespmem:s23+$0xFFFFFF90];
	v30 =	vand.u32 $0xFFFF0000, v14  }
0x156: {  	v11 =	vadd.f32 v12, v11;
	v6 =	vshll.u32 v14, $0x10;
	v14 =	vadd.f32 v16, v21;
	v13 =	vld [tilespmem:s23+$0xFFFFFFD0]  }
0x157: {  	v7 =	vadd.f32 v7, v22;
	v6 =	vadd.f32 v30, v6;
	v12 =	vld [tilespmem:s23+$0xFFFFFFA0]  }
0x158: {  	v17 =	vadd.f32 v5, v17;
	v5 =	vadd.f32 v14, v10;
	v16 =	vmul.bf16 v24, v18;
	v18 =	vld [tilespmem:s23+$0x10]  }
0x159: {  	v21 =	vld [tilespmem:s26+$0x0];
	(xrf2) =	vadd.scan.msk.f32 $0xffff, v11  }
0x15a: {  	vm0 =	veq.s32 v4, v0;
	v10 =	vmul.bf16 v26, v29;
	v14 =	vand.u32 $0xFFFF0000, v16;
	v22 =	vld [tilespmem:s23+$0x0];
	v4, _, _ =	vpop (xrf2)  }
0x15b: {  	v15 =	vmul.bf16 v28, v15;
	v16 =	vshll.u32 v16, $0x10;
	v24 =	vld [tilespmem:s26+$0x10];
	v26 =	vbroadcast v4, $0xF;
	v4 =	vmovc v20  }
0x15c: {  	v28 =	vmov s24;
	s24 =	smov.u32 s1;
	v11 =	vand.u32 $0xFFFF0000, v10;
	v20 =	vmul.bf16 v27, v32;
	v27 =	vld [tilespmem:s23+$0x30];
	(xrf2) =	vadd.scan.msk.f32 $0xffff, v17  }
0x15d: {  	v10 =	vshll.u32 v10, $0x10;
	v29 =	vshll.u32 v15, $0x10;
	v30 =	vmul.bf16 v9, v12;
	v31 =	vld [tilespmem:s26+$0x30]  }
0x15e: {  	vm1 =	veq.s32 v28, v0;
	v11 =	vadd.f32 v11, v10;
	v10 =	vadd.f32 v14, v16;
	v32 =	vld [tilespmem:s26+$0x70]  }
0x15f: {  	v17 =	vmul.bf16 v19, v13;
	v13 =	vshll.u32 v20, $0x10;
	v9 =	vsel vm1, v26, v8;
	v28 =	vld [tilespmem:s23+$0x70];
	(xrf2) =	vadd.scan.msk.f32 $0xffff, v7  }
0x160: {  	v7 =	vand.u32 $0xFFFF0000, v15;
	v15 =	vshll.u32 v30, $0x10;
	v26 =	vmul.bf16 v24, v18;
	v12 =	vld [tilespmem:s26+$0x60]  }
.Ltmp4:
0x161: {  	vm1 =	veq.s32 v3, v0;
	v3 =	vmovc v25;
	v14 =	vadd.f32 v7, v29;
	v7 =	vmul.bf16 v21, v22;
	v16 =	vld [tilespmem:s23+$0x60];
	(pc) =	sbr.rel @p2 .LBB2_8-.Ltmp4, $4  }
0x162: {  	vm2 =	veq.s32 v2, v0;
	v2 =	vmovc v23;
	v22 =	vand.u32 $0xFFFF0000, v20;
	v18 =	vshll.u32 v26, $0x10;
	v20 =	vld [tilespmem:s26+$0x50]  }
0x163: {  	v24 =	vshll.u32 v7, $0x10;
	v21 =	vand.u32 $0xFFFF0000, v26;
	v19 =	vmul.bf16 v31, v27;
	v23 =	vld [tilespmem:s23+$0x50];
	v8, _, _ =	vpop (xrf2)  }
0x164: {  	v27 =	vand.u32 $0xFFFF0000, v7;
	v25 =	vadd.f32 v21, v18;
	v21 =	vld [tilespmem:s26+$0x40];
	v18 =	vmul.bf16 v32, v28  }
0x165: {  	v26 =	vand.u32 $0xFFFF0000, v30;
	v27 =	vadd.f32 v27, v24;
	v7 =	vshll.u32 v19, $0x10;
	s26 =	sadd.s32 $0x100, s26;
	v24 =	vld [tilespmem:s23+$0x40]  }
0x166: {  	v28 =	vshll.u32 v17, $0x10;
	v47 =	vand.u32 $0xFFFF0000, v17  }
0x167: {  	v29 =	vand.u32 $0xFFFF0000, v18;
	v13 =	vadd.f32 v22, v13;
	v15 =	vadd.f32 v26, v15  }
0x168: {  	v12 =	vmul.bf16 v12, v16;
	v11 =	vadd.f32 v14, v11;
	v51 =	vshll.u32 v18, $0x10  }
0x169: {  	v48 =	vadd.f32 v25, v27;
	v18 =	vadd.f32 v29, v51;
	v20 =	vmul.bf16 v20, v23  }
0x16a: {  	v16 =	vshll.u32 v12, $0x10;
	v12 =	vand.u32 $0xFFFF0000, v12;
	v49 =	vmul.bf16 v21, v24  }
0x16b: {  	v10 =	vadd.f32 v10, v15;
	v12 =	vadd.f32 v12, v16;
	v50 =	vand.u32 $0xFFFF0000, v20  }
0x16c: {  	v20 =	vshll.u32 v20, $0x10;
	v21 =	vshll.u32 v49, $0x10;
	v14 =	vand.u32 $0xFFFF0000, v49  }
0x16d: {  	v52 =	vand.u32 $0xFFFF0000, v19;
	v15 =	vadd.f32 v50, v20;
	v14 =	vadd.f32 v14, v21  }
0x16e: {  	v17 =	vadd.f32 v47, v28;
	v7 =	vadd.f32 v52, v7  }
0x16f: {  	v12 =	vadd.f32 v18, v12;
	v14 =	vadd.f32 v15, v14  }
0x170: {  	v6 =	vadd.f32 v17, v6;
	v10 =	vadd.f32 v10, v11  }
0x171: {  	v7 =	vadd.f32 v7, v13;
	v53 =	vadd.f32 v12, v14  }
0x172: {  	v5 =	vadd.f32 v5, v6;
	(xrf2) =	vadd.scan.msk.f32 $0xffff, v10  }
0x173: {  	v54 =	vadd.f32 v7, v48;
	(xrf2) =	vadd.scan.msk.f32 $0xffff, v53  }
0x174: {  	(xrf2) =	vadd.scan.msk.f32 $0xffff, v5  }
0x175: {  	(xrf2) =	vadd.scan.msk.f32 $0xffff, v54;
	_ =	sdelay $0x4  }
0x176: {  	v55, _, _ =	vpop (xrf2)  }
0x177: {  	v56, _, _ =	vpop (xrf2);
	v5 =	vbroadcast v55, $0xF  }
0x178: {  	v6 =	vbroadcast v56, $0xF;
	v57, _, _ =	vpop (xrf2)  }
0x179: {  	v8 =	vbroadcast v8, $0xF;
	v5 =	vsel vm2, v5, v9;
	v58, _, _ =	vpop (xrf2)  }
0x17a: {  	v60 =	vmov s24;
	s1 =	sshll.u32 s22, $0x4;
	s22 =	sadd.s32 $0x1, s22;
	v5 =	vsel vm1, v6, v5;
	v59 =	vbroadcast v57, $0xF;
	v61, _, _ =	vpop (xrf2)  }
0x17b: {  	vm12 =	veq.s32 v60, v0;
	p2 =	sne.s32 s22, $0x5;
	v5 =	vsel vm0, v8, v5;
	v62 =	vbroadcast v61, $0xF;
	v63, _, _ =	vpop (xrf2)  }
.Ltmp5:
0x17c: {  	vm13 =	veq.s32 v2, v0;
	v5 =	vsel vm12, v59, v5;
	v2 =	vbroadcast v63, $0xF;
	(pc) =	sbr.rel @p2 .LBB2_7-.Ltmp5, $4  }
0x17d: {  	vm14 =	veq.s32 v3, v0;
	v3 =	vbroadcast v58, $0xF;
	v5 =	vsel vm13, v62, v5  }
0x17e: {  	vm15 =	veq.s32 v4, v0;
	v2 =	vsel vm14, v2, v5  }
0x17f: {  	s1 =	sand.u32 $0x3FFFFFF0, s1;
	v2 =	vsel vm15, v3, v2  }
0x180: {  	s17 =	sadd.s32 $0x400, s17;
	s19 =	sadd.s32 $0x400, s19;
	[tilespmem:v1+s1+$0x0 ss:$0x1] =	vst.idx.msk $0xffff, v2  }
.Ltmp6:
0x181: {  	(pc) =	sbr.rel @p1 .LBB2_16-.Ltmp6, $1  }
0x182: {  	_ =	sdelay $0x3  }
0x183: {  	_ =	swait.ge [sflag:s30], $0x50  }
0x184: {  	[sflag:s30] =	ssyncset.done $0x0  }
0x185: {  	[sflag:s30] =	ssyncadd.s32 $0xFFFFFFB0  }
0x186: {  	_ =	swait.ge [sflag:s30], $0x50  }
0x187: {  	[sflag:s30] =	ssyncset.done $0x0  }
0x188: {  	[sflag:s30] =	ssyncadd.s32 $0xFFFFFFB0  }
0x189: {  	[tilespmem:s10], [sflag:$0x5] =	stream.indirect.gather [spmem:s2], $0x40, s31, s9, $0xb8;
	[tilespmem:$0x1D970] =	vst v63  }
0x18a: {  	_ = 	snop  }
0x18b: {  	[tilespmem:s11], [sflag:$0x5] =	stream.indirect.gather [spmem:s3], $0x40, s0, s9, $0xb8;
	[tilespmem:$0x1D970] =	vst v63  }
0x18c: {  	p1 =	sgt.u32 s14, $0x27;
	_ =	swait.ge [sflag:s7], $0x1400  }
0x18d: {  	s1 =	smul.u32 @!p1 $0xF0, s14;
	[sflag:s7] =	ssyncset.done $0x0  }
0x18e: {  	[sflag:s7] =	ssyncadd.s32 $0xFFFFEC00  }
0x18f: {  	s29 =	sadd.s32 $0x1B300, s15;
	s1 =	sadd.s32 @!p1 s1, s21;
	_ =	swait.ge [sflag:s7], $0x1400  }
0x190: {  	s16 =	simm.s32 @!p1 $0x0;
	s1 =	sshrl.u32 @!p1 s1, $0x3;
	[sflag:s7] =	ssyncset.done $0x0  }
0x191: {  	s17 =	simm.s32 @!p1 $0x139C0;
	s4 =	sadd.s32 @!p1 s5, s1;
	[sflag:s7] =	ssyncadd.s32 $0xFFFFEC00  }
0x192: {  	[tilespmem:s17], [sflag:$0x3] =	stream.linear.gather @!p1 [hbm4b:s4+s16], $0x50, $0x38;
	[tilespmem:$0x1D970] =	vst v63  }
0x193: {  	s15 =	simm.s32 $0x0;
	s1 =	sadd.s32 @!p1 s6, s1;
	s4 =	simm.s32 @!p1 $0x13A10  }
0x194: {  	[tilespmem:s4], [sflag:$0x3] =	stream.linear.gather @!p1 [hbm4b:s1+s16], $0x50, $0x38;
	[tilespmem:$0x1D970] =	vst v63  }
0x195: {  	s19 =	simm.s32 $0x0;
	v1 =	vmov s29;
	s17 =	simm.s32 $0x18AE0;
	s16 =	simm.s32 $0x19EE0  }
.LBB2_12:
0x196: {  	v2 =	vld [tilespmem:s16+$0xFFFFFF90]  }
0x197: {  	v3 =	vld [tilespmem:s17+$0x20]  }
0x198: {  	v4 =	vld [tilespmem:s16+$0x20]  }
0x199: {  	v5 =	vld [tilespmem:s16+$0xFFFFFFF0]  }
0x19a: {  	v6 =	vld [tilespmem:s17+$0xFFFFFFF0]  }
0x19b: {  	v8 =	vld [tilespmem:s16+$0xFFFFFFE0]  }
0x19c: {  	v10 =	vld [tilespmem:s17+$0xFFFFFFE0]  }
0x19d: {  	v11 =	vld [tilespmem:s16+$0xFFFFFFC0]  }
0x19e: {  	v12 =	vld [tilespmem:s17+$0xFFFFFFC0]  }
0x19f: {  	v13 =	vld [tilespmem:s17+$0xFFFFFF80]  }
0x1a0: {  	v14 =	vld [tilespmem:s16+$0xFFFFFFA0]  }
0x1a1: {  	v15 =	vld [tilespmem:s16+$0xFFFFFFD0]  }
0x1a2: {  	v16 =	vld [tilespmem:s16+$0xFFFFFFB0]  }
0x1a3: {  	v17 =	vld [tilespmem:s17+$0xFFFFFFB0]  }
0x1a4: {  	v18 =	vld [tilespmem:s16+$0xFFFFFF80]  }
0x1a5: {  	v19 =	vld [tilespmem:s17+$0xFFFFFF90]  }
0x1a6: {  	v20 =	vld [tilespmem:s17+$0xFFFFFFD0]  }
0x1a7: {  	v21 =	vld [tilespmem:s17+$0xFFFFFFA0]  }
0x1a8: {  	v22 =	vld [tilespmem:s17+$0x10]  }
0x1a9: {  	s1 =	simm.s32 $0x1;
	v9 =	vimm.f32 $0.0e+00;
	v23 =	vld [tilespmem:s17+$0x0]  }
0x1aa: {  	v25 =	vld [tilespmem:s16+$0x10];
	v7 =	vmov s1;
	v5 =	vmul.bf16 v5, v6;
	v10 =	vmul.bf16 v8, v10  }
0x1ab: {  	s22 =	simm.s32 $0x2;
	v26 =	vld [tilespmem:s17+$0x30];
	s25 =	sadd.s32 $0x100, s16;
	vm2 =	veq.s32 v7, v0;
	v11 =	vmul.bf16 v11, v12;
	v16 =	vmul.bf16 v16, v17  }
0x1ac: {  	v30 =	vld [tilespmem:s25+$0x20];
	v8 =	vmov s22;
	v2 =	vmul.bf16 v2, v19;
	v3 =	vmul.bf16 v4, v3  }
0x1ad: {  	v31 =	vld [tilespmem:s25+$0xFFFFFFF0];
	v14 =	vmul.bf16 v14, v21;
	v15 =	vmul.bf16 v15, v20;
	v24 =	vshll.u32 v5, $0x10  }
0x1ae: {  	v6 =	vld [tilespmem:s16+$0x0];
	v5 =	vand.u32 $0xFFFF0000, v5;
	v12 =	vshll.u32 v10, $0x10;
	v10 =	vand.u32 $0xFFFF0000, v10  }
0x1af: {  	v63 =	vld [tilespmem:s25+$0x70];
	v27 =	vand.u32 $0xFFFF0000, v11;
	v10 =	vadd.f32 v10, v12;
	v5 =	vadd.f32 v5, v24  }
0x1b0: {  	s23 =	simm.s32 $0x3;
	v17 =	vld [tilespmem:s16+$0x70];
	v11 =	vshll.u32 v11, $0x10;
	v28 =	vshll.u32 v2, $0x10;
	v2 =	vand.u32 $0xFFFF0000, v2  }
0x1b1: {  	v19 =	vld [tilespmem:s16+$0x60];
	v12 =	vmov s23;
	v11 =	vadd.f32 v27, v11;
	v10 =	vadd.f32 v5, v10  }
0x1b2: {  	v21 =	vld [tilespmem:s16+$0x50];
	v5 =	vmul.bf16 v18, v13;
	v18 =	vand.u32 $0xFFFF0000, v16;
	v16 =	vshll.u32 v16, $0x10  }
0x1b3: {  	v24 =	vld [tilespmem:s16+$0x30];
	v2 =	vadd.f32 v2, v28;
	v6 =	vmul.bf16 v6, v23;
	v16 =	vadd.f32 v18, v16  }
0x1b4: {  	v20 =	vld [tilespmem:s17+$0x50];
	v18 =	vmul.bf16 v25, v22;
	v22 =	vshll.u32 v3, $0x10;
	v25 =	vshll.u32 v14, $0x10  }
0x1b5: {  	v28 =	vld [tilespmem:s17+$0x40];
	v3 =	vand.u32 $0xFFFF0000, v3;
	v14 =	vand.u32 $0xFFFF0000, v14;
	v27 =	vand.u32 $0xFFFF0000, v5  }
0x1b6: {  	v13 =	vld [tilespmem:s17+$0x70];
	v4 =	vshll.u32 v5, $0x10;
	v29 =	vshll.u32 v6, $0x10;
	v22 =	vadd.f32 v3, v22  }
0x1b7: {  	s22 =	sadd.s32 $0x100, s17;
	v5 =	vld [tilespmem:s17+$0x60];
	v6 =	vand.u32 $0xFFFF0000, v6;
	v14 =	vadd.f32 v14, v25;
	v4 =	vadd.f32 v27, v4  }
0x1b8: {  	v25 =	vld [tilespmem:s22+$0xFFFFFFF0];
	v23 =	vshll.u32 v18, $0x10;
	v18 =	vand.u32 $0xFFFF0000, v18;
	v24 =	vmul.bf16 v24, v26  }
0x1b9: {  	v27 =	vld [tilespmem:s16+$0x40];
	v6 =	vadd.f32 v6, v29;
	v29 =	vshll.u32 v15, $0x10;
	v15 =	vand.u32 $0xFFFF0000, v15  }
0x1ba: {  	vm0 =	veq.s32 v12, v0;
	v26 =	vld [tilespmem:s25+$0xFFFFFF90];
	v18 =	vadd.f32 v18, v23;
	v15 =	vadd.f32 v15, v29  }
0x1bb: {  	v23 =	vld [tilespmem:s22+$0x20];
	v13 =	vmul.bf16 v17, v13;
	v17 =	vshll.u32 v24, $0x10;
	v2 =	vadd.f32 v2, v4  }
0x1bc: {  	v29 =	vld [tilespmem:s22+$0xFFFFFF80];
	v4 =	vadd.f32 v16, v14;
	v18 =	vadd.f32 v18, v6;
	v6 =	vmul.bf16 v21, v20  }
0x1bd: {  	v14 =	vld [tilespmem:s22+$0xFFFFFFE0];
	v20 =	vand.u32 $0xFFFF0000, v24;
	v11 =	vadd.f32 v15, v11;
	v3 =	vand.u32 $0xFFFF0000, v13  }
0x1be: {  	v5 =	vmul.bf16 v19, v5;
	v19 =	vld [tilespmem:s25+$0xFFFFFFE0];
	v2 =	vadd.f32 v4, v2;
	v25 =	vmul.bf16 v31, v25  }
0x1bf: {  	v16 =	vmul.bf16 v27, v28;
	v21 =	vand.u32 $0xFFFF0000, v6;
	v27 =	vld [tilespmem:s25+$0xFFFFFFC0];
	v4 =	vshll.u32 v6, $0x10  }
0x1c0: {  	s24 =	simm.s32 $0x5;
	v6 =	vshll.u32 v13, $0x10;
	v13 =	vld [tilespmem:s22+$0xFFFFFFC0];
	v24 =	vshll.u32 v5, $0x10;
	v5 =	vand.u32 $0xFFFF0000, v5  }
0x1c1: {  	(xrf2) =	vadd.scan.msk.f32 $0xffff, v2;
	v2 =	vmov s24;
	v3 =	vadd.f32 v3, v6;
	v4 =	vadd.f32 v21, v4;
	v21 =	vld [tilespmem:s22+$0xFFFFFFB0]  }
0x1c2: {  	v28 =	vshll.u32 v16, $0x10;
	v16 =	vand.u32 $0xFFFF0000, v16;
	v5 =	vadd.f32 v5, v24;
	v24 =	vld [tilespmem:s25+$0xFFFFFFD0]  }
0x1c3: {  	v6 =	vadd.f32 v20, v17;
	v17 =	vshll.u32 v25, $0x10;
	v16 =	vadd.f32 v16, v28;
	v28 =	vld [tilespmem:s25+$0xFFFFFFA0]  }
0x1c4: {  	v20 =	vand.u32 $0xFFFF0000, v25;
	v23 =	vmul.bf16 v30, v23;
	v14 =	vmul.bf16 v19, v14;
	v19 =	vld [tilespmem:s25+$0xFFFFFFB0]  }
0x1c5: {  	v15 =	vadd.f32 v6, v22;
	v5 =	vadd.f32 v3, v5;
	v13 =	vmul.bf16 v27, v13;
	v27 =	vld [tilespmem:s25+$0xFFFFFF80]  }
0x1c6: {  	s26 =	simm.s32 $0x6;
	v4 =	vadd.f32 v4, v16;
	v16 =	vld [tilespmem:s22+$0xFFFFFF90];
	v25 =	vshll.u32 v14, $0x10;
	v14 =	vand.u32 $0xFFFF0000, v14  }
0x1c7: {  	v22 =	vld [tilespmem:s22+$0xFFFFFFD0];
	v3 =	vmov s26;
	v62 =	vadd.f32 v15, v18;
	v14 =	vadd.f32 v14, v25  }
0x1c8: {  	s29 =	simm.s32 $0x7;
	v18 =	vld [tilespmem:s22+$0x10];
	v25 =	vand.u32 $0xFFFF0000, v13;
	v6 =	vshll.u32 v13, $0x10;
	v13 =	vadd.f32 v20, v17  }
0x1c9: {  	v17 =	vadd.f32 v5, v4;
	v20 =	vld [tilespmem:s22+$0xFFFFFFA0];
	v4 =	vmov s29;
	v6 =	vadd.f32 v25, v6  }
0x1ca: {  	v25 =	vld [tilespmem:s22+$0x0];
	v15 =	vmul.bf16 v19, v21;
	v5 =	vadd.f32 v13, v14;
	v21 =	vadd.f32 v10, v11  }
0x1cb: {  	(xrf2) =	vadd.scan.msk.f32 $0xffff, v17;
	v17 =	vmov s15;
	v10 =	vmul.bf16 v27, v29;
	v12 =	vmul.bf16 v26, v16;
	v16 =	vld [tilespmem:s25+$0x10]  }
0x1cc: {  	v19 =	vld [tilespmem:s25+$0x0];
	vm1 =	veq.s32 v17, v0;
	v17 =	vmul.bf16 v24, v22;
	v22 =	vand.u32 $0xFFFF0000, v23;
	v11, _, _ =	vpop (xrf2)  }
0x1cd: {  	v26 =	vld [tilespmem:s22+$0x30];
	v13 =	vand.u32 $0xFFFF0000, v15;
	v14 =	vshll.u32 v15, $0x10;
	(xrf2) =	vadd.scan.msk.f32 $0xffff, v21;
	v15 =	vbroadcast v11, $0xF  }
0x1ce: {  	v29 =	vld [tilespmem:s25+$0x30];
	v11 =	vand.u32 $0xFFFF0000, v10;
	v10 =	vshll.u32 v10, $0x10;
	v27 =	vshll.u32 v12, $0x10  }
0x1cf: {  	v24 =	vld [tilespmem:s22+$0x70];
	v28 =	vmul.bf16 v28, v20;
	v11 =	vadd.f32 v11, v10;
	v10 =	vadd.f32 v13, v14  }
0x1d0: {  	v21 =	vld [tilespmem:s25+$0x40];
	(xrf2) =	vadd.scan.msk.f32 $0xffff, v62;
	v13 =	vshll.u32 v23, $0x10;
	v14 =	vand.u32 $0xFFFF0000, v12;
	v18 =	vmul.bf16 v16, v18  }
0x1d1: {  	v20 =	vld [tilespmem:s25+$0x50];
	v9 =	vsel vm1, v15, v9;
	v15 =	vshll.u32 v28, $0x10;
	v25 =	vmul.bf16 v19, v25  }
0x1d2: {  	v12 =	vld [tilespmem:s25+$0x60];
	v14 =	vadd.f32 v14, v27;
	vm1 =	veq.s32 v8, v0;
	v8 =	vshll.u32 v18, $0x10  }
0x1d3: {  	v23 =	vld [tilespmem:s22+$0x50];
	v19 =	vmul.bf16 v29, v26;
	v26 =	vand.u32 $0xFFFF0000, v28;
	v27 =	vshll.u32 v25, $0x10  }
0x1d4: {  	v16 =	vld [tilespmem:s22+$0x60];
	v29 =	vand.u32 $0xFFFF0000, v25;
	v7 =	vand.u32 $0xFFFF0000, v18;
	v18 =	vmul.bf16 v63, v24  }
0x1d5: {  	s23 =	simm.s32 $0x4;
	s24 =	simm.s32 $0x8;
	s25 =	sadd.s32 $0x100, s25;
	v27 =	vadd.f32 v29, v27;
	v24 =	vld [tilespmem:s22+$0x40];
	v25 =	vadd.f32 v7, v8;
	v7 =	vshll.u32 v19, $0x10;
	v8, _, _ =	vpop (xrf2)  }
.LBB2_13:
0x1d6: {  	p2 =	slt.u32 s24, $0xC  }
0x1d7: {  	v28 =	vld [tilespmem:s25+$0xFFFFFF90];
	v29 =	vshll.u32 v17, $0x10;
	v17 =	vand.u32 $0xFFFF0000, v17;
	v30 =	vand.u32 $0xFFFF0000, v18;
	s22 =	sadd.s32 $0x100, s22;
	v31, _, _ =	vpop (xrf2);
	s1 =	smov.u32 s24;
	s24 =	sadd.s32 $0x4, s24  }
0x1d8: {  	v13 =	vadd.f32 v22, v13;
	v32 =	vld [tilespmem:s22+$0x20];
	v22 =	vadd.f32 v25, v27;
	v25 =	vbroadcast v31, $0xF  }
0x1d9: {  	v15 =	vadd.f32 v26, v15;
	v19 =	vand.u32 $0xFFFF0000, v19;
	v27 =	vld [tilespmem:s25+$0x20];
	v20 =	vmul.bf16 v20, v23  }
0x1da: {  	v11 =	vadd.f32 v14, v11;
	v12 =	vmul.bf16 v12, v16;
	v8 =	vbroadcast v8, $0xF;
	v23 =	vld [tilespmem:s25+$0xFFFFFFF0];
	v14, _, _ =	vpop (xrf2)  }
0x1db: {  	v10 =	vadd.f32 v10, v15;
	v9 =	vsel vm2, v25, v9;
	v16 =	vld [tilespmem:s22+$0xFFFFFFF0];
	v15 =	vmul.bf16 v21, v24  }
0x1dc: {  	v25 =	vshll.u32 v12, $0x10;
	v24 =	vand.u32 $0xFFFF0000, v20;
	v14 =	vbroadcast v14, $0xF;
	v21 =	vld [tilespmem:s25+$0xFFFFFFE0]  }
0x1dd: {  	v18 =	vshll.u32 v18, $0x10;
	v10 =	vadd.f32 v10, v11;
	v11 =	vshll.u32 v20, $0x10;
	v26 =	vld [tilespmem:s22+$0xFFFFFFE0]  }
0x1de: {  	v31 =	vshll.u32 v15, $0x10;
	v15 =	vand.u32 $0xFFFF0000, v15;
	v9 =	vsel vm1, v14, v9;
	v20 =	vld [tilespmem:s25+$0xFFFFFFC0]  }
0x1df: {  	v17 =	vadd.f32 v17, v29;
	v12 =	vand.u32 $0xFFFF0000, v12;
	v15 =	vadd.f32 v15, v31;
	v14 =	vld [tilespmem:s22+$0xFFFFFFC0]  }
0x1e0: {  	s4 =	sadd.s32 $0x1, s1;
	v12 =	vadd.f32 v12, v25;
	v8 =	vsel vm0, v8, v9;
	v29 =	vld [tilespmem:s22+$0xFFFFFF80];
	v16 =	vmul.bf16 v23, v16  }
0x1e1: {  	v7 =	vadd.f32 v19, v7;
	v18 =	vadd.f32 v30, v18;
	v23 =	vmov s4;
	v9 =	vld [tilespmem:s25+$0xFFFFFFA0];
	(xrf2) =	vadd.scan.msk.f32 $0xffff, v10  }
0x1e2: {  	v11 =	vadd.f32 v24, v11;
	s4 =	sadd.s32 $0x2, s1;
	v19 =	vld [tilespmem:s25+$0xFFFFFFD0];
	v10 =	vmul.bf16 v21, v26;
	v21 =	vshll.u32 v16, $0x10  }
0x1e3: {  	v12 =	vadd.f32 v18, v12;
	v25 =	vmov s4;
	v16 =	vand.u32 $0xFFFF0000, v16;
	v24 =	vld [tilespmem:s25+$0xFFFFFFB0]  }
0x1e4: {  	s4 =	sadd.s32 $0x3, s1;
	v18 =	vld [tilespmem:s22+$0xFFFFFFB0];
	v14 =	vmul.bf16 v20, v14;
	v20 =	vshll.u32 v10, $0x10;
	v10 =	vand.u32 $0xFFFF0000, v10  }
0x1e5: {  	v11 =	vadd.f32 v11, v15;
	v26 =	vld [tilespmem:s25+$0xFFFFFF80];
	v10 =	vadd.f32 v10, v20;
	v20 =	vmov s4  }
0x1e6: {  	v17 =	vadd.f32 v17, v6;
	v7 =	vadd.f32 v7, v13;
	v15 =	vld [tilespmem:s22+$0xFFFFFF90];
	v30 =	vand.u32 $0xFFFF0000, v14  }
0x1e7: {  	v11 =	vadd.f32 v12, v11;
	v6 =	vshll.u32 v14, $0x10;
	v14 =	vadd.f32 v16, v21;
	v13 =	vld [tilespmem:s22+$0xFFFFFFD0]  }
0x1e8: {  	v7 =	vadd.f32 v7, v22;
	v6 =	vadd.f32 v30, v6;
	v12 =	vld [tilespmem:s22+$0xFFFFFFA0]  }
0x1e9: {  	v17 =	vadd.f32 v5, v17;
	v5 =	vadd.f32 v14, v10;
	v16 =	vmul.bf16 v24, v18;
	v18 =	vld [tilespmem:s22+$0x10]  }
0x1ea: {  	v21 =	vld [tilespmem:s25+$0x0];
	(xrf2) =	vadd.scan.msk.f32 $0xffff, v11  }
0x1eb: {  	vm0 =	veq.s32 v4, v0;
	v10 =	vmul.bf16 v26, v29;
	v14 =	vand.u32 $0xFFFF0000, v16;
	v22 =	vld [tilespmem:s22+$0x0];
	v4, _, _ =	vpop (xrf2)  }
0x1ec: {  	v15 =	vmul.bf16 v28, v15;
	v16 =	vshll.u32 v16, $0x10;
	v24 =	vld [tilespmem:s25+$0x10];
	v26 =	vbroadcast v4, $0xF;
	v4 =	vmovc v20  }
0x1ed: {  	v28 =	vmov s23;
	s23 =	smov.u32 s1;
	v11 =	vand.u32 $0xFFFF0000, v10;
	v20 =	vmul.bf16 v27, v32;
	v27 =	vld [tilespmem:s22+$0x30];
	(xrf2) =	vadd.scan.msk.f32 $0xffff, v17  }
0x1ee: {  	v10 =	vshll.u32 v10, $0x10;
	v29 =	vshll.u32 v15, $0x10;
	v30 =	vmul.bf16 v9, v12;
	v31 =	vld [tilespmem:s25+$0x30]  }
0x1ef: {  	vm1 =	veq.s32 v28, v0;
	v11 =	vadd.f32 v11, v10;
	v10 =	vadd.f32 v14, v16;
	v32 =	vld [tilespmem:s25+$0x70]  }
0x1f0: {  	v17 =	vmul.bf16 v19, v13;
	v13 =	vshll.u32 v20, $0x10;
	v9 =	vsel vm1, v26, v8;
	v28 =	vld [tilespmem:s22+$0x70];
	(xrf2) =	vadd.scan.msk.f32 $0xffff, v7  }
0x1f1: {  	v7 =	vand.u32 $0xFFFF0000, v15;
	v15 =	vshll.u32 v30, $0x10;
	v26 =	vmul.bf16 v24, v18;
	v12 =	vld [tilespmem:s25+$0x60]  }
.Ltmp7:
0x1f2: {  	vm1 =	veq.s32 v3, v0;
	v3 =	vmovc v25;
	v14 =	vadd.f32 v7, v29;
	v7 =	vmul.bf16 v21, v22;
	v16 =	vld [tilespmem:s22+$0x60];
	(pc) =	sbr.rel @p2 .LBB2_13-.Ltmp7, $4  }
0x1f3: {  	vm2 =	veq.s32 v2, v0;
	v2 =	vmovc v23;
	v22 =	vand.u32 $0xFFFF0000, v20;
	v18 =	vshll.u32 v26, $0x10;
	v20 =	vld [tilespmem:s25+$0x50]  }
0x1f4: {  	v24 =	vshll.u32 v7, $0x10;
	v21 =	vand.u32 $0xFFFF0000, v26;
	v19 =	vmul.bf16 v31, v27;
	v23 =	vld [tilespmem:s22+$0x50];
	v8, _, _ =	vpop (xrf2)  }
0x1f5: {  	v27 =	vand.u32 $0xFFFF0000, v7;
	v25 =	vadd.f32 v21, v18;
	v21 =	vld [tilespmem:s25+$0x40];
	v18 =	vmul.bf16 v32, v28  }
0x1f6: {  	v26 =	vand.u32 $0xFFFF0000, v30;
	v27 =	vadd.f32 v27, v24;
	v7 =	vshll.u32 v19, $0x10;
	s25 =	sadd.s32 $0x100, s25;
	v24 =	vld [tilespmem:s22+$0x40]  }
0x1f7: {  	v28 =	vshll.u32 v17, $0x10;
	v47 =	vand.u32 $0xFFFF0000, v17  }
0x1f8: {  	v29 =	vand.u32 $0xFFFF0000, v18;
	v13 =	vadd.f32 v22, v13;
	v15 =	vadd.f32 v26, v15  }
0x1f9: {  	v12 =	vmul.bf16 v12, v16;
	v11 =	vadd.f32 v14, v11;
	v51 =	vshll.u32 v18, $0x10  }
0x1fa: {  	v48 =	vadd.f32 v25, v27;
	v18 =	vadd.f32 v29, v51;
	v20 =	vmul.bf16 v20, v23  }
0x1fb: {  	v16 =	vshll.u32 v12, $0x10;
	v12 =	vand.u32 $0xFFFF0000, v12;
	v49 =	vmul.bf16 v21, v24  }
0x1fc: {  	v10 =	vadd.f32 v10, v15;
	v12 =	vadd.f32 v12, v16;
	v50 =	vand.u32 $0xFFFF0000, v20  }
0x1fd: {  	v20 =	vshll.u32 v20, $0x10;
	v21 =	vshll.u32 v49, $0x10;
	v14 =	vand.u32 $0xFFFF0000, v49  }
0x1fe: {  	v52 =	vand.u32 $0xFFFF0000, v19;
	v15 =	vadd.f32 v50, v20;
	v14 =	vadd.f32 v14, v21  }
0x1ff: {  	v17 =	vadd.f32 v47, v28;
	v7 =	vadd.f32 v52, v7  }
0x200: {  	v12 =	vadd.f32 v18, v12;
	v14 =	vadd.f32 v15, v14  }
0x201: {  	v6 =	vadd.f32 v17, v6;
	v10 =	vadd.f32 v10, v11  }
0x202: {  	v7 =	vadd.f32 v7, v13;
	v53 =	vadd.f32 v12, v14  }
0x203: {  	v5 =	vadd.f32 v5, v6;
	(xrf2) =	vadd.scan.msk.f32 $0xffff, v10  }
0x204: {  	v54 =	vadd.f32 v7, v48;
	(xrf2) =	vadd.scan.msk.f32 $0xffff, v53  }
0x205: {  	(xrf2) =	vadd.scan.msk.f32 $0xffff, v5  }
0x206: {  	(xrf2) =	vadd.scan.msk.f32 $0xffff, v54;
	_ =	sdelay $0x4  }
0x207: {  	v55, _, _ =	vpop (xrf2)  }
0x208: {  	v56, _, _ =	vpop (xrf2);
	v5 =	vbroadcast v55, $0xF  }
0x209: {  	v6 =	vbroadcast v56, $0xF;
	v57, _, _ =	vpop (xrf2)  }
0x20a: {  	v8 =	vbroadcast v8, $0xF;
	v5 =	vsel vm2, v5, v9;
	v58, _, _ =	vpop (xrf2)  }
0x20b: {  	v60 =	vmov s23;
	s1 =	sshll.u32 s19, $0x4;
	s19 =	sadd.s32 $0x1, s19;
	v5 =	vsel vm1, v6, v5;
	v59 =	vbroadcast v57, $0xF;
	v61, _, _ =	vpop (xrf2)  }
0x20c: {  	vm12 =	veq.s32 v60, v0;
	p2 =	sne.s32 s19, $0x5;
	v5 =	vsel vm0, v8, v5;
	v62 =	vbroadcast v61, $0xF;
	v63, _, _ =	vpop (xrf2)  }
.Ltmp8:
0x20d: {  	vm13 =	veq.s32 v2, v0;
	v5 =	vsel vm12, v59, v5;
	v2 =	vbroadcast v63, $0xF;
	(pc) =	sbr.rel @p2 .LBB2_12-.Ltmp8, $4  }
0x20e: {  	vm14 =	veq.s32 v3, v0;
	v3 =	vbroadcast v58, $0xF;
	v5 =	vsel vm13, v62, v5  }
0x20f: {  	vm15 =	veq.s32 v4, v0;
	v2 =	vsel vm14, v2, v5  }
0x210: {  	s1 =	sand.u32 $0x3FFFFFF0, s1;
	v2 =	vsel vm15, v3, v2  }
0x211: {  	s16 =	sadd.s32 $0x400, s16;
	s17 =	sadd.s32 $0x400, s17;
	[tilespmem:v1+s1+$0x0 ss:$0x1] =	vst.idx.msk $0xffff, v2  }
0x212: {  	s1 =	simm.s32 @!p1 $0x3  }
0x213: {  	_ =	swait.ge @!p1 [sflag:s1], $0x50  }
0x214: {  	[sflag:s1] =	ssyncset.done @!p1 $0x0  }
0x215: {  	[sflag:s1] =	ssyncadd.s32 @!p1 $0xFFFFFFB0  }
0x216: {  	_ =	swait.ge @!p1 [sflag:s1], $0x50  }
0x217: {  	s4 =	simm.s32 @!p1 $0x139C0;
	[sflag:s1] =	ssyncset.done @!p1 $0x0  }
0x218: {  	s15 =	simm.s32 @!p1 $0x18A60;
	[sflag:s1] =	ssyncadd.s32 @!p1 $0xFFFFFFB0;
	s1 =	simm.s32 @!p1 $0x50  }
0x219: {  	[tilespmem:s15], [sflag:$0x6] =	stream.indirect.gather @!p1 [spmem:s2], $0x40, s4, s1, $0xb8;
	[tilespmem:$0x1D970] =	vst v63  }
0x21a: {  	s14 =	sadd.s32 $0x1, s14;
	s4 =	simm.s32 @!p1 $0x13A10;
	s15 =	simm.s32 @!p1 $0x19E60  }
0x21b: {  	[tilespmem:s15], [sflag:$0x6] =	stream.indirect.gather @!p1 [spmem:s3], $0x40, s4, s1, $0xb8;
	[tilespmem:$0x1D970] =	vst v63  }
0x21c: {  	p1 =	sne.s32 s14, $0x2A  }
.Ltmp9:
0x21d: {  	_ = 	snop;
	(pc) =	sbr.rel @p1 .LBB2_2-.Ltmp9, $4  }
.Ltmp10:
0x21e: {  	_ = 	snop;
	(pc) =	sbr.rel @!p1 .LBB2_16-.Ltmp10, $4  }
0x21f: {  	_ = 	snop  }
0x220: {  	_ = 	snop  }
0x221: {  	_ = 	snop  }
0x222: {  	_ = 	snop  }
.LBB2_17:
0x223: {  	_ =	sfence.sel $0x180000  }
0x224: {  	[bflag:$0x0] =	sbarrier.arrive $0xFFFF  }
0x225: {  	_ =	strace $0x90000047  }
0x226: {  	s0 =	stileid.u32;
	[bflag:$0x2] =	sbarrier.arrive $0xFFFF  }
0x227: {  	p0 =	sne.s32 s0, $0x0;
	s0 =	rddreg [dreg:$0x4]  }
0x228: {  	s0 =	sadd.s32 @!p0 $0x100000, s0  }
0x229: {  	[sflag:s0] =	ssyncadd.tile.s32 @!p0 $0x1;
	_ =	shalt  }
.Lfunc_end2:
_tile_overlayer_lowered:
.L_overlay_start_2:
0x22a: {  	(tag) =	ssettag $0x2  }
0x22b: {  	s0 =	rddreg [dreg:$0x0];
	s2 =	stileid.u32  }
0x22c: {  	s1 =	rddreg [dreg:$0x1];
	p0 =	sne.s32 s2, $0x0  }
0x22d: {  	s3 =	rddreg [dreg:$0x2];
	[bflag:$0x3] =	sbarrier.arrive $0xFFFF;
	s2 =	simm.s32 @!p0 $0x1C07  }
0x22e: {  	[timem:s3], [sflag:s2] =	dma.local @!p0 [hbm:s0], s1  }
0x22f: {  	s0 =	simm.s32 @!p0 $0x7  }
0x230: {  	_ =	swait.ge @!p0 [sflag:s0], s1  }
0x231: {  	s1 =	ssub.s32 @!p0 $0x0, s1;
	[sflag:s0] =	ssyncset.done @!p0 $0x0  }
0x232: {  	[sflag:s0] =	ssyncadd.s32 @!p0 s1  }
0x233: {  	[bflag:$0x3] =	sbarrier.arrive $0xFFFF  }
0x234: {  	_ =	shalt  }

</sc_bundles>
